<compile_context>
chip_gen: v7x
topology: tpu7x:2x2x1
jax: 0.10.2.dev20260603
libtpu: 0.0.44.dev20260713+nightly
codegen_flags: <defaults>
</compile_context>

<pallas_src>
import jax
import jax.numpy as jnp
from jax import lax
from jax.experimental import pallas as pl
from jax.experimental.pallas import tpu as pltpu
from jax.experimental.pallas import tpu_sc as plsc

B = 64
SEQ = 8192
VOCAB = 128256
SEQ_R = SEQ // 128
NC, NS, LANES = 2, 16, 16
NW = NC * NS
RPW = B // NW
CHUNK = 21376


def _sc_fill_body(tc_out, zero_v, sem):
    c = lax.axis_index("c")
    s = lax.axis_index("s")
    w = c * NS + s

    zvec = jnp.zeros((LANES,), jnp.float32)

    def _zero_fill(i, carry):
        for u in range(8):
            zero_v[pl.ds(i * 128 + u * LANES, LANES)] = zvec
        return carry

    lax.fori_loop(0, CHUNK // 128, _zero_fill, 0)

    handles = []
    for j in range(RPW):
        b = w * RPW + j
        for k in range(VOCAB // CHUNK):
            handles.append(pltpu.async_copy(
                zero_v, tc_out.at[pl.ds(b * VOCAB + k * CHUNK, CHUNK)], sem))
    for h in handles:
        h.wait()


_sc_fill = pl.kernel(
    _sc_fill_body,
    out_type=jax.ShapeDtypeStruct((B * VOCAB,), jnp.float32),
    mesh=plsc.VectorSubcoreMesh(
        core_axis_name="c", subcore_axis_name="s",
        num_cores=NC, num_subcores=NS),
    scratch_types=[
        pltpu.VMEM((CHUNK,), jnp.float32),
        pltpu.SemaphoreType.DMA,
    ],
)


GEN_RB = 8


def _tc_gen_body(tok_v, lt_v, gi_v, am_o, gt_o, gts_o,
                 lti_o, gio_o, tok_o):
    i = pl.program_id(0)
    rowio = lax.broadcasted_iota(jnp.int32, (B, GEN_RB, 128), 1) + i * GEN_RB
    flat = rowio * 128 + lax.broadcasted_iota(jnp.int32, (B, GEN_RB, 128), 2)
    ac = jnp.minimum(lt_v[...] + 1, SEQ - 1)
    gc = gi_v[...]
    t_col = tok_v[...]
    tok_f = t_col.astype(jnp.float32)
    am_o[...] = jnp.where(flat == ac[:, None, None], 1.0, 0.0)
    g_hot = jnp.where(flat == gc[:, None, None], tok_f[:, None, None], 0.0)
    gt_o[...] = g_hot
    gts_o[...] = g_hot

    lti_o[...] = ac
    gio_o[...] = jnp.minimum(gc + 1, SEQ - 1)
    tok_o[...] = t_col


def _tc_gen(tok, lt, gi):
    vec = pl.BlockSpec((B,), lambda i: (0,))
    blk = pl.BlockSpec((B, GEN_RB, 128), lambda i: (0, i, 0))
    return pl.pallas_call(
        _tc_gen_body,
        grid=(SEQ_R // GEN_RB,),
        in_specs=[vec, vec, vec],
        out_specs=[blk, blk, blk, vec, vec, vec],
        out_shape=(
            jax.ShapeDtypeStruct((B, SEQ_R, 128), jnp.float32),
            jax.ShapeDtypeStruct((B, SEQ_R, 128), jnp.float32),
            jax.ShapeDtypeStruct((B, SEQ_R, 128), jnp.float32),
            jax.ShapeDtypeStruct((B,), jnp.int32),
            jax.ShapeDtypeStruct((B,), jnp.int32),
            jax.ShapeDtypeStruct((B,), jnp.int32),
        ),
    )(tok, lt, gi)


def _tc_land_body(tok_s, tok_v, tc_in, tc_o, stage, sem):
    lanes = lax.broadcasted_iota(jnp.int32, (B, 128), 1)
    t_col = tok_v[...]
    t_hot = jnp.where(lanes == t_col[:, None] % 128, 1.0, 0.0)
    for b in range(B):
        stage[pl.ds(b * 128, 128)] = t_hot[b]

    handles = []
    for b in range(B):
        tcv = tok_s[b]
        handles.append(pltpu.async_copy(
            stage.at[pl.ds(b * 128, 128)],
            tc_o.at[pl.ds(b * VOCAB + (tcv // 128) * 128, 128)], sem))
    for h in handles:
        h.wait()


def _tc_land(tok, tc0):
    big = pl.BlockSpec(memory_space=pltpu.HBM)
    smem = pl.BlockSpec(memory_space=pltpu.SMEM)
    vmem = pl.BlockSpec(memory_space=pltpu.VMEM)
    return pl.pallas_call(
        _tc_land_body,
        in_specs=[smem, vmem, big],
        out_specs=big,
        out_shape=jax.ShapeDtypeStruct((B * VOCAB,), jnp.float32),
        input_output_aliases={2: 0},
        scratch_shapes=[
            pltpu.VMEM((B * 128,), jnp.float32),
            pltpu.SemaphoreType.DMA,
        ],
    )(tok, tok, tc0)


def kernel(tokens, last_token_index, attention_mask, generated_tokens,
           generated_tokens_streaming, generated_index, token_count):
    tok = tokens.reshape(B)
    lt = last_token_index.reshape(B)
    gi0 = generated_index.reshape(B)
    tc0 = _sc_fill()
    am, gt, gts, lti, gio, tok_o = _tc_gen(tok, lt, gi0)
    tc = _tc_land(tok, tc0)
    return (tok_o.reshape(B, 1),
            lti.reshape(B, 1),
            am.reshape(B, SEQ, 1),
            gt.reshape(B, SEQ, 1),
            gts.reshape(B, SEQ, 1),
            gio.reshape(B, 1),
            tc.reshape(B, VOCAB, 1))

# --- scband reference (transcript-rebuilt; emitter-appended) ---
"""Pipeline reference for scband-postprocess-with-sampling-13640816132357 (READ-ONLY COPY).

The authoritative reference and input builder live on the scoring server;
editing this copy changes nothing except your own understanding.
"""

import jax, jax.numpy as jnp
import numpy as np

BATCH = 64
MAX_SEQ = 8192
VOCAB = 128256


def setup_inputs(seed: int = 0) -> dict:
    key = jax.random.key(seed)
    k1, k2, k3 = jax.random.split(key, 3)
    tokens = jax.random.randint(k1, (BATCH, 1), 0, VOCAB, dtype=jnp.int32)
    last_token_index = jax.random.randint(k2, (BATCH, 1), 0, 8190, dtype=jnp.int32)
    generated_index = jax.random.randint(k3, (BATCH, 1), 0, 8190, dtype=jnp.int32)
    attention_mask = jnp.zeros((BATCH, MAX_SEQ, 1), dtype=jnp.float32)
    generated_tokens = jnp.zeros((BATCH, MAX_SEQ, 1), dtype=jnp.float32)
    generated_tokens_streaming = jnp.zeros((BATCH, MAX_SEQ, 1), dtype=jnp.float32)
    token_count = jnp.zeros((BATCH, VOCAB, 1), dtype=jnp.float32)
    return {
        "tokens": tokens,
        "last_token_index": last_token_index,
        "attention_mask": attention_mask,
        "generated_tokens": generated_tokens,
        "generated_tokens_streaming": generated_tokens_streaming,
        "generated_index": generated_index,
        "token_count": token_count,
    }


def reference(tokens, last_token_index, attention_mask, generated_tokens,
              generated_tokens_streaming, generated_index, token_count):
    # Faithful translation of PostprocessWithSampling.forward_token_gen_length_eq_one
    B = tokens.shape[0]
    max_seq = attention_mask.shape[1]
    b = jnp.arange(B)

    # last_token_index = min(last_token_index + 1, max_seq_length - 1)
    lti = jnp.minimum(last_token_index + 1, max_seq - 1)

    # scatter(attention_mask, ones, last_token_index) -- batched overwrite scatter along seq dim
    am = attention_mask.at[b, lti[:, 0], 0].set(1.0)

    # scatter generated tokens at generated_index (overwrite)
    tok_f = tokens[:, 0].astype(generated_tokens.dtype)
    gt = generated_tokens.at[b, generated_index[:, 0], 0].set(tok_f)
    gts = generated_tokens_streaming.at[b, generated_index[:, 0], 0].set(tok_f)

    # generated_index = min(generated_index + 1, max_seq_length - 1)
    gi = jnp.minimum(generated_index + 1, max_seq - 1)

    # update_token_count: scatter-add of ones at token-id positions (rmw_op='kAdd')
    tc = token_count.at[b, tokens[:, 0], 0].add(1.0)

    return (tokens, lti, am, gt, gts, gi, tc)

if __name__ == "__main__":
    import jax
    _d = setup_inputs()
    print(jax.jit(kernel)(*tuple(_d.values())))

</pallas_src>

<mosaic_0001>
#map = affine_map<(d0, d1) -> (0)>
module attributes {stable_mosaic.version = 14 : i64} {
  func.func @_sc_fill_body(%arg0: i32, %arg1: i32, %arg2: memref<8208384xf32, #tpu.memory_space<hbm>>, %arg3: memref<21376xf32, #tpu.memory_space<vmem>>, %arg4: memref<!tpu.dma_semaphore, #tpu.memory_space<semaphore_mem>>) attributes {dimension_semantics = [#tpu.dimension_semantics<core_parallel>, #tpu.dimension_semantics<subcore_parallel>], iteration_bounds = array<i64: 2, 16>, scalar_prefetch = 0 : i64, scratch_operands = 2 : i64, tpu.core_type = #tpu.core_type<sc_vector_subcore>, window_params = [{transform_indices = #map}]} {
    %mul3A = arith.constant 16 : i32
    %mul3A_0 = arith.muli %arg0, %mul3A : i32
    %add3A = arith.addi %mul3A_0, %arg1 : i32
    %broadcast_in_dim3A = arith.constant 0.000000e+00 : f32
    %broadcast_in_dim3A_1 = vector.broadcast %broadcast_in_dim3A : f32 to vector<16xf32>
    %scan3A = arith.constant 0 : i32
    %scan3A_2 = arith.constant 0 : i32
    %scan3A_3 = arith.constant 167 : i32
    %scan3A_4 = arith.addi %scan3A_2, %scan3A_3 : i32
    %scan3A_5 = arith.constant 1 : i32
    scf.for %scan3A_109 = %scan3A_2 to %scan3A_4 step %scan3A_5  : i32 {
      %mul3A_110 = arith.constant 128 : i32
      %mul3A_111 = arith.muli %scan3A_109, %mul3A_110 : i32
      %add3A_112 = arith.constant 0 : i32
      %add3A_113 = arith.addi %mul3A_111, %add3A_112 : i32
      %swap3A = arith.index_cast %add3A_113 : i32 to index
      %swap3A_114 = tpu.vector_load %arg3[%swap3A] {strides = array<i32>} : memref<21376xf32, #tpu.memory_space<vmem>>, vector<16xf32>,
      %swap3A_115 = vector.shape_cast %swap3A_114 : vector<16xf32> to vector<16xf32>
      %swap3A_116 = vector.shape_cast %broadcast_in_dim3A_1 : vector<16xf32> to vector<16xf32>
      tpu.vector_store %arg3[%swap3A], %swap3A_116 {strides = array<i32>} : memref<21376xf32, #tpu.memory_space<vmem>>, vector<16xf32>,
      %mul3A_117 = arith.constant 128 : i32
      %mul3A_118 = arith.muli %scan3A_109, %mul3A_117 : i32
      %add3A_119 = arith.constant 16 : i32
      %add3A_120 = arith.addi %mul3A_118, %add3A_119 : i32
      %swap3A_121 = arith.index_cast %add3A_120 : i32 to index
      %swap3A_122 = tpu.vector_load %arg3[%swap3A_121] {strides = array<i32>} : memref<21376xf32, #tpu.memory_space<vmem>>, vector<16xf32>,
      %swap3A_123 = vector.shape_cast %swap3A_122 : vector<16xf32> to vector<16xf32>
      %swap3A_124 = vector.shape_cast %broadcast_in_dim3A_1 : vector<16xf32> to vector<16xf32>
      tpu.vector_store %arg3[%swap3A_121], %swap3A_124 {strides = array<i32>} : memref<21376xf32, #tpu.memory_space<vmem>>, vector<16xf32>,
      %mul3A_125 = arith.constant 128 : i32
      %mul3A_126 = arith.muli %scan3A_109, %mul3A_125 : i32
      %add3A_127 = arith.constant 32 : i32
      %add3A_128 = arith.addi %mul3A_126, %add3A_127 : i32
      %swap3A_129 = arith.index_cast %add3A_128 : i32 to index
      %swap3A_130 = tpu.vector_load %arg3[%swap3A_129] {strides = array<i32>} : memref<21376xf32, #tpu.memory_space<vmem>>, vector<16xf32>,
      %swap3A_131 = vector.shape_cast %swap3A_130 : vector<16xf32> to vector<16xf32>
      %swap3A_132 = vector.shape_cast %broadcast_in_dim3A_1 : vector<16xf32> to vector<16xf32>
      tpu.vector_store %arg3[%swap3A_129], %swap3A_132 {strides = array<i32>} : memref<21376xf32, #tpu.memory_space<vmem>>, vector<16xf32>,
      %mul3A_133 = arith.constant 128 : i32
      %mul3A_134 = arith.muli %scan3A_109, %mul3A_133 : i32
      %add3A_135 = arith.constant 48 : i32
      %add3A_136 = arith.addi %mul3A_134, %add3A_135 : i32
      %swap3A_137 = arith.index_cast %add3A_136 : i32 to index
      %swap3A_138 = tpu.vector_load %arg3[%swap3A_137] {strides = array<i32>} : memref<21376xf32, #tpu.memory_space<vmem>>, vector<16xf32>,
      %swap3A_139 = vector.shape_cast %swap3A_138 : vector<16xf32> to vector<16xf32>
      %swap3A_140 = vector.shape_cast %broadcast_in_dim3A_1 : vector<16xf32> to vector<16xf32>
      tpu.vector_store %arg3[%swap3A_137], %swap3A_140 {strides = array<i32>} : memref<21376xf32, #tpu.memory_space<vmem>>, vector<16xf32>,
      %mul3A_141 = arith.constant 128 : i32
      %mul3A_142 = arith.muli %scan3A_109, %mul3A_141 : i32
      %add3A_143 = arith.constant 64 : i32
      %add3A_144 = arith.addi %mul3A_142, %add3A_143 : i32
      %swap3A_145 = arith.index_cast %add3A_144 : i32 to index
      %swap3A_146 = tpu.vector_load %arg3[%swap3A_145] {strides = array<i32>} : memref<21376xf32, #tpu.memory_space<vmem>>, vector<16xf32>,
      %swap3A_147 = vector.shape_cast %swap3A_146 : vector<16xf32> to vector<16xf32>
      %swap3A_148 = vector.shape_cast %broadcast_in_dim3A_1 : vector<16xf32> to vector<16xf32>
      tpu.vector_store %arg3[%swap3A_145], %swap3A_148 {strides = array<i32>} : memref<21376xf32, #tpu.memory_space<vmem>>, vector<16xf32>,
      %mul3A_149 = arith.constant 128 : i32
      %mul3A_150 = arith.muli %scan3A_109, %mul3A_149 : i32
      %add3A_151 = arith.constant 80 : i32
      %add3A_152 = arith.addi %mul3A_150, %add3A_151 : i32
      %swap3A_153 = arith.index_cast %add3A_152 : i32 to index
      %swap3A_154 = tpu.vector_load %arg3[%swap3A_153] {strides = array<i32>} : memref<21376xf32, #tpu.memory_space<vmem>>, vector<16xf32>,
      %swap3A_155 = vector.shape_cast %swap3A_154 : vector<16xf32> to vector<16xf32>
      %swap3A_156 = vector.shape_cast %broadcast_in_dim3A_1 : vector<16xf32> to vector<16xf32>
      tpu.vector_store %arg3[%swap3A_153], %swap3A_156 {strides = array<i32>} : memref<21376xf32, #tpu.memory_space<vmem>>, vector<16xf32>,
      %mul3A_157 = arith.constant 128 : i32
      %mul3A_158 = arith.muli %scan3A_109, %mul3A_157 : i32
      %add3A_159 = arith.constant 96 : i32
      %add3A_160 = arith.addi %mul3A_158, %add3A_159 : i32
      %swap3A_161 = arith.index_cast %add3A_160 : i32 to index
      %swap3A_162 = tpu.vector_load %arg3[%swap3A_161] {strides = array<i32>} : memref<21376xf32, #tpu.memory_space<vmem>>, vector<16xf32>,
      %swap3A_163 = vector.shape_cast %swap3A_162 : vector<16xf32> to vector<16xf32>
      %swap3A_164 = vector.shape_cast %broadcast_in_dim3A_1 : vector<16xf32> to vector<16xf32>
      tpu.vector_store %arg3[%swap3A_161], %swap3A_164 {strides = array<i32>} : memref<21376xf32, #tpu.memory_space<vmem>>, vector<16xf32>,
      %mul3A_165 = arith.constant 128 : i32
      %mul3A_166 = arith.muli %scan3A_109, %mul3A_165 : i32
      %add3A_167 = arith.constant 112 : i32
      %add3A_168 = arith.addi %mul3A_166, %add3A_167 : i32
      %swap3A_169 = arith.index_cast %add3A_168 : i32 to index
      %swap3A_170 = tpu.vector_load %arg3[%swap3A_169] {strides = array<i32>} : memref<21376xf32, #tpu.memory_space<vmem>>, vector<16xf32>,
      %swap3A_171 = vector.shape_cast %swap3A_170 : vector<16xf32> to vector<16xf32>
      %swap3A_172 = vector.shape_cast %broadcast_in_dim3A_1 : vector<16xf32> to vector<16xf32>
      tpu.vector_store %arg3[%swap3A_169], %swap3A_172 {strides = array<i32>} : memref<21376xf32, #tpu.memory_space<vmem>>, vector<16xf32>,
    }
    %scan3A_6 = arith.constant 167 : i32
    %mul3A_7 = arith.constant 2 : i32
    %mul3A_8 = arith.muli %add3A, %mul3A_7 : i32
    %add3A_9 = arith.constant 0 : i32
    %add3A_10 = arith.addi %mul3A_8, %add3A_9 : i32
    %mul3A_11 = arith.constant 128256 : i32
    %mul3A_12 = arith.muli %add3A_10, %mul3A_11 : i32
    %add3A_13 = arith.constant 0 : i32
    %add3A_14 = arith.addi %mul3A_12, %add3A_13 : i32
    %dma_start3A = tpu.memref_slice %arg2[%add3A_14] : memref<8208384xf32, #tpu.memory_space<hbm>> -> memref<21376xf32, #tpu.memory_space<hbm>>
    %dma_start3A_15 = tpu.memref_slice %arg2[%add3A_14] : memref<8208384xf32, #tpu.memory_space<hbm>> -> memref<21376xf32, #tpu.memory_space<hbm>>
    tpu.enqueue_dma source(%arg3 : memref<21376xf32, #tpu.memory_space<vmem>>) target(%dma_start3A_15 : memref<21376xf32, #tpu.memory_space<hbm>>) target_semaphore(%arg4 : memref<!tpu.dma_semaphore, #tpu.memory_space<semaphore_mem>>)
    %mul3A_16 = arith.constant 128256 : i32
    %mul3A_17 = arith.muli %add3A_10, %mul3A_16 : i32
    %add3A_18 = arith.constant 21376 : i32
    %add3A_19 = arith.addi %mul3A_17, %add3A_18 : i32
    %dma_start3A_20 = tpu.memref_slice %arg2[%add3A_19] : memref<8208384xf32, #tpu.memory_space<hbm>> -> memref<21376xf32, #tpu.memory_space<hbm>>
    %dma_start3A_21 = tpu.memref_slice %arg2[%add3A_19] : memref<8208384xf32, #tpu.memory_space<hbm>> -> memref<21376xf32, #tpu.memory_space<hbm>>
    tpu.enqueue_dma source(%arg3 : memref<21376xf32, #tpu.memory_space<vmem>>) target(%dma_start3A_21 : memref<21376xf32, #tpu.memory_space<hbm>>) target_semaphore(%arg4 : memref<!tpu.dma_semaphore, #tpu.memory_space<semaphore_mem>>)
    %mul3A_22 = arith.constant 128256 : i32
    %mul3A_23 = arith.muli %add3A_10, %mul3A_22 : i32
    %add3A_24 = arith.constant 42752 : i32
    %add3A_25 = arith.addi %mul3A_23, %add3A_24 : i32
    %dma_start3A_26 = tpu.memref_slice %arg2[%add3A_25] : memref<8208384xf32, #tpu.memory_space<hbm>> -> memref<21376xf32, #tpu.memory_space<hbm>>
    %dma_start3A_27 = tpu.memref_slice %arg2[%add3A_25] : memref<8208384xf32, #tpu.memory_space<hbm>> -> memref<21376xf32, #tpu.memory_space<hbm>>
    tpu.enqueue_dma source(%arg3 : memref<21376xf32, #tpu.memory_space<vmem>>) target(%dma_start3A_27 : memref<21376xf32, #tpu.memory_space<hbm>>) target_semaphore(%arg4 : memref<!tpu.dma_semaphore, #tpu.memory_space<semaphore_mem>>)
    %mul3A_28 = arith.constant 128256 : i32
    %mul3A_29 = arith.muli %add3A_10, %mul3A_28 : i32
    %add3A_30 = arith.constant 64128 : i32
    %add3A_31 = arith.addi %mul3A_29, %add3A_30 : i32
    %dma_start3A_32 = tpu.memref_slice %arg2[%add3A_31] : memref<8208384xf32, #tpu.memory_space<hbm>> -> memref<21376xf32, #tpu.memory_space<hbm>>
    %dma_start3A_33 = tpu.memref_slice %arg2[%add3A_31] : memref<8208384xf32, #tpu.memory_space<hbm>> -> memref<21376xf32, #tpu.memory_space<hbm>>
    tpu.enqueue_dma source(%arg3 : memref<21376xf32, #tpu.memory_space<vmem>>) target(%dma_start3A_33 : memref<21376xf32, #tpu.memory_space<hbm>>) target_semaphore(%arg4 : memref<!tpu.dma_semaphore, #tpu.memory_space<semaphore_mem>>)
    %mul3A_34 = arith.constant 128256 : i32
    %mul3A_35 = arith.muli %add3A_10, %mul3A_34 : i32
    %add3A_36 = arith.constant 85504 : i32
    %add3A_37 = arith.addi %mul3A_35, %add3A_36 : i32
    %dma_start3A_38 = tpu.memref_slice %arg2[%add3A_37] : memref<8208384xf32, #tpu.memory_space<hbm>> -> memref<21376xf32, #tpu.memory_space<hbm>>
    %dma_start3A_39 = tpu.memref_slice %arg2[%add3A_37] : memref<8208384xf32, #tpu.memory_space<hbm>> -> memref<21376xf32, #tpu.memory_space<hbm>>
    tpu.enqueue_dma source(%arg3 : memref<21376xf32, #tpu.memory_space<vmem>>) target(%dma_start3A_39 : memref<21376xf32, #tpu.memory_space<hbm>>) target_semaphore(%arg4 : memref<!tpu.dma_semaphore, #tpu.memory_space<semaphore_mem>>)
    %mul3A_40 = arith.constant 128256 : i32
    %mul3A_41 = arith.muli %add3A_10, %mul3A_40 : i32
    %add3A_42 = arith.constant 106880 : i32
    %add3A_43 = arith.addi %mul3A_41, %add3A_42 : i32
    %dma_start3A_44 = tpu.memref_slice %arg2[%add3A_43] : memref<8208384xf32, #tpu.memory_space<hbm>> -> memref<21376xf32, #tpu.memory_space<hbm>>
    %dma_start3A_45 = tpu.memref_slice %arg2[%add3A_43] : memref<8208384xf32, #tpu.memory_space<hbm>> -> memref<21376xf32, #tpu.memory_space<hbm>>
    tpu.enqueue_dma source(%arg3 : memref<21376xf32, #tpu.memory_space<vmem>>) target(%dma_start3A_45 : memref<21376xf32, #tpu.memory_space<hbm>>) target_semaphore(%arg4 : memref<!tpu.dma_semaphore, #tpu.memory_space<semaphore_mem>>)
    %mul3A_46 = arith.constant 2 : i32
    %mul3A_47 = arith.muli %add3A, %mul3A_46 : i32
    %add3A_48 = arith.constant 1 : i32
    %add3A_49 = arith.addi %mul3A_47, %add3A_48 : i32
    %mul3A_50 = arith.constant 128256 : i32
    %mul3A_51 = arith.muli %add3A_49, %mul3A_50 : i32
    %add3A_52 = arith.constant 0 : i32
    %add3A_53 = arith.addi %mul3A_51, %add3A_52 : i32
    %dma_start3A_54 = tpu.memref_slice %arg2[%add3A_53] : memref<8208384xf32, #tpu.memory_space<hbm>> -> memref<21376xf32, #tpu.memory_space<hbm>>
    %dma_start3A_55 = tpu.memref_slice %arg2[%add3A_53] : memref<8208384xf32, #tpu.memory_space<hbm>> -> memref<21376xf32, #tpu.memory_space<hbm>>
    tpu.enqueue_dma source(%arg3 : memref<21376xf32, #tpu.memory_space<vmem>>) target(%dma_start3A_55 : memref<21376xf32, #tpu.memory_space<hbm>>) target_semaphore(%arg4 : memref<!tpu.dma_semaphore, #tpu.memory_space<semaphore_mem>>)
    %mul3A_56 = arith.constant 128256 : i32
    %mul3A_57 = arith.muli %add3A_49, %mul3A_56 : i32
    %add3A_58 = arith.constant 21376 : i32
    %add3A_59 = arith.addi %mul3A_57, %add3A_58 : i32
    %dma_start3A_60 = tpu.memref_slice %arg2[%add3A_59] : memref<8208384xf32, #tpu.memory_space<hbm>> -> memref<21376xf32, #tpu.memory_space<hbm>>
    %dma_start3A_61 = tpu.memref_slice %arg2[%add3A_59] : memref<8208384xf32, #tpu.memory_space<hbm>> -> memref<21376xf32, #tpu.memory_space<hbm>>
    tpu.enqueue_dma source(%arg3 : memref<21376xf32, #tpu.memory_space<vmem>>) target(%dma_start3A_61 : memref<21376xf32, #tpu.memory_space<hbm>>) target_semaphore(%arg4 : memref<!tpu.dma_semaphore, #tpu.memory_space<semaphore_mem>>)
    %mul3A_62 = arith.constant 128256 : i32
    %mul3A_63 = arith.muli %add3A_49, %mul3A_62 : i32
    %add3A_64 = arith.constant 42752 : i32
    %add3A_65 = arith.addi %mul3A_63, %add3A_64 : i32
    %dma_start3A_66 = tpu.memref_slice %arg2[%add3A_65] : memref<8208384xf32, #tpu.memory_space<hbm>> -> memref<21376xf32, #tpu.memory_space<hbm>>
    %dma_start3A_67 = tpu.memref_slice %arg2[%add3A_65] : memref<8208384xf32, #tpu.memory_space<hbm>> -> memref<21376xf32, #tpu.memory_space<hbm>>
    tpu.enqueue_dma source(%arg3 : memref<21376xf32, #tpu.memory_space<vmem>>) target(%dma_start3A_67 : memref<21376xf32, #tpu.memory_space<hbm>>) target_semaphore(%arg4 : memref<!tpu.dma_semaphore, #tpu.memory_space<semaphore_mem>>)
    %mul3A_68 = arith.constant 128256 : i32
    %mul3A_69 = arith.muli %add3A_49, %mul3A_68 : i32
    %add3A_70 = arith.constant 64128 : i32
    %add3A_71 = arith.addi %mul3A_69, %add3A_70 : i32
    %dma_start3A_72 = tpu.memref_slice %arg2[%add3A_71] : memref<8208384xf32, #tpu.memory_space<hbm>> -> memref<21376xf32, #tpu.memory_space<hbm>>
    %dma_start3A_73 = tpu.memref_slice %arg2[%add3A_71] : memref<8208384xf32, #tpu.memory_space<hbm>> -> memref<21376xf32, #tpu.memory_space<hbm>>
    tpu.enqueue_dma source(%arg3 : memref<21376xf32, #tpu.memory_space<vmem>>) target(%dma_start3A_73 : memref<21376xf32, #tpu.memory_space<hbm>>) target_semaphore(%arg4 : memref<!tpu.dma_semaphore, #tpu.memory_space<semaphore_mem>>)
    %mul3A_74 = arith.constant 128256 : i32
    %mul3A_75 = arith.muli %add3A_49, %mul3A_74 : i32
    %add3A_76 = arith.constant 85504 : i32
    %add3A_77 = arith.addi %mul3A_75, %add3A_76 : i32
    %dma_start3A_78 = tpu.memref_slice %arg2[%add3A_77] : memref<8208384xf32, #tpu.memory_space<hbm>> -> memref<21376xf32, #tpu.memory_space<hbm>>
    %dma_start3A_79 = tpu.memref_slice %arg2[%add3A_77] : memref<8208384xf32, #tpu.memory_space<hbm>> -> memref<21376xf32, #tpu.memory_space<hbm>>
    tpu.enqueue_dma source(%arg3 : memref<21376xf32, #tpu.memory_space<vmem>>) target(%dma_start3A_79 : memref<21376xf32, #tpu.memory_space<hbm>>) target_semaphore(%arg4 : memref<!tpu.dma_semaphore, #tpu.memory_space<semaphore_mem>>)
    %mul3A_80 = arith.constant 128256 : i32
    %mul3A_81 = arith.muli %add3A_49, %mul3A_80 : i32
    %add3A_82 = arith.constant 106880 : i32
    %add3A_83 = arith.addi %mul3A_81, %add3A_82 : i32
    %dma_start3A_84 = tpu.memref_slice %arg2[%add3A_83] : memref<8208384xf32, #tpu.memory_space<hbm>> -> memref<21376xf32, #tpu.memory_space<hbm>>
    %dma_start3A_85 = tpu.memref_slice %arg2[%add3A_83] : memref<8208384xf32, #tpu.memory_space<hbm>> -> memref<21376xf32, #tpu.memory_space<hbm>>
    tpu.enqueue_dma source(%arg3 : memref<21376xf32, #tpu.memory_space<vmem>>) target(%dma_start3A_85 : memref<21376xf32, #tpu.memory_space<hbm>>) target_semaphore(%arg4 : memref<!tpu.dma_semaphore, #tpu.memory_space<semaphore_mem>>)
    %dma_wait3A = tpu.memref_slice %arg2[%add3A_14] : memref<8208384xf32, #tpu.memory_space<hbm>> -> memref<21376xf32, #tpu.memory_space<hbm>>
    %dma_wait3A_86 = tpu.memref_slice %arg2[%add3A_14] : memref<8208384xf32, #tpu.memory_space<hbm>> -> memref<21376xf32, #tpu.memory_space<hbm>>
    tpu.wait_dma2 semaphore(%arg4 : memref<!tpu.dma_semaphore, #tpu.memory_space<semaphore_mem>>) src(%arg3 : memref<21376xf32, #tpu.memory_space<vmem>>) dst(%dma_wait3A_86 : memref<21376xf32, #tpu.memory_space<hbm>>)
    %dma_wait3A_87 = tpu.memref_slice %arg2[%add3A_19] : memref<8208384xf32, #tpu.memory_space<hbm>> -> memref<21376xf32, #tpu.memory_space<hbm>>
    %dma_wait3A_88 = tpu.memref_slice %arg2[%add3A_19] : memref<8208384xf32, #tpu.memory_space<hbm>> -> memref<21376xf32, #tpu.memory_space<hbm>>
    tpu.wait_dma2 semaphore(%arg4 : memref<!tpu.dma_semaphore, #tpu.memory_space<semaphore_mem>>) src(%arg3 : memref<21376xf32, #tpu.memory_space<vmem>>) dst(%dma_wait3A_88 : memref<21376xf32, #tpu.memory_space<hbm>>)
    %dma_wait3A_89 = tpu.memref_slice %arg2[%add3A_25] : memref<8208384xf32, #tpu.memory_space<hbm>> -> memref<21376xf32, #tpu.memory_space<hbm>>
    %dma_wait3A_90 = tpu.memref_slice %arg2[%add3A_25] : memref<8208384xf32, #tpu.memory_space<hbm>> -> memref<21376xf32, #tpu.memory_space<hbm>>
    tpu.wait_dma2 semaphore(%arg4 : memref<!tpu.dma_semaphore, #tpu.memory_space<semaphore_mem>>) src(%arg3 : memref<21376xf32, #tpu.memory_space<vmem>>) dst(%dma_wait3A_90 : memref<21376xf32, #tpu.memory_space<hbm>>)
    %dma_wait3A_91 = tpu.memref_slice %arg2[%add3A_31] : memref<8208384xf32, #tpu.memory_space<hbm>> -> memref<21376xf32, #tpu.memory_space<hbm>>
    %dma_wait3A_92 = tpu.memref_slice %arg2[%add3A_31] : memref<8208384xf32, #tpu.memory_space<hbm>> -> memref<21376xf32, #tpu.memory_space<hbm>>
    tpu.wait_dma2 semaphore(%arg4 : memref<!tpu.dma_semaphore, #tpu.memory_space<semaphore_mem>>) src(%arg3 : memref<21376xf32, #tpu.memory_space<vmem>>) dst(%dma_wait3A_92 : memref<21376xf32, #tpu.memory_space<hbm>>)
    %dma_wait3A_93 = tpu.memref_slice %arg2[%add3A_37] : memref<8208384xf32, #tpu.memory_space<hbm>> -> memref<21376xf32, #tpu.memory_space<hbm>>
    %dma_wait3A_94 = tpu.memref_slice %arg2[%add3A_37] : memref<8208384xf32, #tpu.memory_space<hbm>> -> memref<21376xf32, #tpu.memory_space<hbm>>
    tpu.wait_dma2 semaphore(%arg4 : memref<!tpu.dma_semaphore, #tpu.memory_space<semaphore_mem>>) src(%arg3 : memref<21376xf32, #tpu.memory_space<vmem>>) dst(%dma_wait3A_94 : memref<21376xf32, #tpu.memory_space<hbm>>)
    %dma_wait3A_95 = tpu.memref_slice %arg2[%add3A_43] : memref<8208384xf32, #tpu.memory_space<hbm>> -> memref<21376xf32, #tpu.memory_space<hbm>>
    %dma_wait3A_96 = tpu.memref_slice %arg2[%add3A_43] : memref<8208384xf32, #tpu.memory_space<hbm>> -> memref<21376xf32, #tpu.memory_space<hbm>>
    tpu.wait_dma2 semaphore(%arg4 : memref<!tpu.dma_semaphore, #tpu.memory_space<semaphore_mem>>) src(%arg3 : memref<21376xf32, #tpu.memory_space<vmem>>) dst(%dma_wait3A_96 : memref<21376xf32, #tpu.memory_space<hbm>>)
    %dma_wait3A_97 = tpu.memref_slice %arg2[%add3A_53] : memref<8208384xf32, #tpu.memory_space<hbm>> -> memref<21376xf32, #tpu.memory_space<hbm>>
    %dma_wait3A_98 = tpu.memref_slice %arg2[%add3A_53] : memref<8208384xf32, #tpu.memory_space<hbm>> -> memref<21376xf32, #tpu.memory_space<hbm>>
    tpu.wait_dma2 semaphore(%arg4 : memref<!tpu.dma_semaphore, #tpu.memory_space<semaphore_mem>>) src(%arg3 : memref<21376xf32, #tpu.memory_space<vmem>>) dst(%dma_wait3A_98 : memref<21376xf32, #tpu.memory_space<hbm>>)
    %dma_wait3A_99 = tpu.memref_slice %arg2[%add3A_59] : memref<8208384xf32, #tpu.memory_space<hbm>> -> memref<21376xf32, #tpu.memory_space<hbm>>
    %dma_wait3A_100 = tpu.memref_slice %arg2[%add3A_59] : memref<8208384xf32, #tpu.memory_space<hbm>> -> memref<21376xf32, #tpu.memory_space<hbm>>
    tpu.wait_dma2 semaphore(%arg4 : memref<!tpu.dma_semaphore, #tpu.memory_space<semaphore_mem>>) src(%arg3 : memref<21376xf32, #tpu.memory_space<vmem>>) dst(%dma_wait3A_100 : memref<21376xf32, #tpu.memory_space<hbm>>)
    %dma_wait3A_101 = tpu.memref_slice %arg2[%add3A_65] : memref<8208384xf32, #tpu.memory_space<hbm>> -> memref<21376xf32, #tpu.memory_space<hbm>>
    %dma_wait3A_102 = tpu.memref_slice %arg2[%add3A_65] : memref<8208384xf32, #tpu.memory_space<hbm>> -> memref<21376xf32, #tpu.memory_space<hbm>>
    tpu.wait_dma2 semaphore(%arg4 : memref<!tpu.dma_semaphore, #tpu.memory_space<semaphore_mem>>) src(%arg3 : memref<21376xf32, #tpu.memory_space<vmem>>) dst(%dma_wait3A_102 : memref<21376xf32, #tpu.memory_space<hbm>>)
    %dma_wait3A_103 = tpu.memref_slice %arg2[%add3A_71] : memref<8208384xf32, #tpu.memory_space<hbm>> -> memref<21376xf32, #tpu.memory_space<hbm>>
    %dma_wait3A_104 = tpu.memref_slice %arg2[%add3A_71] : memref<8208384xf32, #tpu.memory_space<hbm>> -> memref<21376xf32, #tpu.memory_space<hbm>>
    tpu.wait_dma2 semaphore(%arg4 : memref<!tpu.dma_semaphore, #tpu.memory_space<semaphore_mem>>) src(%arg3 : memref<21376xf32, #tpu.memory_space<vmem>>) dst(%dma_wait3A_104 : memref<21376xf32, #tpu.memory_space<hbm>>)
    %dma_wait3A_105 = tpu.memref_slice %arg2[%add3A_77] : memref<8208384xf32, #tpu.memory_space<hbm>> -> memref<21376xf32, #tpu.memory_space<hbm>>
    %dma_wait3A_106 = tpu.memref_slice %arg2[%add3A_77] : memref<8208384xf32, #tpu.memory_space<hbm>> -> memref<21376xf32, #tpu.memory_space<hbm>>
    tpu.wait_dma2 semaphore(%arg4 : memref<!tpu.dma_semaphore, #tpu.memory_space<semaphore_mem>>) src(%arg3 : memref<21376xf32, #tpu.memory_space<vmem>>) dst(%dma_wait3A_106 : memref<21376xf32, #tpu.memory_space<hbm>>)
    %dma_wait3A_107 = tpu.memref_slice %arg2[%add3A_83] : memref<8208384xf32, #tpu.memory_space<hbm>> -> memref<21376xf32, #tpu.memory_space<hbm>>
    %dma_wait3A_108 = tpu.memref_slice %arg2[%add3A_83] : memref<8208384xf32, #tpu.memory_space<hbm>> -> memref<21376xf32, #tpu.memory_space<hbm>>
    tpu.wait_dma2 semaphore(%arg4 : memref<!tpu.dma_semaphore, #tpu.memory_space<semaphore_mem>>) src(%arg3 : memref<21376xf32, #tpu.memory_space<vmem>>) dst(%dma_wait3A_108 : memref<21376xf32, #tpu.memory_space<hbm>>)
    return
  }
}

module attributes {stable_mosaic.version = 14 : i64} {
  func.func @_tc_gen_body(%arg0: i32, %arg1: memref<64xi32, #tpu.memory_space<vmem>>, %arg2: memref<64xi32, #tpu.memory_space<vmem>>, %arg3: memref<64xi32, #tpu.memory_space<vmem>>, %arg4: memref<64x8x128xf32, #tpu.memory_space<vmem>>, %arg5: memref<64x8x128xf32, #tpu.memory_space<vmem>>, %arg6: memref<64x8x128xf32, #tpu.memory_space<vmem>>, %arg7: memref<64xi32, #tpu.memory_space<vmem>>, %arg8: memref<64xi32, #tpu.memory_space<vmem>>, %arg9: memref<64xi32, #tpu.memory_space<vmem>>) attributes {dimension_semantics = [#tpu.dimension_semantics<arbitrary>], iteration_bounds = array<i64: 8>, scalar_prefetch = 0 : i64, scratch_operands = 0 : i64, tpu.core_type = #tpu.core_type<tc>, window_params = [{pipeline_mode = #tpu.pipeline_mode<synchronous>, transform_indices = @transform_0, window_bounds = array<i64: 64>}, {pipeline_mode = #tpu.pipeline_mode<synchronous>, transform_indices = @transform_1, window_bounds = array<i64: 64>}, {pipeline_mode = #tpu.pipeline_mode<synchronous>, transform_indices = @transform_2, window_bounds = array<i64: 64>}, {transform_indices = @transform_3, window_bounds = array<i64: 64, 8, 128>}, {transform_indices = @transform_4, window_bounds = array<i64: 64, 8, 128>}, {transform_indices = @transform_5, window_bounds = array<i64: 64, 8, 128>}, {pipeline_mode = #tpu.pipeline_mode<synchronous>, transform_indices = @transform_6, window_bounds = array<i64: 64>}, {pipeline_mode = #tpu.pipeline_mode<synchronous>, transform_indices = @transform_7, window_bounds = array<i64: 64>}, {pipeline_mode = #tpu.pipeline_mode<synchronous>, transform_indices = @transform_8, window_bounds = array<i64: 64>}]} {
    %iota3A = tpu.iota {dimensions = array<i32: 1>} : vector<64x8x128xi32>
    %mul3A = arith.constant 8 : i32
    %mul3A_0 = arith.muli %arg0, %mul3A : i32
    %add3A = vector.broadcast %mul3A_0 : i32 to vector<64x8x128xi32>
    %add3A_1 = arith.addi %iota3A, %add3A : vector<64x8x128xi32>
    %mul3A_2 = arith.constant 128 : i32
    %mul3A_3 = vector.broadcast %mul3A_2 : i32 to vector<64x8x128xi32>
    %mul3A_4 = arith.muli %add3A_1, %mul3A_3 : vector<64x8x128xi32>
    %iota3A_5 = tpu.iota {dimensions = array<i32: 2>} : vector<64x8x128xi32>
    %add3A_6 = arith.addi %mul3A_4, %iota3A_5 : vector<64x8x128xi32>
    %get3A = arith.constant 0 : index
    %get3A_7 = vector.load %arg2[%get3A] : memref<64xi32, #tpu.memory_space<vmem>>, vector<64xi32>
    %add3A_8 = arith.constant 1 : i32
    %add3A_9 = vector.broadcast %add3A_8 : i32 to vector<64xi32>
    %add3A_10 = arith.addi %get3A_7, %add3A_9 : vector<64xi32>
    %min3A = arith.constant 8191 : i32
    %min3A_11 = vector.broadcast %min3A : i32 to vector<64xi32>
    %min3A_12 = arith.minsi %add3A_10, %min3A_11 : vector<64xi32>
    %get3A_13 = arith.constant 0 : index
    %get3A_14 = vector.load %arg3[%get3A_13] : memref<64xi32, #tpu.memory_space<vmem>>, vector<64xi32>
    %get3A_15 = arith.constant 0 : index
    %get3A_16 = vector.load %arg1[%get3A_15] : memref<64xi32, #tpu.memory_space<vmem>>, vector<64xi32>
    %convert_element_type3A = arith.sitofp %get3A_16 : vector<64xi32> to vector<64xf32>
    %broadcast_in_dim3A = vector.shape_cast %min3A_12 : vector<64xi32> to vector<64x1x1xi32>
    %eq3A = vector.broadcast %broadcast_in_dim3A : vector<64x1x1xi32> to vector<64x8x128xi32>
    %eq3A_17 = arith.cmpi eq, %add3A_6, %eq3A : vector<64x8x128xi32>
    %jit3A = arith.constant 1.000000e+00 : f32
    %jit3A_18 = arith.constant 0.000000e+00 : f32
    %broadcast_in_dim3A_19 = vector.broadcast %jit3A : f32 to vector<64x8x128xf32>
    %broadcast_in_dim3A_20 = vector.broadcast %jit3A_18 : f32 to vector<64x8x128xf32>
    %select_n3A = arith.select %eq3A_17, %broadcast_in_dim3A_19, %broadcast_in_dim3A_20 : vector<64x8x128xi1>, vector<64x8x128xf32>
    %swap3A = arith.constant 0 : index
    %swap3A_21 = arith.constant 0 : index
    %swap3A_22 = arith.constant 0 : index
    %swap3A_23 = vector.load %arg4[%swap3A, %swap3A_21, %swap3A_22] : memref<64x8x128xf32, #tpu.memory_space<vmem>>, vector<64x8x128xf32>
    tpu.vector_store %arg4[%swap3A, %swap3A_21, %swap3A_22], %select_n3A {strides = array<i32>} : memref<64x8x128xf32, #tpu.memory_space<vmem>>, vector<64x8x128xf32>,
    %broadcast_in_dim3A_24 = vector.shape_cast %get3A_14 : vector<64xi32> to vector<64x1x1xi32>
    %eq3A_25 = vector.broadcast %broadcast_in_dim3A_24 : vector<64x1x1xi32> to vector<64x8x128xi32>
    %eq3A_26 = arith.cmpi eq, %add3A_6, %eq3A_25 : vector<64x8x128xi32>
    %broadcast_in_dim3A_27 = vector.shape_cast %convert_element_type3A : vector<64xf32> to vector<64x1x1xf32>
    %jit3A_28 = arith.constant 0.000000e+00 : f32
    %broadcast_in_dim3A_29 = vector.shape_cast %broadcast_in_dim3A_27 : vector<64x1x1xf32> to vector<64x1x1xf32>
    %broadcast_in_dim3A_30 = vector.broadcast %broadcast_in_dim3A_29 : vector<64x1x1xf32> to vector<64x8x128xf32>
    %broadcast_in_dim3A_31 = vector.broadcast %jit3A_28 : f32 to vector<64x8x128xf32>
    %select_n3A_32 = arith.select %eq3A_26, %broadcast_in_dim3A_30, %broadcast_in_dim3A_31 : vector<64x8x128xi1>, vector<64x8x128xf32>
    %swap3A_33 = arith.constant 0 : index
    %swap3A_34 = arith.constant 0 : index
    %swap3A_35 = arith.constant 0 : index
    %swap3A_36 = vector.load %arg5[%swap3A_33, %swap3A_34, %swap3A_35] : memref<64x8x128xf32, #tpu.memory_space<vmem>>, vector<64x8x128xf32>
    tpu.vector_store %arg5[%swap3A_33, %swap3A_34, %swap3A_35], %select_n3A_32 {strides = array<i32>} : memref<64x8x128xf32, #tpu.memory_space<vmem>>, vector<64x8x128xf32>,
    %swap3A_37 = arith.constant 0 : index
    %swap3A_38 = arith.constant 0 : index
    %swap3A_39 = arith.constant 0 : index
    %swap3A_40 = vector.load %arg6[%swap3A_37, %swap3A_38, %swap3A_39] : memref<64x8x128xf32, #tpu.memory_space<vmem>>, vector<64x8x128xf32>
    tpu.vector_store %arg6[%swap3A_37, %swap3A_38, %swap3A_39], %select_n3A_32 {strides = array<i32>} : memref<64x8x128xf32, #tpu.memory_space<vmem>>, vector<64x8x128xf32>,
    %swap3A_41 = arith.constant 0 : index
    %swap3A_42 = vector.load %arg7[%swap3A_41] : memref<64xi32, #tpu.memory_space<vmem>>, vector<64xi32>
    tpu.vector_store %arg7[%swap3A_41], %min3A_12 {strides = array<i32>} : memref<64xi32, #tpu.memory_space<vmem>>, vector<64xi32>,
    %add3A_43 = arith.constant 1 : i32
    %add3A_44 = vector.broadcast %add3A_43 : i32 to vector<64xi32>
    %add3A_45 = arith.addi %get3A_14, %add3A_44 : vector<64xi32>
    %min3A_46 = arith.constant 8191 : i32
    %min3A_47 = vector.broadcast %min3A_46 : i32 to vector<64xi32>
    %min3A_48 = arith.minsi %add3A_45, %min3A_47 : vector<64xi32>
    %swap3A_49 = arith.constant 0 : index
    %swap3A_50 = vector.load %arg8[%swap3A_49] : memref<64xi32, #tpu.memory_space<vmem>>, vector<64xi32>
    tpu.vector_store %arg8[%swap3A_49], %min3A_48 {strides = array<i32>} : memref<64xi32, #tpu.memory_space<vmem>>, vector<64xi32>,
    %swap3A_51 = arith.constant 0 : index
    %swap3A_52 = vector.load %arg9[%swap3A_51] : memref<64xi32, #tpu.memory_space<vmem>>, vector<64xi32>
    tpu.vector_store %arg9[%swap3A_51], %get3A_16 {strides = array<i32>} : memref<64xi32, #tpu.memory_space<vmem>>, vector<64xi32>,
    return
  }
  func.func @transform_0(%arg0: i32) -> i32 {
    %c0_i32 = arith.constant 0 : i32
    %c0_i32_0 = arith.constant 0 : i32
    return %c0_i32 : i32
  }
  func.func @transform_1(%arg0: i32) -> i32 {
    %c0_i32 = arith.constant 0 : i32
    %c0_i32_0 = arith.constant 0 : i32
    return %c0_i32 : i32
  }
  func.func @transform_2(%arg0: i32) -> i32 {
    %c0_i32 = arith.constant 0 : i32
    %c0_i32_0 = arith.constant 0 : i32
    return %c0_i32 : i32
  }
  func.func @transform_3(%arg0: i32) -> (i32, i32, i32) {
    %c0_i32 = arith.constant 0 : i32
    %c0_i32_0 = arith.constant 0 : i32
    %c0_i32_1 = arith.constant 0 : i32
    return %c0_i32, %arg0, %c0_i32_0 : i32, i32, i32
  }
  func.func @transform_4(%arg0: i32) -> (i32, i32, i32) {
    %c0_i32 = arith.constant 0 : i32
    %c0_i32_0 = arith.constant 0 : i32
    %c0_i32_1 = arith.constant 0 : i32
    return %c0_i32, %arg0, %c0_i32_0 : i32, i32, i32
  }
  func.func @transform_5(%arg0: i32) -> (i32, i32, i32) {
    %c0_i32 = arith.constant 0 : i32
    %c0_i32_0 = arith.constant 0 : i32
    %c0_i32_1 = arith.constant 0 : i32
    return %c0_i32, %arg0, %c0_i32_0 : i32, i32, i32
  }
  func.func @transform_6(%arg0: i32) -> i32 {
    %c0_i32 = arith.constant 0 : i32
    %c0_i32_0 = arith.constant 0 : i32
    return %c0_i32 : i32
  }
  func.func @transform_7(%arg0: i32) -> i32 {
    %c0_i32 = arith.constant 0 : i32
    %c0_i32_0 = arith.constant 0 : i32
    return %c0_i32 : i32
  }
  func.func @transform_8(%arg0: i32) -> i32 {
    %c0_i32 = arith.constant 0 : i32
    %c0_i32_0 = arith.constant 0 : i32
    return %c0_i32 : i32
  }
}

module attributes {stable_mosaic.version = 14 : i64} {
  func.func @_tc_land_body(%arg0: memref<64xi32, #tpu.memory_space<smem>>, %arg1: memref<64xi32, #tpu.memory_space<vmem>>, %arg2: memref<8208384xf32, #tpu.memory_space<hbm>>, %arg3: memref<8208384xf32, #tpu.memory_space<hbm>>, %arg4: memref<8192xf32, #tpu.memory_space<vmem>>, %arg5: memref<!tpu.dma_semaphore, #tpu.memory_space<semaphore_mem>>) attributes {dimension_semantics = [], scalar_prefetch = 0 : i64, scratch_operands = 2 : i64, tpu.core_type = #tpu.core_type<tc>} {
    %iota3A = tpu.iota {dimensions = array<i32: 1>} : vector<64x128xi32>
    %get3A = arith.constant 0 : index
    %get3A_0 = vector.load %arg1[%get3A] : memref<64xi32, #tpu.memory_space<vmem>>, vector<64xi32>
    %broadcast_in_dim3A = vector.shape_cast %get3A_0 : vector<64xi32> to vector<64x1xi32>
    %jit3A = arith.constant 128 : i32
    %eq3A = arith.constant 0 : i32
    %eq3A_1 = arith.cmpi eq, %jit3A, %eq3A : i32
    %jit3A_2 = arith.constant 1 : i32
    %select_n3A = arith.select %eq3A_1, %jit3A_2, %jit3A : i32
    %rem3A = vector.broadcast %select_n3A : i32 to vector<64x1xi32>
    %rem3A_3 = arith.remsi %broadcast_in_dim3A, %rem3A : vector<64x1xi32>
    %ne3A = arith.constant 0 : i32
    %ne3A_4 = vector.broadcast %ne3A : i32 to vector<64x1xi32>
    %ne3A_5 = arith.cmpi ne, %rem3A_3, %ne3A_4 : vector<64x1xi32>
    %lt3A = arith.constant 0 : i32
    %lt3A_6 = vector.broadcast %lt3A : i32 to vector<64x1xi32>
    %lt3A_7 = arith.cmpi slt, %rem3A_3, %lt3A_6 : vector<64x1xi32>
    %lt3A_8 = arith.constant 0 : i32
    %lt3A_9 = arith.cmpi slt, %select_n3A, %lt3A_8 : i32
    %ne3A_10 = vector.broadcast %lt3A_9 : i1 to vector<64x1xi1>
    %ne3A_11 = vector.broadcast %ne3A_10 : vector<64x1xi1> to vector<64x1xi1>
    %ne3A_12 = arith.xori %lt3A_7, %ne3A_11 : vector<64x1xi1>
    %and3A = arith.andi %ne3A_12, %ne3A_5 : vector<64x1xi1>
    %add3A = vector.broadcast %select_n3A : i32 to vector<64x1xi32>
    %add3A_13 = arith.addi %rem3A_3, %add3A : vector<64x1xi32>
    %select_n3A_14 = arith.select %and3A, %add3A_13, %rem3A_3 : vector<64x1xi1>, vector<64x1xi32>
    %eq3A_15 = vector.broadcast %select_n3A_14 : vector<64x1xi32> to vector<64x128xi32>
    %eq3A_16 = arith.cmpi eq, %iota3A, %eq3A_15 : vector<64x128xi32>
    %jit3A_17 = arith.constant 1.000000e+00 : f32
    %jit3A_18 = arith.constant 0.000000e+00 : f32
    %broadcast_in_dim3A_19 = vector.broadcast %jit3A_17 : f32 to vector<64x128xf32>
    %broadcast_in_dim3A_20 = vector.broadcast %jit3A_18 : f32 to vector<64x128xf32>
    %select_n3A_21 = arith.select %eq3A_16, %broadcast_in_dim3A_19, %broadcast_in_dim3A_20 : vector<64x128xi1>, vector<64x128xf32>
    %slice3A = vector.extract_strided_slice %select_n3A_21 {offsets = [0, 0], sizes = [1, 128], strides = [1, 1]} : vector<64x128xf32> to vector<1x128xf32>
    %squeeze3A = vector.shape_cast %slice3A : vector<1x128xf32> to vector<128xf32>
    %swap3A = arith.constant 0 : index
    %swap3A_22 = vector.load %arg4[%swap3A] : memref<8192xf32, #tpu.memory_space<vmem>>, vector<128xf32>
    tpu.vector_store %arg4[%swap3A], %squeeze3A {strides = array<i32>} : memref<8192xf32, #tpu.memory_space<vmem>>, vector<128xf32>,
    %slice3A_23 = vector.extract_strided_slice %select_n3A_21 {offsets = [1, 0], sizes = [1, 128], strides = [1, 1]} : vector<64x128xf32> to vector<1x128xf32>
    %squeeze3A_24 = vector.shape_cast %slice3A_23 : vector<1x128xf32> to vector<128xf32>
    %swap3A_25 = arith.constant 128 : index
    %swap3A_26 = vector.load %arg4[%swap3A_25] : memref<8192xf32, #tpu.memory_space<vmem>>, vector<128xf32>
    tpu.vector_store %arg4[%swap3A_25], %squeeze3A_24 {strides = array<i32>} : memref<8192xf32, #tpu.memory_space<vmem>>, vector<128xf32>,
    %slice3A_27 = vector.extract_strided_slice %select_n3A_21 {offsets = [2, 0], sizes = [1, 128], strides = [1, 1]} : vector<64x128xf32> to vector<1x128xf32>
    %squeeze3A_28 = vector.shape_cast %slice3A_27 : vector<1x128xf32> to vector<128xf32>
    %swap3A_29 = arith.constant 256 : index
    %swap3A_30 = vector.load %arg4[%swap3A_29] : memref<8192xf32, #tpu.memory_space<vmem>>, vector<128xf32>
    tpu.vector_store %arg4[%swap3A_29], %squeeze3A_28 {strides = array<i32>} : memref<8192xf32, #tpu.memory_space<vmem>>, vector<128xf32>,
    %slice3A_31 = vector.extract_strided_slice %select_n3A_21 {offsets = [3, 0], sizes = [1, 128], strides = [1, 1]} : vector<64x128xf32> to vector<1x128xf32>
    %squeeze3A_32 = vector.shape_cast %slice3A_31 : vector<1x128xf32> to vector<128xf32>
    %swap3A_33 = arith.constant 384 : index
    %swap3A_34 = vector.load %arg4[%swap3A_33] : memref<8192xf32, #tpu.memory_space<vmem>>, vector<128xf32>
    tpu.vector_store %arg4[%swap3A_33], %squeeze3A_32 {strides = array<i32>} : memref<8192xf32, #tpu.memory_space<vmem>>, vector<128xf32>,
    %slice3A_35 = vector.extract_strided_slice %select_n3A_21 {offsets = [4, 0], sizes = [1, 128], strides = [1, 1]} : vector<64x128xf32> to vector<1x128xf32>
    %squeeze3A_36 = vector.shape_cast %slice3A_35 : vector<1x128xf32> to vector<128xf32>
    %swap3A_37 = arith.constant 512 : index
    %swap3A_38 = vector.load %arg4[%swap3A_37] : memref<8192xf32, #tpu.memory_space<vmem>>, vector<128xf32>
    tpu.vector_store %arg4[%swap3A_37], %squeeze3A_36 {strides = array<i32>} : memref<8192xf32, #tpu.memory_space<vmem>>, vector<128xf32>,
    %slice3A_39 = vector.extract_strided_slice %select_n3A_21 {offsets = [5, 0], sizes = [1, 128], strides = [1, 1]} : vector<64x128xf32> to vector<1x128xf32>
    %squeeze3A_40 = vector.shape_cast %slice3A_39 : vector<1x128xf32> to vector<128xf32>
    %swap3A_41 = arith.constant 640 : index
    %swap3A_42 = vector.load %arg4[%swap3A_41] : memref<8192xf32, #tpu.memory_space<vmem>>, vector<128xf32>
    tpu.vector_store %arg4[%swap3A_41], %squeeze3A_40 {strides = array<i32>} : memref<8192xf32, #tpu.memory_space<vmem>>, vector<128xf32>,
    %slice3A_43 = vector.extract_strided_slice %select_n3A_21 {offsets = [6, 0], sizes = [1, 128], strides = [1, 1]} : vector<64x128xf32> to vector<1x128xf32>
    %squeeze3A_44 = vector.shape_cast %slice3A_43 : vector<1x128xf32> to vector<128xf32>
    %swap3A_45 = arith.constant 768 : index
    %swap3A_46 = vector.load %arg4[%swap3A_45] : memref<8192xf32, #tpu.memory_space<vmem>>, vector<128xf32>
    tpu.vector_store %arg4[%swap3A_45], %squeeze3A_44 {strides = array<i32>} : memref<8192xf32, #tpu.memory_space<vmem>>, vector<128xf32>,
    %slice3A_47 = vector.extract_strided_slice %select_n3A_21 {offsets = [7, 0], sizes = [1, 128], strides = [1, 1]} : vector<64x128xf32> to vector<1x128xf32>
    %squeeze3A_48 = vector.shape_cast %slice3A_47 : vector<1x128xf32> to vector<128xf32>
    %swap3A_49 = arith.constant 896 : index
    %swap3A_50 = vector.load %arg4[%swap3A_49] : memref<8192xf32, #tpu.memory_space<vmem>>, vector<128xf32>
    tpu.vector_store %arg4[%swap3A_49], %squeeze3A_48 {strides = array<i32>} : memref<8192xf32, #tpu.memory_space<vmem>>, vector<128xf32>,
    %slice3A_51 = vector.extract_strided_slice %select_n3A_21 {offsets = [8, 0], sizes = [1, 128], strides = [1, 1]} : vector<64x128xf32> to vector<1x128xf32>
    %squeeze3A_52 = vector.shape_cast %slice3A_51 : vector<1x128xf32> to vector<128xf32>
    %swap3A_53 = arith.constant 1024 : index
    %swap3A_54 = vector.load %arg4[%swap3A_53] : memref<8192xf32, #tpu.memory_space<vmem>>, vector<128xf32>
    tpu.vector_store %arg4[%swap3A_53], %squeeze3A_52 {strides = array<i32>} : memref<8192xf32, #tpu.memory_space<vmem>>, vector<128xf32>,
    %slice3A_55 = vector.extract_strided_slice %select_n3A_21 {offsets = [9, 0], sizes = [1, 128], strides = [1, 1]} : vector<64x128xf32> to vector<1x128xf32>
    %squeeze3A_56 = vector.shape_cast %slice3A_55 : vector<1x128xf32> to vector<128xf32>
    %swap3A_57 = arith.constant 1152 : index
    %swap3A_58 = vector.load %arg4[%swap3A_57] : memref<8192xf32, #tpu.memory_space<vmem>>, vector<128xf32>
    tpu.vector_store %arg4[%swap3A_57], %squeeze3A_56 {strides = array<i32>} : memref<8192xf32, #tpu.memory_space<vmem>>, vector<128xf32>,
    %slice3A_59 = vector.extract_strided_slice %select_n3A_21 {offsets = [10, 0], sizes = [1, 128], strides = [1, 1]} : vector<64x128xf32> to vector<1x128xf32>
    %squeeze3A_60 = vector.shape_cast %slice3A_59 : vector<1x128xf32> to vector<128xf32>
    %swap3A_61 = arith.constant 1280 : index
    %swap3A_62 = vector.load %arg4[%swap3A_61] : memref<8192xf32, #tpu.memory_space<vmem>>, vector<128xf32>
    tpu.vector_store %arg4[%swap3A_61], %squeeze3A_60 {strides = array<i32>} : memref<8192xf32, #tpu.memory_space<vmem>>, vector<128xf32>,
    %slice3A_63 = vector.extract_strided_slice %select_n3A_21 {offsets = [11, 0], sizes = [1, 128], strides = [1, 1]} : vector<64x128xf32> to vector<1x128xf32>
    %squeeze3A_64 = vector.shape_cast %slice3A_63 : vector<1x128xf32> to vector<128xf32>
    %swap3A_65 = arith.constant 1408 : index
    %swap3A_66 = vector.load %arg4[%swap3A_65] : memref<8192xf32, #tpu.memory_space<vmem>>, vector<128xf32>
    tpu.vector_store %arg4[%swap3A_65], %squeeze3A_64 {strides = array<i32>} : memref<8192xf32, #tpu.memory_space<vmem>>, vector<128xf32>,
    %slice3A_67 = vector.extract_strided_slice %select_n3A_21 {offsets = [12, 0], sizes = [1, 128], strides = [1, 1]} : vector<64x128xf32> to vector<1x128xf32>
    %squeeze3A_68 = vector.shape_cast %slice3A_67 : vector<1x128xf32> to vector<128xf32>
    %swap3A_69 = arith.constant 1536 : index
    %swap3A_70 = vector.load %arg4[%swap3A_69] : memref<8192xf32, #tpu.memory_space<vmem>>, vector<128xf32>
    tpu.vector_store %arg4[%swap3A_69], %squeeze3A_68 {strides = array<i32>} : memref<8192xf32, #tpu.memory_space<vmem>>, vector<128xf32>,
    %slice3A_71 = vector.extract_strided_slice %select_n3A_21 {offsets = [13, 0], sizes = [1, 128], strides = [1, 1]} : vector<64x128xf32> to vector<1x128xf32>
    %squeeze3A_72 = vector.shape_cast %slice3A_71 : vector<1x128xf32> to vector<128xf32>
    %swap3A_73 = arith.constant 1664 : index
    %swap3A_74 = vector.load %arg4[%swap3A_73] : memref<8192xf32, #tpu.memory_space<vmem>>, vector<128xf32>
    tpu.vector_store %arg4[%swap3A_73], %squeeze3A_72 {strides = array<i32>} : memref<8192xf32, #tpu.memory_space<vmem>>, vector<128xf32>,
    %slice3A_75 = vector.extract_strided_slice %select_n3A_21 {offsets = [14, 0], sizes = [1, 128], strides = [1, 1]} : vector<64x128xf32> to vector<1x128xf32>
    %squeeze3A_76 = vector.shape_cast %slice3A_75 : vector<1x128xf32> to vector<128xf32>
    %swap3A_77 = arith.constant 1792 : index
    %swap3A_78 = vector.load %arg4[%swap3A_77] : memref<8192xf32, #tpu.memory_space<vmem>>, vector<128xf32>
    tpu.vector_store %arg4[%swap3A_77], %squeeze3A_76 {strides = array<i32>} : memref<8192xf32, #tpu.memory_space<vmem>>, vector<128xf32>,
    %slice3A_79 = vector.extract_strided_slice %select_n3A_21 {offsets = [15, 0], sizes = [1, 128], strides = [1, 1]} : vector<64x128xf32> to vector<1x128xf32>
    %squeeze3A_80 = vector.shape_cast %slice3A_79 : vector<1x128xf32> to vector<128xf32>
    %swap3A_81 = arith.constant 1920 : index
    %swap3A_82 = vector.load %arg4[%swap3A_81] : memref<8192xf32, #tpu.memory_space<vmem>>, vector<128xf32>
    tpu.vector_store %arg4[%swap3A_81], %squeeze3A_80 {strides = array<i32>} : memref<8192xf32, #tpu.memory_space<vmem>>, vector<128xf32>,
    %slice3A_83 = vector.extract_strided_slice %select_n3A_21 {offsets = [16, 0], sizes = [1, 128], strides = [1, 1]} : vector<64x128xf32> to vector<1x128xf32>
    %squeeze3A_84 = vector.shape_cast %slice3A_83 : vector<1x128xf32> to vector<128xf32>
    %swap3A_85 = arith.constant 2048 : index
    %swap3A_86 = vector.load %arg4[%swap3A_85] : memref<8192xf32, #tpu.memory_space<vmem>>, vector<128xf32>
    tpu.vector_store %arg4[%swap3A_85], %squeeze3A_84 {strides = array<i32>} : memref<8192xf32, #tpu.memory_space<vmem>>, vector<128xf32>,
    %slice3A_87 = vector.extract_strided_slice %select_n3A_21 {offsets = [17, 0], sizes = [1, 128], strides = [1, 1]} : vector<64x128xf32> to vector<1x128xf32>
    %squeeze3A_88 = vector.shape_cast %slice3A_87 : vector<1x128xf32> to vector<128xf32>
    %swap3A_89 = arith.constant 2176 : index
    %swap3A_90 = vector.load %arg4[%swap3A_89] : memref<8192xf32, #tpu.memory_space<vmem>>, vector<128xf32>
    tpu.vector_store %arg4[%swap3A_89], %squeeze3A_88 {strides = array<i32>} : memref<8192xf32, #tpu.memory_space<vmem>>, vector<128xf32>,
    %slice3A_91 = vector.extract_strided_slice %select_n3A_21 {offsets = [18, 0], sizes = [1, 128], strides = [1, 1]} : vector<64x128xf32> to vector<1x128xf32>
    %squeeze3A_92 = vector.shape_cast %slice3A_91 : vector<1x128xf32> to vector<128xf32>
    %swap3A_93 = arith.constant 2304 : index
    %swap3A_94 = vector.load %arg4[%swap3A_93] : memref<8192xf32, #tpu.memory_space<vmem>>, vector<128xf32>
    tpu.vector_store %arg4[%swap3A_93], %squeeze3A_92 {strides = array<i32>} : memref<8192xf32, #tpu.memory_space<vmem>>, vector<128xf32>,
    %slice3A_95 = vector.extract_strided_slice %select_n3A_21 {offsets = [19, 0], sizes = [1, 128], strides = [1, 1]} : vector<64x128xf32> to vector<1x128xf32>
    %squeeze3A_96 = vector.shape_cast %slice3A_95 : vector<1x128xf32> to vector<128xf32>
    %swap3A_97 = arith.constant 2432 : index
    %swap3A_98 = vector.load %arg4[%swap3A_97] : memref<8192xf32, #tpu.memory_space<vmem>>, vector<128xf32>
    tpu.vector_store %arg4[%swap3A_97], %squeeze3A_96 {strides = array<i32>} : memref<8192xf32, #tpu.memory_space<vmem>>, vector<128xf32>,
    %slice3A_99 = vector.extract_strided_slice %select_n3A_21 {offsets = [20, 0], sizes = [1, 128], strides = [1, 1]} : vector<64x128xf32> to vector<1x128xf32>
    %squeeze3A_100 = vector.shape_cast %slice3A_99 : vector<1x128xf32> to vector<128xf32>
    %swap3A_101 = arith.constant 2560 : index
    %swap3A_102 = vector.load %arg4[%swap3A_101] : memref<8192xf32, #tpu.memory_space<vmem>>, vector<128xf32>
    tpu.vector_store %arg4[%swap3A_101], %squeeze3A_100 {strides = array<i32>} : memref<8192xf32, #tpu.memory_space<vmem>>, vector<128xf32>,
    %slice3A_103 = vector.extract_strided_slice %select_n3A_21 {offsets = [21, 0], sizes = [1, 128], strides = [1, 1]} : vector<64x128xf32> to vector<1x128xf32>
    %squeeze3A_104 = vector.shape_cast %slice3A_103 : vector<1x128xf32> to vector<128xf32>
    %swap3A_105 = arith.constant 2688 : index
    %swap3A_106 = vector.load %arg4[%swap3A_105] : memref<8192xf32, #tpu.memory_space<vmem>>, vector<128xf32>
    tpu.vector_store %arg4[%swap3A_105], %squeeze3A_104 {strides = array<i32>} : memref<8192xf32, #tpu.memory_space<vmem>>, vector<128xf32>,
    %slice3A_107 = vector.extract_strided_slice %select_n3A_21 {offsets = [22, 0], sizes = [1, 128], strides = [1, 1]} : vector<64x128xf32> to vector<1x128xf32>
    %squeeze3A_108 = vector.shape_cast %slice3A_107 : vector<1x128xf32> to vector<128xf32>
    %swap3A_109 = arith.constant 2816 : index
    %swap3A_110 = vector.load %arg4[%swap3A_109] : memref<8192xf32, #tpu.memory_space<vmem>>, vector<128xf32>
    tpu.vector_store %arg4[%swap3A_109], %squeeze3A_108 {strides = array<i32>} : memref<8192xf32, #tpu.memory_space<vmem>>, vector<128xf32>,
    %slice3A_111 = vector.extract_strided_slice %select_n3A_21 {offsets = [23, 0], sizes = [1, 128], strides = [1, 1]} : vector<64x128xf32> to vector<1x128xf32>
    %squeeze3A_112 = vector.shape_cast %slice3A_111 : vector<1x128xf32> to vector<128xf32>
    %swap3A_113 = arith.constant 2944 : index
    %swap3A_114 = vector.load %arg4[%swap3A_113] : memref<8192xf32, #tpu.memory_space<vmem>>, vector<128xf32>
    tpu.vector_store %arg4[%swap3A_113], %squeeze3A_112 {strides = array<i32>} : memref<8192xf32, #tpu.memory_space<vmem>>, vector<128xf32>,
    %slice3A_115 = vector.extract_strided_slice %select_n3A_21 {offsets = [24, 0], sizes = [1, 128], strides = [1, 1]} : vector<64x128xf32> to vector<1x128xf32>
    %squeeze3A_116 = vector.shape_cast %slice3A_115 : vector<1x128xf32> to vector<128xf32>
    %swap3A_117 = arith.constant 3072 : index
    %swap3A_118 = vector.load %arg4[%swap3A_117] : memref<8192xf32, #tpu.memory_space<vmem>>, vector<128xf32>
    tpu.vector_store %arg4[%swap3A_117], %squeeze3A_116 {strides = array<i32>} : memref<8192xf32, #tpu.memory_space<vmem>>, vector<128xf32>,
    %slice3A_119 = vector.extract_strided_slice %select_n3A_21 {offsets = [25, 0], sizes = [1, 128], strides = [1, 1]} : vector<64x128xf32> to vector<1x128xf32>
    %squeeze3A_120 = vector.shape_cast %slice3A_119 : vector<1x128xf32> to vector<128xf32>
    %swap3A_121 = arith.constant 3200 : index
    %swap3A_122 = vector.load %arg4[%swap3A_121] : memref<8192xf32, #tpu.memory_space<vmem>>, vector<128xf32>
    tpu.vector_store %arg4[%swap3A_121], %squeeze3A_120 {strides = array<i32>} : memref<8192xf32, #tpu.memory_space<vmem>>, vector<128xf32>,
    %slice3A_123 = vector.extract_strided_slice %select_n3A_21 {offsets = [26, 0], sizes = [1, 128], strides = [1, 1]} : vector<64x128xf32> to vector<1x128xf32>
    %squeeze3A_124 = vector.shape_cast %slice3A_123 : vector<1x128xf32> to vector<128xf32>
    %swap3A_125 = arith.constant 3328 : index
    %swap3A_126 = vector.load %arg4[%swap3A_125] : memref<8192xf32, #tpu.memory_space<vmem>>, vector<128xf32>
    tpu.vector_store %arg4[%swap3A_125], %squeeze3A_124 {strides = array<i32>} : memref<8192xf32, #tpu.memory_space<vmem>>, vector<128xf32>,
    %slice3A_127 = vector.extract_strided_slice %select_n3A_21 {offsets = [27, 0], sizes = [1, 128], strides = [1, 1]} : vector<64x128xf32> to vector<1x128xf32>
    %squeeze3A_128 = vector.shape_cast %slice3A_127 : vector<1x128xf32> to vector<128xf32>
    %swap3A_129 = arith.constant 3456 : index
    %swap3A_130 = vector.load %arg4[%swap3A_129] : memref<8192xf32, #tpu.memory_space<vmem>>, vector<128xf32>
    tpu.vector_store %arg4[%swap3A_129], %squeeze3A_128 {strides = array<i32>} : memref<8192xf32, #tpu.memory_space<vmem>>, vector<128xf32>,
    %slice3A_131 = vector.extract_strided_slice %select_n3A_21 {offsets = [28, 0], sizes = [1, 128], strides = [1, 1]} : vector<64x128xf32> to vector<1x128xf32>
    %squeeze3A_132 = vector.shape_cast %slice3A_131 : vector<1x128xf32> to vector<128xf32>
    %swap3A_133 = arith.constant 3584 : index
    %swap3A_134 = vector.load %arg4[%swap3A_133] : memref<8192xf32, #tpu.memory_space<vmem>>, vector<128xf32>
    tpu.vector_store %arg4[%swap3A_133], %squeeze3A_132 {strides = array<i32>} : memref<8192xf32, #tpu.memory_space<vmem>>, vector<128xf32>,
    %slice3A_135 = vector.extract_strided_slice %select_n3A_21 {offsets = [29, 0], sizes = [1, 128], strides = [1, 1]} : vector<64x128xf32> to vector<1x128xf32>
    %squeeze3A_136 = vector.shape_cast %slice3A_135 : vector<1x128xf32> to vector<128xf32>
    %swap3A_137 = arith.constant 3712 : index
    %swap3A_138 = vector.load %arg4[%swap3A_137] : memref<8192xf32, #tpu.memory_space<vmem>>, vector<128xf32>
    tpu.vector_store %arg4[%swap3A_137], %squeeze3A_136 {strides = array<i32>} : memref<8192xf32, #tpu.memory_space<vmem>>, vector<128xf32>,
    %slice3A_139 = vector.extract_strided_slice %select_n3A_21 {offsets = [30, 0], sizes = [1, 128], strides = [1, 1]} : vector<64x128xf32> to vector<1x128xf32>
    %squeeze3A_140 = vector.shape_cast %slice3A_139 : vector<1x128xf32> to vector<128xf32>
    %swap3A_141 = arith.constant 3840 : index
    %swap3A_142 = vector.load %arg4[%swap3A_141] : memref<8192xf32, #tpu.memory_space<vmem>>, vector<128xf32>
    tpu.vector_store %arg4[%swap3A_141], %squeeze3A_140 {strides = array<i32>} : memref<8192xf32, #tpu.memory_space<vmem>>, vector<128xf32>,
    %slice3A_143 = vector.extract_strided_slice %select_n3A_21 {offsets = [31, 0], sizes = [1, 128], strides = [1, 1]} : vector<64x128xf32> to vector<1x128xf32>
    %squeeze3A_144 = vector.shape_cast %slice3A_143 : vector<1x128xf32> to vector<128xf32>
    %swap3A_145 = arith.constant 3968 : index
    %swap3A_146 = vector.load %arg4[%swap3A_145] : memref<8192xf32, #tpu.memory_space<vmem>>, vector<128xf32>
    tpu.vector_store %arg4[%swap3A_145], %squeeze3A_144 {strides = array<i32>} : memref<8192xf32, #tpu.memory_space<vmem>>, vector<128xf32>,
    %slice3A_147 = vector.extract_strided_slice %select_n3A_21 {offsets = [32, 0], sizes = [1, 128], strides = [1, 1]} : vector<64x128xf32> to vector<1x128xf32>
    %squeeze3A_148 = vector.shape_cast %slice3A_147 : vector<1x128xf32> to vector<128xf32>
    %swap3A_149 = arith.constant 4096 : index
    %swap3A_150 = vector.load %arg4[%swap3A_149] : memref<8192xf32, #tpu.memory_space<vmem>>, vector<128xf32>
    tpu.vector_store %arg4[%swap3A_149], %squeeze3A_148 {strides = array<i32>} : memref<8192xf32, #tpu.memory_space<vmem>>, vector<128xf32>,
    %slice3A_151 = vector.extract_strided_slice %select_n3A_21 {offsets = [33, 0], sizes = [1, 128], strides = [1, 1]} : vector<64x128xf32> to vector<1x128xf32>
    %squeeze3A_152 = vector.shape_cast %slice3A_151 : vector<1x128xf32> to vector<128xf32>
    %swap3A_153 = arith.constant 4224 : index
    %swap3A_154 = vector.load %arg4[%swap3A_153] : memref<8192xf32, #tpu.memory_space<vmem>>, vector<128xf32>
    tpu.vector_store %arg4[%swap3A_153], %squeeze3A_152 {strides = array<i32>} : memref<8192xf32, #tpu.memory_space<vmem>>, vector<128xf32>,
    %slice3A_155 = vector.extract_strided_slice %select_n3A_21 {offsets = [34, 0], sizes = [1, 128], strides = [1, 1]} : vector<64x128xf32> to vector<1x128xf32>
    %squeeze3A_156 = vector.shape_cast %slice3A_155 : vector<1x128xf32> to vector<128xf32>
    %swap3A_157 = arith.constant 4352 : index
    %swap3A_158 = vector.load %arg4[%swap3A_157] : memref<8192xf32, #tpu.memory_space<vmem>>, vector<128xf32>
    tpu.vector_store %arg4[%swap3A_157], %squeeze3A_156 {strides = array<i32>} : memref<8192xf32, #tpu.memory_space<vmem>>, vector<128xf32>,
    %slice3A_159 = vector.extract_strided_slice %select_n3A_21 {offsets = [35, 0], sizes = [1, 128], strides = [1, 1]} : vector<64x128xf32> to vector<1x128xf32>
    %squeeze3A_160 = vector.shape_cast %slice3A_159 : vector<1x128xf32> to vector<128xf32>
    %swap3A_161 = arith.constant 4480 : index
    %swap3A_162 = vector.load %arg4[%swap3A_161] : memref<8192xf32, #tpu.memory_space<vmem>>, vector<128xf32>
    tpu.vector_store %arg4[%swap3A_161], %squeeze3A_160 {strides = array<i32>} : memref<8192xf32, #tpu.memory_space<vmem>>, vector<128xf32>,
    %slice3A_163 = vector.extract_strided_slice %select_n3A_21 {offsets = [36, 0], sizes = [1, 128], strides = [1, 1]} : vector<64x128xf32> to vector<1x128xf32>
    %squeeze3A_164 = vector.shape_cast %slice3A_163 : vector<1x128xf32> to vector<128xf32>
    %swap3A_165 = arith.constant 4608 : index
    %swap3A_166 = vector.load %arg4[%swap3A_165] : memref<8192xf32, #tpu.memory_space<vmem>>, vector<128xf32>
    tpu.vector_store %arg4[%swap3A_165], %squeeze3A_164 {strides = array<i32>} : memref<8192xf32, #tpu.memory_space<vmem>>, vector<128xf32>,
    %slice3A_167 = vector.extract_strided_slice %select_n3A_21 {offsets = [37, 0], sizes = [1, 128], strides = [1, 1]} : vector<64x128xf32> to vector<1x128xf32>
    %squeeze3A_168 = vector.shape_cast %slice3A_167 : vector<1x128xf32> to vector<128xf32>
    %swap3A_169 = arith.constant 4736 : index
    %swap3A_170 = vector.load %arg4[%swap3A_169] : memref<8192xf32, #tpu.memory_space<vmem>>, vector<128xf32>
    tpu.vector_store %arg4[%swap3A_169], %squeeze3A_168 {strides = array<i32>} : memref<8192xf32, #tpu.memory_space<vmem>>, vector<128xf32>,
    %slice3A_171 = vector.extract_strided_slice %select_n3A_21 {offsets = [38, 0], sizes = [1, 128], strides = [1, 1]} : vector<64x128xf32> to vector<1x128xf32>
    %squeeze3A_172 = vector.shape_cast %slice3A_171 : vector<1x128xf32> to vector<128xf32>
    %swap3A_173 = arith.constant 4864 : index
    %swap3A_174 = vector.load %arg4[%swap3A_173] : memref<8192xf32, #tpu.memory_space<vmem>>, vector<128xf32>
    tpu.vector_store %arg4[%swap3A_173], %squeeze3A_172 {strides = array<i32>} : memref<8192xf32, #tpu.memory_space<vmem>>, vector<128xf32>,
    %slice3A_175 = vector.extract_strided_slice %select_n3A_21 {offsets = [39, 0], sizes = [1, 128], strides = [1, 1]} : vector<64x128xf32> to vector<1x128xf32>
    %squeeze3A_176 = vector.shape_cast %slice3A_175 : vector<1x128xf32> to vector<128xf32>
    %swap3A_177 = arith.constant 4992 : index
    %swap3A_178 = vector.load %arg4[%swap3A_177] : memref<8192xf32, #tpu.memory_space<vmem>>, vector<128xf32>
    tpu.vector_store %arg4[%swap3A_177], %squeeze3A_176 {strides = array<i32>} : memref<8192xf32, #tpu.memory_space<vmem>>, vector<128xf32>,
    %slice3A_179 = vector.extract_strided_slice %select_n3A_21 {offsets = [40, 0], sizes = [1, 128], strides = [1, 1]} : vector<64x128xf32> to vector<1x128xf32>
    %squeeze3A_180 = vector.shape_cast %slice3A_179 : vector<1x128xf32> to vector<128xf32>
    %swap3A_181 = arith.constant 5120 : index
    %swap3A_182 = vector.load %arg4[%swap3A_181] : memref<8192xf32, #tpu.memory_space<vmem>>, vector<128xf32>
    tpu.vector_store %arg4[%swap3A_181], %squeeze3A_180 {strides = array<i32>} : memref<8192xf32, #tpu.memory_space<vmem>>, vector<128xf32>,
    %slice3A_183 = vector.extract_strided_slice %select_n3A_21 {offsets = [41, 0], sizes = [1, 128], strides = [1, 1]} : vector<64x128xf32> to vector<1x128xf32>
    %squeeze3A_184 = vector.shape_cast %slice3A_183 : vector<1x128xf32> to vector<128xf32>
    %swap3A_185 = arith.constant 5248 : index
    %swap3A_186 = vector.load %arg4[%swap3A_185] : memref<8192xf32, #tpu.memory_space<vmem>>, vector<128xf32>
    tpu.vector_store %arg4[%swap3A_185], %squeeze3A_184 {strides = array<i32>} : memref<8192xf32, #tpu.memory_space<vmem>>, vector<128xf32>,
    %slice3A_187 = vector.extract_strided_slice %select_n3A_21 {offsets = [42, 0], sizes = [1, 128], strides = [1, 1]} : vector<64x128xf32> to vector<1x128xf32>
    %squeeze3A_188 = vector.shape_cast %slice3A_187 : vector<1x128xf32> to vector<128xf32>
    %swap3A_189 = arith.constant 5376 : index
    %swap3A_190 = vector.load %arg4[%swap3A_189] : memref<8192xf32, #tpu.memory_space<vmem>>, vector<128xf32>
    tpu.vector_store %arg4[%swap3A_189], %squeeze3A_188 {strides = array<i32>} : memref<8192xf32, #tpu.memory_space<vmem>>, vector<128xf32>,
    %slice3A_191 = vector.extract_strided_slice %select_n3A_21 {offsets = [43, 0], sizes = [1, 128], strides = [1, 1]} : vector<64x128xf32> to vector<1x128xf32>
    %squeeze3A_192 = vector.shape_cast %slice3A_191 : vector<1x128xf32> to vector<128xf32>
    %swap3A_193 = arith.constant 5504 : index
    %swap3A_194 = vector.load %arg4[%swap3A_193] : memref<8192xf32, #tpu.memory_space<vmem>>, vector<128xf32>
    tpu.vector_store %arg4[%swap3A_193], %squeeze3A_192 {strides = array<i32>} : memref<8192xf32, #tpu.memory_space<vmem>>, vector<128xf32>,
    %slice3A_195 = vector.extract_strided_slice %select_n3A_21 {offsets = [44, 0], sizes = [1, 128], strides = [1, 1]} : vector<64x128xf32> to vector<1x128xf32>
    %squeeze3A_196 = vector.shape_cast %slice3A_195 : vector<1x128xf32> to vector<128xf32>
    %swap3A_197 = arith.constant 5632 : index
    %swap3A_198 = vector.load %arg4[%swap3A_197] : memref<8192xf32, #tpu.memory_space<vmem>>, vector<128xf32>
    tpu.vector_store %arg4[%swap3A_197], %squeeze3A_196 {strides = array<i32>} : memref<8192xf32, #tpu.memory_space<vmem>>, vector<128xf32>,
    %slice3A_199 = vector.extract_strided_slice %select_n3A_21 {offsets = [45, 0], sizes = [1, 128], strides = [1, 1]} : vector<64x128xf32> to vector<1x128xf32>
    %squeeze3A_200 = vector.shape_cast %slice3A_199 : vector<1x128xf32> to vector<128xf32>
    %swap3A_201 = arith.constant 5760 : index
    %swap3A_202 = vector.load %arg4[%swap3A_201] : memref<8192xf32, #tpu.memory_space<vmem>>, vector<128xf32>
    tpu.vector_store %arg4[%swap3A_201], %squeeze3A_200 {strides = array<i32>} : memref<8192xf32, #tpu.memory_space<vmem>>, vector<128xf32>,
    %slice3A_203 = vector.extract_strided_slice %select_n3A_21 {offsets = [46, 0], sizes = [1, 128], strides = [1, 1]} : vector<64x128xf32> to vector<1x128xf32>
    %squeeze3A_204 = vector.shape_cast %slice3A_203 : vector<1x128xf32> to vector<128xf32>
    %swap3A_205 = arith.constant 5888 : index
    %swap3A_206 = vector.load %arg4[%swap3A_205] : memref<8192xf32, #tpu.memory_space<vmem>>, vector<128xf32>
    tpu.vector_store %arg4[%swap3A_205], %squeeze3A_204 {strides = array<i32>} : memref<8192xf32, #tpu.memory_space<vmem>>, vector<128xf32>,
    %slice3A_207 = vector.extract_strided_slice %select_n3A_21 {offsets = [47, 0], sizes = [1, 128], strides = [1, 1]} : vector<64x128xf32> to vector<1x128xf32>
    %squeeze3A_208 = vector.shape_cast %slice3A_207 : vector<1x128xf32> to vector<128xf32>
    %swap3A_209 = arith.constant 6016 : index
    %swap3A_210 = vector.load %arg4[%swap3A_209] : memref<8192xf32, #tpu.memory_space<vmem>>, vector<128xf32>
    tpu.vector_store %arg4[%swap3A_209], %squeeze3A_208 {strides = array<i32>} : memref<8192xf32, #tpu.memory_space<vmem>>, vector<128xf32>,
    %slice3A_211 = vector.extract_strided_slice %select_n3A_21 {offsets = [48, 0], sizes = [1, 128], strides = [1, 1]} : vector<64x128xf32> to vector<1x128xf32>
    %squeeze3A_212 = vector.shape_cast %slice3A_211 : vector<1x128xf32> to vector<128xf32>
    %swap3A_213 = arith.constant 6144 : index
    %swap3A_214 = vector.load %arg4[%swap3A_213] : memref<8192xf32, #tpu.memory_space<vmem>>, vector<128xf32>
    tpu.vector_store %arg4[%swap3A_213], %squeeze3A_212 {strides = array<i32>} : memref<8192xf32, #tpu.memory_space<vmem>>, vector<128xf32>,
    %slice3A_215 = vector.extract_strided_slice %select_n3A_21 {offsets = [49, 0], sizes = [1, 128], strides = [1, 1]} : vector<64x128xf32> to vector<1x128xf32>
    %squeeze3A_216 = vector.shape_cast %slice3A_215 : vector<1x128xf32> to vector<128xf32>
    %swap3A_217 = arith.constant 6272 : index
    %swap3A_218 = vector.load %arg4[%swap3A_217] : memref<8192xf32, #tpu.memory_space<vmem>>, vector<128xf32>
    tpu.vector_store %arg4[%swap3A_217], %squeeze3A_216 {strides = array<i32>} : memref<8192xf32, #tpu.memory_space<vmem>>, vector<128xf32>,
    %slice3A_219 = vector.extract_strided_slice %select_n3A_21 {offsets = [50, 0], sizes = [1, 128], strides = [1, 1]} : vector<64x128xf32> to vector<1x128xf32>
    %squeeze3A_220 = vector.shape_cast %slice3A_219 : vector<1x128xf32> to vector<128xf32>
    %swap3A_221 = arith.constant 6400 : index
    %swap3A_222 = vector.load %arg4[%swap3A_221] : memref<8192xf32, #tpu.memory_space<vmem>>, vector<128xf32>
    tpu.vector_store %arg4[%swap3A_221], %squeeze3A_220 {strides = array<i32>} : memref<8192xf32, #tpu.memory_space<vmem>>, vector<128xf32>,
    %slice3A_223 = vector.extract_strided_slice %select_n3A_21 {offsets = [51, 0], sizes = [1, 128], strides = [1, 1]} : vector<64x128xf32> to vector<1x128xf32>
    %squeeze3A_224 = vector.shape_cast %slice3A_223 : vector<1x128xf32> to vector<128xf32>
    %swap3A_225 = arith.constant 6528 : index
    %swap3A_226 = vector.load %arg4[%swap3A_225] : memref<8192xf32, #tpu.memory_space<vmem>>, vector<128xf32>
    tpu.vector_store %arg4[%swap3A_225], %squeeze3A_224 {strides = array<i32>} : memref<8192xf32, #tpu.memory_space<vmem>>, vector<128xf32>,
    %slice3A_227 = vector.extract_strided_slice %select_n3A_21 {offsets = [52, 0], sizes = [1, 128], strides = [1, 1]} : vector<64x128xf32> to vector<1x128xf32>
    %squeeze3A_228 = vector.shape_cast %slice3A_227 : vector<1x128xf32> to vector<128xf32>
    %swap3A_229 = arith.constant 6656 : index
    %swap3A_230 = vector.load %arg4[%swap3A_229] : memref<8192xf32, #tpu.memory_space<vmem>>, vector<128xf32>
    tpu.vector_store %arg4[%swap3A_229], %squeeze3A_228 {strides = array<i32>} : memref<8192xf32, #tpu.memory_space<vmem>>, vector<128xf32>,
    %slice3A_231 = vector.extract_strided_slice %select_n3A_21 {offsets = [53, 0], sizes = [1, 128], strides = [1, 1]} : vector<64x128xf32> to vector<1x128xf32>
    %squeeze3A_232 = vector.shape_cast %slice3A_231 : vector<1x128xf32> to vector<128xf32>
    %swap3A_233 = arith.constant 6784 : index
    %swap3A_234 = vector.load %arg4[%swap3A_233] : memref<8192xf32, #tpu.memory_space<vmem>>, vector<128xf32>
    tpu.vector_store %arg4[%swap3A_233], %squeeze3A_232 {strides = array<i32>} : memref<8192xf32, #tpu.memory_space<vmem>>, vector<128xf32>,
    %slice3A_235 = vector.extract_strided_slice %select_n3A_21 {offsets = [54, 0], sizes = [1, 128], strides = [1, 1]} : vector<64x128xf32> to vector<1x128xf32>
    %squeeze3A_236 = vector.shape_cast %slice3A_235 : vector<1x128xf32> to vector<128xf32>
    %swap3A_237 = arith.constant 6912 : index
    %swap3A_238 = vector.load %arg4[%swap3A_237] : memref<8192xf32, #tpu.memory_space<vmem>>, vector<128xf32>
    tpu.vector_store %arg4[%swap3A_237], %squeeze3A_236 {strides = array<i32>} : memref<8192xf32, #tpu.memory_space<vmem>>, vector<128xf32>,
    %slice3A_239 = vector.extract_strided_slice %select_n3A_21 {offsets = [55, 0], sizes = [1, 128], strides = [1, 1]} : vector<64x128xf32> to vector<1x128xf32>
    %squeeze3A_240 = vector.shape_cast %slice3A_239 : vector<1x128xf32> to vector<128xf32>
    %swap3A_241 = arith.constant 7040 : index
    %swap3A_242 = vector.load %arg4[%swap3A_241] : memref<8192xf32, #tpu.memory_space<vmem>>, vector<128xf32>
    tpu.vector_store %arg4[%swap3A_241], %squeeze3A_240 {strides = array<i32>} : memref<8192xf32, #tpu.memory_space<vmem>>, vector<128xf32>,
    %slice3A_243 = vector.extract_strided_slice %select_n3A_21 {offsets = [56, 0], sizes = [1, 128], strides = [1, 1]} : vector<64x128xf32> to vector<1x128xf32>
    %squeeze3A_244 = vector.shape_cast %slice3A_243 : vector<1x128xf32> to vector<128xf32>
    %swap3A_245 = arith.constant 7168 : index
    %swap3A_246 = vector.load %arg4[%swap3A_245] : memref<8192xf32, #tpu.memory_space<vmem>>, vector<128xf32>
    tpu.vector_store %arg4[%swap3A_245], %squeeze3A_244 {strides = array<i32>} : memref<8192xf32, #tpu.memory_space<vmem>>, vector<128xf32>,
    %slice3A_247 = vector.extract_strided_slice %select_n3A_21 {offsets = [57, 0], sizes = [1, 128], strides = [1, 1]} : vector<64x128xf32> to vector<1x128xf32>
    %squeeze3A_248 = vector.shape_cast %slice3A_247 : vector<1x128xf32> to vector<128xf32>
    %swap3A_249 = arith.constant 7296 : index
    %swap3A_250 = vector.load %arg4[%swap3A_249] : memref<8192xf32, #tpu.memory_space<vmem>>, vector<128xf32>
    tpu.vector_store %arg4[%swap3A_249], %squeeze3A_248 {strides = array<i32>} : memref<8192xf32, #tpu.memory_space<vmem>>, vector<128xf32>,
    %slice3A_251 = vector.extract_strided_slice %select_n3A_21 {offsets = [58, 0], sizes = [1, 128], strides = [1, 1]} : vector<64x128xf32> to vector<1x128xf32>
    %squeeze3A_252 = vector.shape_cast %slice3A_251 : vector<1x128xf32> to vector<128xf32>
    %swap3A_253 = arith.constant 7424 : index
    %swap3A_254 = vector.load %arg4[%swap3A_253] : memref<8192xf32, #tpu.memory_space<vmem>>, vector<128xf32>
    tpu.vector_store %arg4[%swap3A_253], %squeeze3A_252 {strides = array<i32>} : memref<8192xf32, #tpu.memory_space<vmem>>, vector<128xf32>,
    %slice3A_255 = vector.extract_strided_slice %select_n3A_21 {offsets = [59, 0], sizes = [1, 128], strides = [1, 1]} : vector<64x128xf32> to vector<1x128xf32>
    %squeeze3A_256 = vector.shape_cast %slice3A_255 : vector<1x128xf32> to vector<128xf32>
    %swap3A_257 = arith.constant 7552 : index
    %swap3A_258 = vector.load %arg4[%swap3A_257] : memref<8192xf32, #tpu.memory_space<vmem>>, vector<128xf32>
    tpu.vector_store %arg4[%swap3A_257], %squeeze3A_256 {strides = array<i32>} : memref<8192xf32, #tpu.memory_space<vmem>>, vector<128xf32>,
    %slice3A_259 = vector.extract_strided_slice %select_n3A_21 {offsets = [60, 0], sizes = [1, 128], strides = [1, 1]} : vector<64x128xf32> to vector<1x128xf32>
    %squeeze3A_260 = vector.shape_cast %slice3A_259 : vector<1x128xf32> to vector<128xf32>
    %swap3A_261 = arith.constant 7680 : index
    %swap3A_262 = vector.load %arg4[%swap3A_261] : memref<8192xf32, #tpu.memory_space<vmem>>, vector<128xf32>
    tpu.vector_store %arg4[%swap3A_261], %squeeze3A_260 {strides = array<i32>} : memref<8192xf32, #tpu.memory_space<vmem>>, vector<128xf32>,
    %slice3A_263 = vector.extract_strided_slice %select_n3A_21 {offsets = [61, 0], sizes = [1, 128], strides = [1, 1]} : vector<64x128xf32> to vector<1x128xf32>
    %squeeze3A_264 = vector.shape_cast %slice3A_263 : vector<1x128xf32> to vector<128xf32>
    %swap3A_265 = arith.constant 7808 : index
    %swap3A_266 = vector.load %arg4[%swap3A_265] : memref<8192xf32, #tpu.memory_space<vmem>>, vector<128xf32>
    tpu.vector_store %arg4[%swap3A_265], %squeeze3A_264 {strides = array<i32>} : memref<8192xf32, #tpu.memory_space<vmem>>, vector<128xf32>,
    %slice3A_267 = vector.extract_strided_slice %select_n3A_21 {offsets = [62, 0], sizes = [1, 128], strides = [1, 1]} : vector<64x128xf32> to vector<1x128xf32>
    %squeeze3A_268 = vector.shape_cast %slice3A_267 : vector<1x128xf32> to vector<128xf32>
    %swap3A_269 = arith.constant 7936 : index
    %swap3A_270 = vector.load %arg4[%swap3A_269] : memref<8192xf32, #tpu.memory_space<vmem>>, vector<128xf32>
    tpu.vector_store %arg4[%swap3A_269], %squeeze3A_268 {strides = array<i32>} : memref<8192xf32, #tpu.memory_space<vmem>>, vector<128xf32>,
    %slice3A_271 = vector.extract_strided_slice %select_n3A_21 {offsets = [63, 0], sizes = [1, 128], strides = [1, 1]} : vector<64x128xf32> to vector<1x128xf32>
    %squeeze3A_272 = vector.shape_cast %slice3A_271 : vector<1x128xf32> to vector<128xf32>
    %swap3A_273 = arith.constant 8064 : index
    %swap3A_274 = vector.load %arg4[%swap3A_273] : memref<8192xf32, #tpu.memory_space<vmem>>, vector<128xf32>
    tpu.vector_store %arg4[%swap3A_273], %squeeze3A_272 {strides = array<i32>} : memref<8192xf32, #tpu.memory_space<vmem>>, vector<128xf32>,
    %get3A_275 = arith.constant 0 : index
    %get3A_276 = memref.load %arg0[%get3A_275] : memref<64xi32, #tpu.memory_space<smem>>
    %jit3A_277 = arith.constant 128 : i32
    %div3A = arith.divsi %get3A_276, %jit3A_277 : i32
    %sign3A = arith.constant 0 : i32
    %sign3A_278 = arith.cmpi sgt, %get3A_276, %sign3A : i32
    %sign3A_279 = arith.extui %sign3A_278 : i1 to i32
    %sign3A_280 = arith.constant 0 : i32
    %sign3A_281 = arith.cmpi slt, %get3A_276, %sign3A_280 : i32
    %sign3A_282 = arith.extui %sign3A_281 : i1 to i32
    %sign3A_283 = arith.subi %sign3A_279, %sign3A_282 : i32
    %sign3A_284 = arith.constant 0 : i32
    %sign3A_285 = arith.cmpi sgt, %jit3A_277, %sign3A_284 : i32
    %sign3A_286 = arith.extui %sign3A_285 : i1 to i32
    %sign3A_287 = arith.constant 0 : i32
    %sign3A_288 = arith.cmpi slt, %jit3A_277, %sign3A_287 : i32
    %sign3A_289 = arith.extui %sign3A_288 : i1 to i32
    %sign3A_290 = arith.subi %sign3A_286, %sign3A_289 : i32
    %ne3A_291 = arith.cmpi ne, %sign3A_283, %sign3A_290 : i32
    %rem3A_292 = arith.remsi %get3A_276, %jit3A_277 : i32
    %ne3A_293 = arith.constant 0 : i32
    %ne3A_294 = arith.cmpi ne, %rem3A_292, %ne3A_293 : i32
    %and3A_295 = arith.andi %ne3A_291, %ne3A_294 : i1
    %sub3A = arith.constant 1 : i32
    %sub3A_296 = arith.subi %div3A, %sub3A : i32
    %select_n3A_297 = arith.select %and3A_295, %sub3A_296, %div3A : i32
    %mul3A = arith.constant 128 : i32
    %mul3A_298 = arith.muli %select_n3A_297, %mul3A : i32
    %add3A_299 = arith.constant 0 : i32
    %add3A_300 = arith.addi %add3A_299, %mul3A_298 : i32
    %dma_start3A = tpu.memref_slice %arg3[%add3A_300] : memref<8208384xf32, #tpu.memory_space<hbm>> -> memref<128xf32, #tpu.memory_space<hbm>>
    %dma_start3A_301 = arith.constant 0 : i32
    %dma_start3A_302 = tpu.memref_slice %arg4[%dma_start3A_301] : memref<8192xf32, #tpu.memory_space<vmem>> -> memref<128xf32, #tpu.memory_space<vmem>>
    tpu.enqueue_dma source(%dma_start3A_302 : memref<128xf32, #tpu.memory_space<vmem>>) target(%dma_start3A : memref<128xf32, #tpu.memory_space<hbm>>) target_semaphore(%arg5 : memref<!tpu.dma_semaphore, #tpu.memory_space<semaphore_mem>>)
    %get3A_303 = arith.constant 1 : index
    %get3A_304 = memref.load %arg0[%get3A_303] : memref<64xi32, #tpu.memory_space<smem>>
    %jit3A_305 = arith.constant 128 : i32
    %div3A_306 = arith.divsi %get3A_304, %jit3A_305 : i32
    %sign3A_307 = arith.constant 0 : i32
    %sign3A_308 = arith.cmpi sgt, %get3A_304, %sign3A_307 : i32
    %sign3A_309 = arith.extui %sign3A_308 : i1 to i32
    %sign3A_310 = arith.constant 0 : i32
    %sign3A_311 = arith.cmpi slt, %get3A_304, %sign3A_310 : i32
    %sign3A_312 = arith.extui %sign3A_311 : i1 to i32
    %sign3A_313 = arith.subi %sign3A_309, %sign3A_312 : i32
    %sign3A_314 = arith.constant 0 : i32
    %sign3A_315 = arith.cmpi sgt, %jit3A_305, %sign3A_314 : i32
    %sign3A_316 = arith.extui %sign3A_315 : i1 to i32
    %sign3A_317 = arith.constant 0 : i32
    %sign3A_318 = arith.cmpi slt, %jit3A_305, %sign3A_317 : i32
    %sign3A_319 = arith.extui %sign3A_318 : i1 to i32
    %sign3A_320 = arith.subi %sign3A_316, %sign3A_319 : i32
    %ne3A_321 = arith.cmpi ne, %sign3A_313, %sign3A_320 : i32
    %rem3A_322 = arith.remsi %get3A_304, %jit3A_305 : i32
    %ne3A_323 = arith.constant 0 : i32
    %ne3A_324 = arith.cmpi ne, %rem3A_322, %ne3A_323 : i32
    %and3A_325 = arith.andi %ne3A_321, %ne3A_324 : i1
    %sub3A_326 = arith.constant 1 : i32
    %sub3A_327 = arith.subi %div3A_306, %sub3A_326 : i32
    %select_n3A_328 = arith.select %and3A_325, %sub3A_327, %div3A_306 : i32
    %mul3A_329 = arith.constant 128 : i32
    %mul3A_330 = arith.muli %select_n3A_328, %mul3A_329 : i32
    %add3A_331 = arith.constant 128256 : i32
    %add3A_332 = arith.addi %add3A_331, %mul3A_330 : i32
    %dma_start3A_333 = tpu.memref_slice %arg3[%add3A_332] : memref<8208384xf32, #tpu.memory_space<hbm>> -> memref<128xf32, #tpu.memory_space<hbm>>
    %dma_start3A_334 = arith.constant 128 : i32
    %dma_start3A_335 = tpu.memref_slice %arg4[%dma_start3A_334] : memref<8192xf32, #tpu.memory_space<vmem>> -> memref<128xf32, #tpu.memory_space<vmem>>
    tpu.enqueue_dma source(%dma_start3A_335 : memref<128xf32, #tpu.memory_space<vmem>>) target(%dma_start3A_333 : memref<128xf32, #tpu.memory_space<hbm>>) target_semaphore(%arg5 : memref<!tpu.dma_semaphore, #tpu.memory_space<semaphore_mem>>)
    %get3A_336 = arith.constant 2 : index
    %get3A_337 = memref.load %arg0[%get3A_336] : memref<64xi32, #tpu.memory_space<smem>>
    %jit3A_338 = arith.constant 128 : i32
    %div3A_339 = arith.divsi %get3A_337, %jit3A_338 : i32
    %sign3A_340 = arith.constant 0 : i32
    %sign3A_341 = arith.cmpi sgt, %get3A_337, %sign3A_340 : i32
    %sign3A_342 = arith.extui %sign3A_341 : i1 to i32
    %sign3A_343 = arith.constant 0 : i32
    %sign3A_344 = arith.cmpi slt, %get3A_337, %sign3A_343 : i32
    %sign3A_345 = arith.extui %sign3A_344 : i1 to i32
    %sign3A_346 = arith.subi %sign3A_342, %sign3A_345 : i32
    %sign3A_347 = arith.constant 0 : i32
    %sign3A_348 = arith.cmpi sgt, %jit3A_338, %sign3A_347 : i32
    %sign3A_349 = arith.extui %sign3A_348 : i1 to i32
    %sign3A_350 = arith.constant 0 : i32
    %sign3A_351 = arith.cmpi slt, %jit3A_338, %sign3A_350 : i32
    %sign3A_352 = arith.extui %sign3A_351 : i1 to i32
    %sign3A_353 = arith.subi %sign3A_349, %sign3A_352 : i32
    %ne3A_354 = arith.cmpi ne, %sign3A_346, %sign3A_353 : i32
    %rem3A_355 = arith.remsi %get3A_337, %jit3A_338 : i32
    %ne3A_356 = arith.constant 0 : i32
    %ne3A_357 = arith.cmpi ne, %rem3A_355, %ne3A_356 : i32
    %and3A_358 = arith.andi %ne3A_354, %ne3A_357 : i1
    %sub3A_359 = arith.constant 1 : i32
    %sub3A_360 = arith.subi %div3A_339, %sub3A_359 : i32
    %select_n3A_361 = arith.select %and3A_358, %sub3A_360, %div3A_339 : i32
    %mul3A_362 = arith.constant 128 : i32
    %mul3A_363 = arith.muli %select_n3A_361, %mul3A_362 : i32
    %add3A_364 = arith.constant 256512 : i32
    %add3A_365 = arith.addi %add3A_364, %mul3A_363 : i32
    %dma_start3A_366 = tpu.memref_slice %arg3[%add3A_365] : memref<8208384xf32, #tpu.memory_space<hbm>> -> memref<128xf32, #tpu.memory_space<hbm>>
    %dma_start3A_367 = arith.constant 256 : i32
    %dma_start3A_368 = tpu.memref_slice %arg4[%dma_start3A_367] : memref<8192xf32, #tpu.memory_space<vmem>> -> memref<128xf32, #tpu.memory_space<vmem>>
    tpu.enqueue_dma source(%dma_start3A_368 : memref<128xf32, #tpu.memory_space<vmem>>) target(%dma_start3A_366 : memref<128xf32, #tpu.memory_space<hbm>>) target_semaphore(%arg5 : memref<!tpu.dma_semaphore, #tpu.memory_space<semaphore_mem>>)
    %get3A_369 = arith.constant 3 : index
    %get3A_370 = memref.load %arg0[%get3A_369] : memref<64xi32, #tpu.memory_space<smem>>
    %jit3A_371 = arith.constant 128 : i32
    %div3A_372 = arith.divsi %get3A_370, %jit3A_371 : i32
    %sign3A_373 = arith.constant 0 : i32
    %sign3A_374 = arith.cmpi sgt, %get3A_370, %sign3A_373 : i32
    %sign3A_375 = arith.extui %sign3A_374 : i1 to i32
    %sign3A_376 = arith.constant 0 : i32
    %sign3A_377 = arith.cmpi slt, %get3A_370, %sign3A_376 : i32
    %sign3A_378 = arith.extui %sign3A_377 : i1 to i32
    %sign3A_379 = arith.subi %sign3A_375, %sign3A_378 : i32
    %sign3A_380 = arith.constant 0 : i32
    %sign3A_381 = arith.cmpi sgt, %jit3A_371, %sign3A_380 : i32
    %sign3A_382 = arith.extui %sign3A_381 : i1 to i32
    %sign3A_383 = arith.constant 0 : i32
    %sign3A_384 = arith.cmpi slt, %jit3A_371, %sign3A_383 : i32
    %sign3A_385 = arith.extui %sign3A_384 : i1 to i32
    %sign3A_386 = arith.subi %sign3A_382, %sign3A_385 : i32
    %ne3A_387 = arith.cmpi ne, %sign3A_379, %sign3A_386 : i32
    %rem3A_388 = arith.remsi %get3A_370, %jit3A_371 : i32
    %ne3A_389 = arith.constant 0 : i32
    %ne3A_390 = arith.cmpi ne, %rem3A_388, %ne3A_389 : i32
    %and3A_391 = arith.andi %ne3A_387, %ne3A_390 : i1
    %sub3A_392 = arith.constant 1 : i32
    %sub3A_393 = arith.subi %div3A_372, %sub3A_392 : i32
    %select_n3A_394 = arith.select %and3A_391, %sub3A_393, %div3A_372 : i32
    %mul3A_395 = arith.constant 128 : i32
    %mul3A_396 = arith.muli %select_n3A_394, %mul3A_395 : i32
    %add3A_397 = arith.constant 384768 : i32
    %add3A_398 = arith.addi %add3A_397, %mul3A_396 : i32
    %dma_start3A_399 = tpu.memref_slice %arg3[%add3A_398] : memref<8208384xf32, #tpu.memory_space<hbm>> -> memref<128xf32, #tpu.memory_space<hbm>>
    %dma_start3A_400 = arith.constant 384 : i32
    %dma_start3A_401 = tpu.memref_slice %arg4[%dma_start3A_400] : memref<8192xf32, #tpu.memory_space<vmem>> -> memref<128xf32, #tpu.memory_space<vmem>>
    tpu.enqueue_dma source(%dma_start3A_401 : memref<128xf32, #tpu.memory_space<vmem>>) target(%dma_start3A_399 : memref<128xf32, #tpu.memory_space<hbm>>) target_semaphore(%arg5 : memref<!tpu.dma_semaphore, #tpu.memory_space<semaphore_mem>>)
    %get3A_402 = arith.constant 4 : index
    %get3A_403 = memref.load %arg0[%get3A_402] : memref<64xi32, #tpu.memory_space<smem>>
    %jit3A_404 = arith.constant 128 : i32
    %div3A_405 = arith.divsi %get3A_403, %jit3A_404 : i32
    %sign3A_406 = arith.constant 0 : i32
    %sign3A_407 = arith.cmpi sgt, %get3A_403, %sign3A_406 : i32
    %sign3A_408 = arith.extui %sign3A_407 : i1 to i32
    %sign3A_409 = arith.constant 0 : i32
    %sign3A_410 = arith.cmpi slt, %get3A_403, %sign3A_409 : i32
    %sign3A_411 = arith.extui %sign3A_410 : i1 to i32
    %sign3A_412 = arith.subi %sign3A_408, %sign3A_411 : i32
    %sign3A_413 = arith.constant 0 : i32
    %sign3A_414 = arith.cmpi sgt, %jit3A_404, %sign3A_413 : i32
    %sign3A_415 = arith.extui %sign3A_414 : i1 to i32
    %sign3A_416 = arith.constant 0 : i32
    %sign3A_417 = arith.cmpi slt, %jit3A_404, %sign3A_416 : i32
    %sign3A_418 = arith.extui %sign3A_417 : i1 to i32
    %sign3A_419 = arith.subi %sign3A_415, %sign3A_418 : i32
    %ne3A_420 = arith.cmpi ne, %sign3A_412, %sign3A_419 : i32
    %rem3A_421 = arith.remsi %get3A_403, %jit3A_404 : i32
    %ne3A_422 = arith.constant 0 : i32
    %ne3A_423 = arith.cmpi ne, %rem3A_421, %ne3A_422 : i32
    %and3A_424 = arith.andi %ne3A_420, %ne3A_423 : i1
    %sub3A_425 = arith.constant 1 : i32
    %sub3A_426 = arith.subi %div3A_405, %sub3A_425 : i32
    %select_n3A_427 = arith.select %and3A_424, %sub3A_426, %div3A_405 : i32
    %mul3A_428 = arith.constant 128 : i32
    %mul3A_429 = arith.muli %select_n3A_427, %mul3A_428 : i32
    %add3A_430 = arith.constant 513024 : i32
    %add3A_431 = arith.addi %add3A_430, %mul3A_429 : i32
    %dma_start3A_432 = tpu.memref_slice %arg3[%add3A_431] : memref<8208384xf32, #tpu.memory_space<hbm>> -> memref<128xf32, #tpu.memory_space<hbm>>
    %dma_start3A_433 = arith.constant 512 : i32
    %dma_start3A_434 = tpu.memref_slice %arg4[%dma_start3A_433] : memref<8192xf32, #tpu.memory_space<vmem>> -> memref<128xf32, #tpu.memory_space<vmem>>
    tpu.enqueue_dma source(%dma_start3A_434 : memref<128xf32, #tpu.memory_space<vmem>>) target(%dma_start3A_432 : memref<128xf32, #tpu.memory_space<hbm>>) target_semaphore(%arg5 : memref<!tpu.dma_semaphore, #tpu.memory_space<semaphore_mem>>)
    %get3A_435 = arith.constant 5 : index
    %get3A_436 = memref.load %arg0[%get3A_435] : memref<64xi32, #tpu.memory_space<smem>>
    %jit3A_437 = arith.constant 128 : i32
    %div3A_438 = arith.divsi %get3A_436, %jit3A_437 : i32
    %sign3A_439 = arith.constant 0 : i32
    %sign3A_440 = arith.cmpi sgt, %get3A_436, %sign3A_439 : i32
    %sign3A_441 = arith.extui %sign3A_440 : i1 to i32
    %sign3A_442 = arith.constant 0 : i32
    %sign3A_443 = arith.cmpi slt, %get3A_436, %sign3A_442 : i32
    %sign3A_444 = arith.extui %sign3A_443 : i1 to i32
    %sign3A_445 = arith.subi %sign3A_441, %sign3A_444 : i32
    %sign3A_446 = arith.constant 0 : i32
    %sign3A_447 = arith.cmpi sgt, %jit3A_437, %sign3A_446 : i32
    %sign3A_448 = arith.extui %sign3A_447 : i1 to i32
    %sign3A_449 = arith.constant 0 : i32
    %sign3A_450 = arith.cmpi slt, %jit3A_437, %sign3A_449 : i32
    %sign3A_451 = arith.extui %sign3A_450 : i1 to i32
    %sign3A_452 = arith.subi %sign3A_448, %sign3A_451 : i32
    %ne3A_453 = arith.cmpi ne, %sign3A_445, %sign3A_452 : i32
    %rem3A_454 = arith.remsi %get3A_436, %jit3A_437 : i32
    %ne3A_455 = arith.constant 0 : i32
    %ne3A_456 = arith.cmpi ne, %rem3A_454, %ne3A_455 : i32
    %and3A_457 = arith.andi %ne3A_453, %ne3A_456 : i1
    %sub3A_458 = arith.constant 1 : i32
    %sub3A_459 = arith.subi %div3A_438, %sub3A_458 : i32
    %select_n3A_460 = arith.select %and3A_457, %sub3A_459, %div3A_438 : i32
    %mul3A_461 = arith.constant 128 : i32
    %mul3A_462 = arith.muli %select_n3A_460, %mul3A_461 : i32
    %add3A_463 = arith.constant 641280 : i32
    %add3A_464 = arith.addi %add3A_463, %mul3A_462 : i32
    %dma_start3A_465 = tpu.memref_slice %arg3[%add3A_464] : memref<8208384xf32, #tpu.memory_space<hbm>> -> memref<128xf32, #tpu.memory_space<hbm>>
    %dma_start3A_466 = arith.constant 640 : i32
    %dma_start3A_467 = tpu.memref_slice %arg4[%dma_start3A_466] : memref<8192xf32, #tpu.memory_space<vmem>> -> memref<128xf32, #tpu.memory_space<vmem>>
    tpu.enqueue_dma source(%dma_start3A_467 : memref<128xf32, #tpu.memory_space<vmem>>) target(%dma_start3A_465 : memref<128xf32, #tpu.memory_space<hbm>>) target_semaphore(%arg5 : memref<!tpu.dma_semaphore, #tpu.memory_space<semaphore_mem>>)
    %get3A_468 = arith.constant 6 : index
    %get3A_469 = memref.load %arg0[%get3A_468] : memref<64xi32, #tpu.memory_space<smem>>
    %jit3A_470 = arith.constant 128 : i32
    %div3A_471 = arith.divsi %get3A_469, %jit3A_470 : i32
    %sign3A_472 = arith.constant 0 : i32
    %sign3A_473 = arith.cmpi sgt, %get3A_469, %sign3A_472 : i32
    %sign3A_474 = arith.extui %sign3A_473 : i1 to i32
    %sign3A_475 = arith.constant 0 : i32
    %sign3A_476 = arith.cmpi slt, %get3A_469, %sign3A_475 : i32
    %sign3A_477 = arith.extui %sign3A_476 : i1 to i32
    %sign3A_478 = arith.subi %sign3A_474, %sign3A_477 : i32
    %sign3A_479 = arith.constant 0 : i32
    %sign3A_480 = arith.cmpi sgt, %jit3A_470, %sign3A_479 : i32
    %sign3A_481 = arith.extui %sign3A_480 : i1 to i32
    %sign3A_482 = arith.constant 0 : i32
    %sign3A_483 = arith.cmpi slt, %jit3A_470, %sign3A_482 : i32
    %sign3A_484 = arith.extui %sign3A_483 : i1 to i32
    %sign3A_485 = arith.subi %sign3A_481, %sign3A_484 : i32
    %ne3A_486 = arith.cmpi ne, %sign3A_478, %sign3A_485 : i32
    %rem3A_487 = arith.remsi %get3A_469, %jit3A_470 : i32
    %ne3A_488 = arith.constant 0 : i32
    %ne3A_489 = arith.cmpi ne, %rem3A_487, %ne3A_488 : i32
    %and3A_490 = arith.andi %ne3A_486, %ne3A_489 : i1
    %sub3A_491 = arith.constant 1 : i32
    %sub3A_492 = arith.subi %div3A_471, %sub3A_491 : i32
    %select_n3A_493 = arith.select %and3A_490, %sub3A_492, %div3A_471 : i32
    %mul3A_494 = arith.constant 128 : i32
    %mul3A_495 = arith.muli %select_n3A_493, %mul3A_494 : i32
    %add3A_496 = arith.constant 769536 : i32
    %add3A_497 = arith.addi %add3A_496, %mul3A_495 : i32
    %dma_start3A_498 = tpu.memref_slice %arg3[%add3A_497] : memref<8208384xf32, #tpu.memory_space<hbm>> -> memref<128xf32, #tpu.memory_space<hbm>>
    %dma_start3A_499 = arith.constant 768 : i32
    %dma_start3A_500 = tpu.memref_slice %arg4[%dma_start3A_499] : memref<8192xf32, #tpu.memory_space<vmem>> -> memref<128xf32, #tpu.memory_space<vmem>>
    tpu.enqueue_dma source(%dma_start3A_500 : memref<128xf32, #tpu.memory_space<vmem>>) target(%dma_start3A_498 : memref<128xf32, #tpu.memory_space<hbm>>) target_semaphore(%arg5 : memref<!tpu.dma_semaphore, #tpu.memory_space<semaphore_mem>>)
    %get3A_501 = arith.constant 7 : index
    %get3A_502 = memref.load %arg0[%get3A_501] : memref<64xi32, #tpu.memory_space<smem>>
    %jit3A_503 = arith.constant 128 : i32
    %div3A_504 = arith.divsi %get3A_502, %jit3A_503 : i32
    %sign3A_505 = arith.constant 0 : i32
    %sign3A_506 = arith.cmpi sgt, %get3A_502, %sign3A_505 : i32
    %sign3A_507 = arith.extui %sign3A_506 : i1 to i32
    %sign3A_508 = arith.constant 0 : i32
    %sign3A_509 = arith.cmpi slt, %get3A_502, %sign3A_508 : i32
    %sign3A_510 = arith.extui %sign3A_509 : i1 to i32
    %sign3A_511 = arith.subi %sign3A_507, %sign3A_510 : i32
    %sign3A_512 = arith.constant 0 : i32
    %sign3A_513 = arith.cmpi sgt, %jit3A_503, %sign3A_512 : i32
    %sign3A_514 = arith.extui %sign3A_513 : i1 to i32
    %sign3A_515 = arith.constant 0 : i32
    %sign3A_516 = arith.cmpi slt, %jit3A_503, %sign3A_515 : i32
    %sign3A_517 = arith.extui %sign3A_516 : i1 to i32
    %sign3A_518 = arith.subi %sign3A_514, %sign3A_517 : i32
    %ne3A_519 = arith.cmpi ne, %sign3A_511, %sign3A_518 : i32
    %rem3A_520 = arith.remsi %get3A_502, %jit3A_503 : i32
    %ne3A_521 = arith.constant 0 : i32
    %ne3A_522 = arith.cmpi ne, %rem3A_520, %ne3A_521 : i32
    %and3A_523 = arith.andi %ne3A_519, %ne3A_522 : i1
    %sub3A_524 = arith.constant 1 : i32
    %sub3A_525 = arith.subi %div3A_504, %sub3A_524 : i32
    %select_n3A_526 = arith.select %and3A_523, %sub3A_525, %div3A_504 : i32
    %mul3A_527 = arith.constant 128 : i32
    %mul3A_528 = arith.muli %select_n3A_526, %mul3A_527 : i32
    %add3A_529 = arith.constant 897792 : i32
    %add3A_530 = arith.addi %add3A_529, %mul3A_528 : i32
    %dma_start3A_531 = tpu.memref_slice %arg3[%add3A_530] : memref<8208384xf32, #tpu.memory_space<hbm>> -> memref<128xf32, #tpu.memory_space<hbm>>
    %dma_start3A_532 = arith.constant 896 : i32
    %dma_start3A_533 = tpu.memref_slice %arg4[%dma_start3A_532] : memref<8192xf32, #tpu.memory_space<vmem>> -> memref<128xf32, #tpu.memory_space<vmem>>
    tpu.enqueue_dma source(%dma_start3A_533 : memref<128xf32, #tpu.memory_space<vmem>>) target(%dma_start3A_531 : memref<128xf32, #tpu.memory_space<hbm>>) target_semaphore(%arg5 : memref<!tpu.dma_semaphore, #tpu.memory_space<semaphore_mem>>)
    %get3A_534 = arith.constant 8 : index
    %get3A_535 = memref.load %arg0[%get3A_534] : memref<64xi32, #tpu.memory_space<smem>>
    %jit3A_536 = arith.constant 128 : i32
    %div3A_537 = arith.divsi %get3A_535, %jit3A_536 : i32
    %sign3A_538 = arith.constant 0 : i32
    %sign3A_539 = arith.cmpi sgt, %get3A_535, %sign3A_538 : i32
    %sign3A_540 = arith.extui %sign3A_539 : i1 to i32
    %sign3A_541 = arith.constant 0 : i32
    %sign3A_542 = arith.cmpi slt, %get3A_535, %sign3A_541 : i32
    %sign3A_543 = arith.extui %sign3A_542 : i1 to i32
    %sign3A_544 = arith.subi %sign3A_540, %sign3A_543 : i32
    %sign3A_545 = arith.constant 0 : i32
    %sign3A_546 = arith.cmpi sgt, %jit3A_536, %sign3A_545 : i32
    %sign3A_547 = arith.extui %sign3A_546 : i1 to i32
    %sign3A_548 = arith.constant 0 : i32
    %sign3A_549 = arith.cmpi slt, %jit3A_536, %sign3A_548 : i32
    %sign3A_550 = arith.extui %sign3A_549 : i1 to i32
    %sign3A_551 = arith.subi %sign3A_547, %sign3A_550 : i32
    %ne3A_552 = arith.cmpi ne, %sign3A_544, %sign3A_551 : i32
    %rem3A_553 = arith.remsi %get3A_535, %jit3A_536 : i32
    %ne3A_554 = arith.constant 0 : i32
    %ne3A_555 = arith.cmpi ne, %rem3A_553, %ne3A_554 : i32
    %and3A_556 = arith.andi %ne3A_552, %ne3A_555 : i1
    %sub3A_557 = arith.constant 1 : i32
    %sub3A_558 = arith.subi %div3A_537, %sub3A_557 : i32
    %select_n3A_559 = arith.select %and3A_556, %sub3A_558, %div3A_537 : i32
    %mul3A_560 = arith.constant 128 : i32
    %mul3A_561 = arith.muli %select_n3A_559, %mul3A_560 : i32
    %add3A_562 = arith.constant 1026048 : i32
    %add3A_563 = arith.addi %add3A_562, %mul3A_561 : i32
    %dma_start3A_564 = tpu.memref_slice %arg3[%add3A_563] : memref<8208384xf32, #tpu.memory_space<hbm>> -> memref<128xf32, #tpu.memory_space<hbm>>
    %dma_start3A_565 = arith.constant 1024 : i32
    %dma_start3A_566 = tpu.memref_slice %arg4[%dma_start3A_565] : memref<8192xf32, #tpu.memory_space<vmem>> -> memref<128xf32, #tpu.memory_space<vmem>>
    tpu.enqueue_dma source(%dma_start3A_566 : memref<128xf32, #tpu.memory_space<vmem>>) target(%dma_start3A_564 : memref<128xf32, #tpu.memory_space<hbm>>) target_semaphore(%arg5 : memref<!tpu.dma_semaphore, #tpu.memory_space<semaphore_mem>>)
    %get3A_567 = arith.constant 9 : index
    %get3A_568 = memref.load %arg0[%get3A_567] : memref<64xi32, #tpu.memory_space<smem>>
    %jit3A_569 = arith.constant 128 : i32
    %div3A_570 = arith.divsi %get3A_568, %jit3A_569 : i32
    %sign3A_571 = arith.constant 0 : i32
    %sign3A_572 = arith.cmpi sgt, %get3A_568, %sign3A_571 : i32
    %sign3A_573 = arith.extui %sign3A_572 : i1 to i32
    %sign3A_574 = arith.constant 0 : i32
    %sign3A_575 = arith.cmpi slt, %get3A_568, %sign3A_574 : i32
    %sign3A_576 = arith.extui %sign3A_575 : i1 to i32
    %sign3A_577 = arith.subi %sign3A_573, %sign3A_576 : i32
    %sign3A_578 = arith.constant 0 : i32
    %sign3A_579 = arith.cmpi sgt, %jit3A_569, %sign3A_578 : i32
    %sign3A_580 = arith.extui %sign3A_579 : i1 to i32
    %sign3A_581 = arith.constant 0 : i32
    %sign3A_582 = arith.cmpi slt, %jit3A_569, %sign3A_581 : i32
    %sign3A_583 = arith.extui %sign3A_582 : i1 to i32
    %sign3A_584 = arith.subi %sign3A_580, %sign3A_583 : i32
    %ne3A_585 = arith.cmpi ne, %sign3A_577, %sign3A_584 : i32
    %rem3A_586 = arith.remsi %get3A_568, %jit3A_569 : i32
    %ne3A_587 = arith.constant 0 : i32
    %ne3A_588 = arith.cmpi ne, %rem3A_586, %ne3A_587 : i32
    %and3A_589 = arith.andi %ne3A_585, %ne3A_588 : i1
    %sub3A_590 = arith.constant 1 : i32
    %sub3A_591 = arith.subi %div3A_570, %sub3A_590 : i32
    %select_n3A_592 = arith.select %and3A_589, %sub3A_591, %div3A_570 : i32
    %mul3A_593 = arith.constant 128 : i32
    %mul3A_594 = arith.muli %select_n3A_592, %mul3A_593 : i32
    %add3A_595 = arith.constant 1154304 : i32
    %add3A_596 = arith.addi %add3A_595, %mul3A_594 : i32
    %dma_start3A_597 = tpu.memref_slice %arg3[%add3A_596] : memref<8208384xf32, #tpu.memory_space<hbm>> -> memref<128xf32, #tpu.memory_space<hbm>>
    %dma_start3A_598 = arith.constant 1152 : i32
    %dma_start3A_599 = tpu.memref_slice %arg4[%dma_start3A_598] : memref<8192xf32, #tpu.memory_space<vmem>> -> memref<128xf32, #tpu.memory_space<vmem>>
    tpu.enqueue_dma source(%dma_start3A_599 : memref<128xf32, #tpu.memory_space<vmem>>) target(%dma_start3A_597 : memref<128xf32, #tpu.memory_space<hbm>>) target_semaphore(%arg5 : memref<!tpu.dma_semaphore, #tpu.memory_space<semaphore_mem>>)
    %get3A_600 = arith.constant 10 : index
    %get3A_601 = memref.load %arg0[%get3A_600] : memref<64xi32, #tpu.memory_space<smem>>
    %jit3A_602 = arith.constant 128 : i32
    %div3A_603 = arith.divsi %get3A_601, %jit3A_602 : i32
    %sign3A_604 = arith.constant 0 : i32
    %sign3A_605 = arith.cmpi sgt, %get3A_601, %sign3A_604 : i32
    %sign3A_606 = arith.extui %sign3A_605 : i1 to i32
    %sign3A_607 = arith.constant 0 : i32
    %sign3A_608 = arith.cmpi slt, %get3A_601, %sign3A_607 : i32
    %sign3A_609 = arith.extui %sign3A_608 : i1 to i32
    %sign3A_610 = arith.subi %sign3A_606, %sign3A_609 : i32
    %sign3A_611 = arith.constant 0 : i32
    %sign3A_612 = arith.cmpi sgt, %jit3A_602, %sign3A_611 : i32
    %sign3A_613 = arith.extui %sign3A_612 : i1 to i32
    %sign3A_614 = arith.constant 0 : i32
    %sign3A_615 = arith.cmpi slt, %jit3A_602, %sign3A_614 : i32
    %sign3A_616 = arith.extui %sign3A_615 : i1 to i32
    %sign3A_617 = arith.subi %sign3A_613, %sign3A_616 : i32
    %ne3A_618 = arith.cmpi ne, %sign3A_610, %sign3A_617 : i32
    %rem3A_619 = arith.remsi %get3A_601, %jit3A_602 : i32
    %ne3A_620 = arith.constant 0 : i32
    %ne3A_621 = arith.cmpi ne, %rem3A_619, %ne3A_620 : i32
    %and3A_622 = arith.andi %ne3A_618, %ne3A_621 : i1
    %sub3A_623 = arith.constant 1 : i32
    %sub3A_624 = arith.subi %div3A_603, %sub3A_623 : i32
    %select_n3A_625 = arith.select %and3A_622, %sub3A_624, %div3A_603 : i32
    %mul3A_626 = arith.constant 128 : i32
    %mul3A_627 = arith.muli %select_n3A_625, %mul3A_626 : i32
    %add3A_628 = arith.constant 1282560 : i32
    %add3A_629 = arith.addi %add3A_628, %mul3A_627 : i32
    %dma_start3A_630 = tpu.memref_slice %arg3[%add3A_629] : memref<8208384xf32, #tpu.memory_space<hbm>> -> memref<128xf32, #tpu.memory_space<hbm>>
    %dma_start3A_631 = arith.constant 1280 : i32
    %dma_start3A_632 = tpu.memref_slice %arg4[%dma_start3A_631] : memref<8192xf32, #tpu.memory_space<vmem>> -> memref<128xf32, #tpu.memory_space<vmem>>
    tpu.enqueue_dma source(%dma_start3A_632 : memref<128xf32, #tpu.memory_space<vmem>>) target(%dma_start3A_630 : memref<128xf32, #tpu.memory_space<hbm>>) target_semaphore(%arg5 : memref<!tpu.dma_semaphore, #tpu.memory_space<semaphore_mem>>)
    %get3A_633 = arith.constant 11 : index
    %get3A_634 = memref.load %arg0[%get3A_633] : memref<64xi32, #tpu.memory_space<smem>>
    %jit3A_635 = arith.constant 128 : i32
    %div3A_636 = arith.divsi %get3A_634, %jit3A_635 : i32
    %sign3A_637 = arith.constant 0 : i32
    %sign3A_638 = arith.cmpi sgt, %get3A_634, %sign3A_637 : i32
    %sign3A_639 = arith.extui %sign3A_638 : i1 to i32
    %sign3A_640 = arith.constant 0 : i32
    %sign3A_641 = arith.cmpi slt, %get3A_634, %sign3A_640 : i32
    %sign3A_642 = arith.extui %sign3A_641 : i1 to i32
    %sign3A_643 = arith.subi %sign3A_639, %sign3A_642 : i32
    %sign3A_644 = arith.constant 0 : i32
    %sign3A_645 = arith.cmpi sgt, %jit3A_635, %sign3A_644 : i32
    %sign3A_646 = arith.extui %sign3A_645 : i1 to i32
    %sign3A_647 = arith.constant 0 : i32
    %sign3A_648 = arith.cmpi slt, %jit3A_635, %sign3A_647 : i32
    %sign3A_649 = arith.extui %sign3A_648 : i1 to i32
    %sign3A_650 = arith.subi %sign3A_646, %sign3A_649 : i32
    %ne3A_651 = arith.cmpi ne, %sign3A_643, %sign3A_650 : i32
    %rem3A_652 = arith.remsi %get3A_634, %jit3A_635 : i32
    %ne3A_653 = arith.constant 0 : i32
    %ne3A_654 = arith.cmpi ne, %rem3A_652, %ne3A_653 : i32
    %and3A_655 = arith.andi %ne3A_651, %ne3A_654 : i1
    %sub3A_656 = arith.constant 1 : i32
    %sub3A_657 = arith.subi %div3A_636, %sub3A_656 : i32
    %select_n3A_658 = arith.select %and3A_655, %sub3A_657, %div3A_636 : i32
    %mul3A_659 = arith.constant 128 : i32
    %mul3A_660 = arith.muli %select_n3A_658, %mul3A_659 : i32
    %add3A_661 = arith.constant 1410816 : i32
    %add3A_662 = arith.addi %add3A_661, %mul3A_660 : i32
    %dma_start3A_663 = tpu.memref_slice %arg3[%add3A_662] : memref<8208384xf32, #tpu.memory_space<hbm>> -> memref<128xf32, #tpu.memory_space<hbm>>
    %dma_start3A_664 = arith.constant 1408 : i32
    %dma_start3A_665 = tpu.memref_slice %arg4[%dma_start3A_664] : memref<8192xf32, #tpu.memory_space<vmem>> -> memref<128xf32, #tpu.memory_space<vmem>>
    tpu.enqueue_dma source(%dma_start3A_665 : memref<128xf32, #tpu.memory_space<vmem>>) target(%dma_start3A_663 : memref<128xf32, #tpu.memory_space<hbm>>) target_semaphore(%arg5 : memref<!tpu.dma_semaphore, #tpu.memory_space<semaphore_mem>>)
    %get3A_666 = arith.constant 12 : index
    %get3A_667 = memref.load %arg0[%get3A_666] : memref<64xi32, #tpu.memory_space<smem>>
    %jit3A_668 = arith.constant 128 : i32
    %div3A_669 = arith.divsi %get3A_667, %jit3A_668 : i32
    %sign3A_670 = arith.constant 0 : i32
    %sign3A_671 = arith.cmpi sgt, %get3A_667, %sign3A_670 : i32
    %sign3A_672 = arith.extui %sign3A_671 : i1 to i32
    %sign3A_673 = arith.constant 0 : i32
    %sign3A_674 = arith.cmpi slt, %get3A_667, %sign3A_673 : i32
    %sign3A_675 = arith.extui %sign3A_674 : i1 to i32
    %sign3A_676 = arith.subi %sign3A_672, %sign3A_675 : i32
    %sign3A_677 = arith.constant 0 : i32
    %sign3A_678 = arith.cmpi sgt, %jit3A_668, %sign3A_677 : i32
    %sign3A_679 = arith.extui %sign3A_678 : i1 to i32
    %sign3A_680 = arith.constant 0 : i32
    %sign3A_681 = arith.cmpi slt, %jit3A_668, %sign3A_680 : i32
    %sign3A_682 = arith.extui %sign3A_681 : i1 to i32
    %sign3A_683 = arith.subi %sign3A_679, %sign3A_682 : i32
    %ne3A_684 = arith.cmpi ne, %sign3A_676, %sign3A_683 : i32
    %rem3A_685 = arith.remsi %get3A_667, %jit3A_668 : i32
    %ne3A_686 = arith.constant 0 : i32
    %ne3A_687 = arith.cmpi ne, %rem3A_685, %ne3A_686 : i32
    %and3A_688 = arith.andi %ne3A_684, %ne3A_687 : i1
    %sub3A_689 = arith.constant 1 : i32
    %sub3A_690 = arith.subi %div3A_669, %sub3A_689 : i32
    %select_n3A_691 = arith.select %and3A_688, %sub3A_690, %div3A_669 : i32
    %mul3A_692 = arith.constant 128 : i32
    %mul3A_693 = arith.muli %select_n3A_691, %mul3A_692 : i32
    %add3A_694 = arith.constant 1539072 : i32
    %add3A_695 = arith.addi %add3A_694, %mul3A_693 : i32
    %dma_start3A_696 = tpu.memref_slice %arg3[%add3A_695] : memref<8208384xf32, #tpu.memory_space<hbm>> -> memref<128xf32, #tpu.memory_space<hbm>>
    %dma_start3A_697 = arith.constant 1536 : i32
    %dma_start3A_698 = tpu.memref_slice %arg4[%dma_start3A_697] : memref<8192xf32, #tpu.memory_space<vmem>> -> memref<128xf32, #tpu.memory_space<vmem>>
    tpu.enqueue_dma source(%dma_start3A_698 : memref<128xf32, #tpu.memory_space<vmem>>) target(%dma_start3A_696 : memref<128xf32, #tpu.memory_space<hbm>>) target_semaphore(%arg5 : memref<!tpu.dma_semaphore, #tpu.memory_space<semaphore_mem>>)
    %get3A_699 = arith.constant 13 : index
    %get3A_700 = memref.load %arg0[%get3A_699] : memref<64xi32, #tpu.memory_space<smem>>
    %jit3A_701 = arith.constant 128 : i32
    %div3A_702 = arith.divsi %get3A_700, %jit3A_701 : i32
    %sign3A_703 = arith.constant 0 : i32
    %sign3A_704 = arith.cmpi sgt, %get3A_700, %sign3A_703 : i32
    %sign3A_705 = arith.extui %sign3A_704 : i1 to i32
    %sign3A_706 = arith.constant 0 : i32
    %sign3A_707 = arith.cmpi slt, %get3A_700, %sign3A_706 : i32
    %sign3A_708 = arith.extui %sign3A_707 : i1 to i32
    %sign3A_709 = arith.subi %sign3A_705, %sign3A_708 : i32
    %sign3A_710 = arith.constant 0 : i32
    %sign3A_711 = arith.cmpi sgt, %jit3A_701, %sign3A_710 : i32
    %sign3A_712 = arith.extui %sign3A_711 : i1 to i32
    %sign3A_713 = arith.constant 0 : i32
    %sign3A_714 = arith.cmpi slt, %jit3A_701, %sign3A_713 : i32
    %sign3A_715 = arith.extui %sign3A_714 : i1 to i32
    %sign3A_716 = arith.subi %sign3A_712, %sign3A_715 : i32
    %ne3A_717 = arith.cmpi ne, %sign3A_709, %sign3A_716 : i32
    %rem3A_718 = arith.remsi %get3A_700, %jit3A_701 : i32
    %ne3A_719 = arith.constant 0 : i32
    %ne3A_720 = arith.cmpi ne, %rem3A_718, %ne3A_719 : i32
    %and3A_721 = arith.andi %ne3A_717, %ne3A_720 : i1
    %sub3A_722 = arith.constant 1 : i32
    %sub3A_723 = arith.subi %div3A_702, %sub3A_722 : i32
    %select_n3A_724 = arith.select %and3A_721, %sub3A_723, %div3A_702 : i32
    %mul3A_725 = arith.constant 128 : i32
    %mul3A_726 = arith.muli %select_n3A_724, %mul3A_725 : i32
    %add3A_727 = arith.constant 1667328 : i32
    %add3A_728 = arith.addi %add3A_727, %mul3A_726 : i32
    %dma_start3A_729 = tpu.memref_slice %arg3[%add3A_728] : memref<8208384xf32, #tpu.memory_space<hbm>> -> memref<128xf32, #tpu.memory_space<hbm>>
    %dma_start3A_730 = arith.constant 1664 : i32
    %dma_start3A_731 = tpu.memref_slice %arg4[%dma_start3A_730] : memref<8192xf32, #tpu.memory_space<vmem>> -> memref<128xf32, #tpu.memory_space<vmem>>
    tpu.enqueue_dma source(%dma_start3A_731 : memref<128xf32, #tpu.memory_space<vmem>>) target(%dma_start3A_729 : memref<128xf32, #tpu.memory_space<hbm>>) target_semaphore(%arg5 : memref<!tpu.dma_semaphore, #tpu.memory_space<semaphore_mem>>)
    %get3A_732 = arith.constant 14 : index
    %get3A_733 = memref.load %arg0[%get3A_732] : memref<64xi32, #tpu.memory_space<smem>>
    %jit3A_734 = arith.constant 128 : i32
    %div3A_735 = arith.divsi %get3A_733, %jit3A_734 : i32
    %sign3A_736 = arith.constant 0 : i32
    %sign3A_737 = arith.cmpi sgt, %get3A_733, %sign3A_736 : i32
    %sign3A_738 = arith.extui %sign3A_737 : i1 to i32
    %sign3A_739 = arith.constant 0 : i32
    %sign3A_740 = arith.cmpi slt, %get3A_733, %sign3A_739 : i32
    %sign3A_741 = arith.extui %sign3A_740 : i1 to i32
    %sign3A_742 = arith.subi %sign3A_738, %sign3A_741 : i32
    %sign3A_743 = arith.constant 0 : i32
    %sign3A_744 = arith.cmpi sgt, %jit3A_734, %sign3A_743 : i32
    %sign3A_745 = arith.extui %sign3A_744 : i1 to i32
    %sign3A_746 = arith.constant 0 : i32
    %sign3A_747 = arith.cmpi slt, %jit3A_734, %sign3A_746 : i32
    %sign3A_748 = arith.extui %sign3A_747 : i1 to i32
    %sign3A_749 = arith.subi %sign3A_745, %sign3A_748 : i32
    %ne3A_750 = arith.cmpi ne, %sign3A_742, %sign3A_749 : i32
    %rem3A_751 = arith.remsi %get3A_733, %jit3A_734 : i32
    %ne3A_752 = arith.constant 0 : i32
    %ne3A_753 = arith.cmpi ne, %rem3A_751, %ne3A_752 : i32
    %and3A_754 = arith.andi %ne3A_750, %ne3A_753 : i1
    %sub3A_755 = arith.constant 1 : i32
    %sub3A_756 = arith.subi %div3A_735, %sub3A_755 : i32
    %select_n3A_757 = arith.select %and3A_754, %sub3A_756, %div3A_735 : i32
    %mul3A_758 = arith.constant 128 : i32
    %mul3A_759 = arith.muli %select_n3A_757, %mul3A_758 : i32
    %add3A_760 = arith.constant 1795584 : i32
    %add3A_761 = arith.addi %add3A_760, %mul3A_759 : i32
    %dma_start3A_762 = tpu.memref_slice %arg3[%add3A_761] : memref<8208384xf32, #tpu.memory_space<hbm>> -> memref<128xf32, #tpu.memory_space<hbm>>
    %dma_start3A_763 = arith.constant 1792 : i32
    %dma_start3A_764 = tpu.memref_slice %arg4[%dma_start3A_763] : memref<8192xf32, #tpu.memory_space<vmem>> -> memref<128xf32, #tpu.memory_space<vmem>>
    tpu.enqueue_dma source(%dma_start3A_764 : memref<128xf32, #tpu.memory_space<vmem>>) target(%dma_start3A_762 : memref<128xf32, #tpu.memory_space<hbm>>) target_semaphore(%arg5 : memref<!tpu.dma_semaphore, #tpu.memory_space<semaphore_mem>>)
    %get3A_765 = arith.constant 15 : index
    %get3A_766 = memref.load %arg0[%get3A_765] : memref<64xi32, #tpu.memory_space<smem>>
    %jit3A_767 = arith.constant 128 : i32
    %div3A_768 = arith.divsi %get3A_766, %jit3A_767 : i32
    %sign3A_769 = arith.constant 0 : i32
    %sign3A_770 = arith.cmpi sgt, %get3A_766, %sign3A_769 : i32
    %sign3A_771 = arith.extui %sign3A_770 : i1 to i32
    %sign3A_772 = arith.constant 0 : i32
    %sign3A_773 = arith.cmpi slt, %get3A_766, %sign3A_772 : i32
    %sign3A_774 = arith.extui %sign3A_773 : i1 to i32
    %sign3A_775 = arith.subi %sign3A_771, %sign3A_774 : i32
    %sign3A_776 = arith.constant 0 : i32
    %sign3A_777 = arith.cmpi sgt, %jit3A_767, %sign3A_776 : i32
    %sign3A_778 = arith.extui %sign3A_777 : i1 to i32
    %sign3A_779 = arith.constant 0 : i32
    %sign3A_780 = arith.cmpi slt, %jit3A_767, %sign3A_779 : i32
    %sign3A_781 = arith.extui %sign3A_780 : i1 to i32
    %sign3A_782 = arith.subi %sign3A_778, %sign3A_781 : i32
    %ne3A_783 = arith.cmpi ne, %sign3A_775, %sign3A_782 : i32
    %rem3A_784 = arith.remsi %get3A_766, %jit3A_767 : i32
    %ne3A_785 = arith.constant 0 : i32
    %ne3A_786 = arith.cmpi ne, %rem3A_784, %ne3A_785 : i32
    %and3A_787 = arith.andi %ne3A_783, %ne3A_786 : i1
    %sub3A_788 = arith.constant 1 : i32
    %sub3A_789 = arith.subi %div3A_768, %sub3A_788 : i32
    %select_n3A_790 = arith.select %and3A_787, %sub3A_789, %div3A_768 : i32
    %mul3A_791 = arith.constant 128 : i32
    %mul3A_792 = arith.muli %select_n3A_790, %mul3A_791 : i32
    %add3A_793 = arith.constant 1923840 : i32
    %add3A_794 = arith.addi %add3A_793, %mul3A_792 : i32
    %dma_start3A_795 = tpu.memref_slice %arg3[%add3A_794] : memref<8208384xf32, #tpu.memory_space<hbm>> -> memref<128xf32, #tpu.memory_space<hbm>>
    %dma_start3A_796 = arith.constant 1920 : i32
    %dma_start3A_797 = tpu.memref_slice %arg4[%dma_start3A_796] : memref<8192xf32, #tpu.memory_space<vmem>> -> memref<128xf32, #tpu.memory_space<vmem>>
    tpu.enqueue_dma source(%dma_start3A_797 : memref<128xf32, #tpu.memory_space<vmem>>) target(%dma_start3A_795 : memref<128xf32, #tpu.memory_space<hbm>>) target_semaphore(%arg5 : memref<!tpu.dma_semaphore, #tpu.memory_space<semaphore_mem>>)
    %get3A_798 = arith.constant 16 : index
    %get3A_799 = memref.load %arg0[%get3A_798] : memref<64xi32, #tpu.memory_space<smem>>
    %jit3A_800 = arith.constant 128 : i32
    %div3A_801 = arith.divsi %get3A_799, %jit3A_800 : i32
    %sign3A_802 = arith.constant 0 : i32
    %sign3A_803 = arith.cmpi sgt, %get3A_799, %sign3A_802 : i32
    %sign3A_804 = arith.extui %sign3A_803 : i1 to i32
    %sign3A_805 = arith.constant 0 : i32
    %sign3A_806 = arith.cmpi slt, %get3A_799, %sign3A_805 : i32
    %sign3A_807 = arith.extui %sign3A_806 : i1 to i32
    %sign3A_808 = arith.subi %sign3A_804, %sign3A_807 : i32
    %sign3A_809 = arith.constant 0 : i32
    %sign3A_810 = arith.cmpi sgt, %jit3A_800, %sign3A_809 : i32
    %sign3A_811 = arith.extui %sign3A_810 : i1 to i32
    %sign3A_812 = arith.constant 0 : i32
    %sign3A_813 = arith.cmpi slt, %jit3A_800, %sign3A_812 : i32
    %sign3A_814 = arith.extui %sign3A_813 : i1 to i32
    %sign3A_815 = arith.subi %sign3A_811, %sign3A_814 : i32
    %ne3A_816 = arith.cmpi ne, %sign3A_808, %sign3A_815 : i32
    %rem3A_817 = arith.remsi %get3A_799, %jit3A_800 : i32
    %ne3A_818 = arith.constant 0 : i32
    %ne3A_819 = arith.cmpi ne, %rem3A_817, %ne3A_818 : i32
    %and3A_820 = arith.andi %ne3A_816, %ne3A_819 : i1
    %sub3A_821 = arith.constant 1 : i32
    %sub3A_822 = arith.subi %div3A_801, %sub3A_821 : i32
    %select_n3A_823 = arith.select %and3A_820, %sub3A_822, %div3A_801 : i32
    %mul3A_824 = arith.constant 128 : i32
    %mul3A_825 = arith.muli %select_n3A_823, %mul3A_824 : i32
    %add3A_826 = arith.constant 2052096 : i32
    %add3A_827 = arith.addi %add3A_826, %mul3A_825 : i32
    %dma_start3A_828 = tpu.memref_slice %arg3[%add3A_827] : memref<8208384xf32, #tpu.memory_space<hbm>> -> memref<128xf32, #tpu.memory_space<hbm>>
    %dma_start3A_829 = arith.constant 2048 : i32
    %dma_start3A_830 = tpu.memref_slice %arg4[%dma_start3A_829] : memref<8192xf32, #tpu.memory_space<vmem>> -> memref<128xf32, #tpu.memory_space<vmem>>
    tpu.enqueue_dma source(%dma_start3A_830 : memref<128xf32, #tpu.memory_space<vmem>>) target(%dma_start3A_828 : memref<128xf32, #tpu.memory_space<hbm>>) target_semaphore(%arg5 : memref<!tpu.dma_semaphore, #tpu.memory_space<semaphore_mem>>)
    %get3A_831 = arith.constant 17 : index
    %get3A_832 = memref.load %arg0[%get3A_831] : memref<64xi32, #tpu.memory_space<smem>>
    %jit3A_833 = arith.constant 128 : i32
    %div3A_834 = arith.divsi %get3A_832, %jit3A_833 : i32
    %sign3A_835 = arith.constant 0 : i32
    %sign3A_836 = arith.cmpi sgt, %get3A_832, %sign3A_835 : i32
    %sign3A_837 = arith.extui %sign3A_836 : i1 to i32
    %sign3A_838 = arith.constant 0 : i32
    %sign3A_839 = arith.cmpi slt, %get3A_832, %sign3A_838 : i32
    %sign3A_840 = arith.extui %sign3A_839 : i1 to i32
    %sign3A_841 = arith.subi %sign3A_837, %sign3A_840 : i32
    %sign3A_842 = arith.constant 0 : i32
    %sign3A_843 = arith.cmpi sgt, %jit3A_833, %sign3A_842 : i32
    %sign3A_844 = arith.extui %sign3A_843 : i1 to i32
    %sign3A_845 = arith.constant 0 : i32
    %sign3A_846 = arith.cmpi slt, %jit3A_833, %sign3A_845 : i32
    %sign3A_847 = arith.extui %sign3A_846 : i1 to i32
    %sign3A_848 = arith.subi %sign3A_844, %sign3A_847 : i32
    %ne3A_849 = arith.cmpi ne, %sign3A_841, %sign3A_848 : i32
    %rem3A_850 = arith.remsi %get3A_832, %jit3A_833 : i32
    %ne3A_851 = arith.constant 0 : i32
    %ne3A_852 = arith.cmpi ne, %rem3A_850, %ne3A_851 : i32
    %and3A_853 = arith.andi %ne3A_849, %ne3A_852 : i1
    %sub3A_854 = arith.constant 1 : i32
    %sub3A_855 = arith.subi %div3A_834, %sub3A_854 : i32
    %select_n3A_856 = arith.select %and3A_853, %sub3A_855, %div3A_834 : i32
    %mul3A_857 = arith.constant 128 : i32
    %mul3A_858 = arith.muli %select_n3A_856, %mul3A_857 : i32
    %add3A_859 = arith.constant 2180352 : i32
    %add3A_860 = arith.addi %add3A_859, %mul3A_858 : i32
    %dma_start3A_861 = tpu.memref_slice %arg3[%add3A_860] : memref<8208384xf32, #tpu.memory_space<hbm>> -> memref<128xf32, #tpu.memory_space<hbm>>
    %dma_start3A_862 = arith.constant 2176 : i32
    %dma_start3A_863 = tpu.memref_slice %arg4[%dma_start3A_862] : memref<8192xf32, #tpu.memory_space<vmem>> -> memref<128xf32, #tpu.memory_space<vmem>>
    tpu.enqueue_dma source(%dma_start3A_863 : memref<128xf32, #tpu.memory_space<vmem>>) target(%dma_start3A_861 : memref<128xf32, #tpu.memory_space<hbm>>) target_semaphore(%arg5 : memref<!tpu.dma_semaphore, #tpu.memory_space<semaphore_mem>>)
    %get3A_864 = arith.constant 18 : index
    %get3A_865 = memref.load %arg0[%get3A_864] : memref<64xi32, #tpu.memory_space<smem>>
    %jit3A_866 = arith.constant 128 : i32
    %div3A_867 = arith.divsi %get3A_865, %jit3A_866 : i32
    %sign3A_868 = arith.constant 0 : i32
    %sign3A_869 = arith.cmpi sgt, %get3A_865, %sign3A_868 : i32
    %sign3A_870 = arith.extui %sign3A_869 : i1 to i32
    %sign3A_871 = arith.constant 0 : i32
    %sign3A_872 = arith.cmpi slt, %get3A_865, %sign3A_871 : i32
    %sign3A_873 = arith.extui %sign3A_872 : i1 to i32
    %sign3A_874 = arith.subi %sign3A_870, %sign3A_873 : i32
    %sign3A_875 = arith.constant 0 : i32
    %sign3A_876 = arith.cmpi sgt, %jit3A_866, %sign3A_875 : i32
    %sign3A_877 = arith.extui %sign3A_876 : i1 to i32
    %sign3A_878 = arith.constant 0 : i32
    %sign3A_879 = arith.cmpi slt, %jit3A_866, %sign3A_878 : i32
    %sign3A_880 = arith.extui %sign3A_879 : i1 to i32
    %sign3A_881 = arith.subi %sign3A_877, %sign3A_880 : i32
    %ne3A_882 = arith.cmpi ne, %sign3A_874, %sign3A_881 : i32
    %rem3A_883 = arith.remsi %get3A_865, %jit3A_866 : i32
    %ne3A_884 = arith.constant 0 : i32
    %ne3A_885 = arith.cmpi ne, %rem3A_883, %ne3A_884 : i32
    %and3A_886 = arith.andi %ne3A_882, %ne3A_885 : i1
    %sub3A_887 = arith.constant 1 : i32
    %sub3A_888 = arith.subi %div3A_867, %sub3A_887 : i32
    %select_n3A_889 = arith.select %and3A_886, %sub3A_888, %div3A_867 : i32
    %mul3A_890 = arith.constant 128 : i32
    %mul3A_891 = arith.muli %select_n3A_889, %mul3A_890 : i32
    %add3A_892 = arith.constant 2308608 : i32
    %add3A_893 = arith.addi %add3A_892, %mul3A_891 : i32
    %dma_start3A_894 = tpu.memref_slice %arg3[%add3A_893] : memref<8208384xf32, #tpu.memory_space<hbm>> -> memref<128xf32, #tpu.memory_space<hbm>>
    %dma_start3A_895 = arith.constant 2304 : i32
    %dma_start3A_896 = tpu.memref_slice %arg4[%dma_start3A_895] : memref<8192xf32, #tpu.memory_space<vmem>> -> memref<128xf32, #tpu.memory_space<vmem>>
    tpu.enqueue_dma source(%dma_start3A_896 : memref<128xf32, #tpu.memory_space<vmem>>) target(%dma_start3A_894 : memref<128xf32, #tpu.memory_space<hbm>>) target_semaphore(%arg5 : memref<!tpu.dma_semaphore, #tpu.memory_space<semaphore_mem>>)
    %get3A_897 = arith.constant 19 : index
    %get3A_898 = memref.load %arg0[%get3A_897] : memref<64xi32, #tpu.memory_space<smem>>
    %jit3A_899 = arith.constant 128 : i32
    %div3A_900 = arith.divsi %get3A_898, %jit3A_899 : i32
    %sign3A_901 = arith.constant 0 : i32
    %sign3A_902 = arith.cmpi sgt, %get3A_898, %sign3A_901 : i32
    %sign3A_903 = arith.extui %sign3A_902 : i1 to i32
    %sign3A_904 = arith.constant 0 : i32
    %sign3A_905 = arith.cmpi slt, %get3A_898, %sign3A_904 : i32
    %sign3A_906 = arith.extui %sign3A_905 : i1 to i32
    %sign3A_907 = arith.subi %sign3A_903, %sign3A_906 : i32
    %sign3A_908 = arith.constant 0 : i32
    %sign3A_909 = arith.cmpi sgt, %jit3A_899, %sign3A_908 : i32
    %sign3A_910 = arith.extui %sign3A_909 : i1 to i32
    %sign3A_911 = arith.constant 0 : i32
    %sign3A_912 = arith.cmpi slt, %jit3A_899, %sign3A_911 : i32
    %sign3A_913 = arith.extui %sign3A_912 : i1 to i32
    %sign3A_914 = arith.subi %sign3A_910, %sign3A_913 : i32
    %ne3A_915 = arith.cmpi ne, %sign3A_907, %sign3A_914 : i32
    %rem3A_916 = arith.remsi %get3A_898, %jit3A_899 : i32
    %ne3A_917 = arith.constant 0 : i32
    %ne3A_918 = arith.cmpi ne, %rem3A_916, %ne3A_917 : i32
    %and3A_919 = arith.andi %ne3A_915, %ne3A_918 : i1
    %sub3A_920 = arith.constant 1 : i32
    %sub3A_921 = arith.subi %div3A_900, %sub3A_920 : i32
    %select_n3A_922 = arith.select %and3A_919, %sub3A_921, %div3A_900 : i32
    %mul3A_923 = arith.constant 128 : i32
    %mul3A_924 = arith.muli %select_n3A_922, %mul3A_923 : i32
    %add3A_925 = arith.constant 2436864 : i32
    %add3A_926 = arith.addi %add3A_925, %mul3A_924 : i32
    %dma_start3A_927 = tpu.memref_slice %arg3[%add3A_926] : memref<8208384xf32, #tpu.memory_space<hbm>> -> memref<128xf32, #tpu.memory_space<hbm>>
    %dma_start3A_928 = arith.constant 2432 : i32
    %dma_start3A_929 = tpu.memref_slice %arg4[%dma_start3A_928] : memref<8192xf32, #tpu.memory_space<vmem>> -> memref<128xf32, #tpu.memory_space<vmem>>
    tpu.enqueue_dma source(%dma_start3A_929 : memref<128xf32, #tpu.memory_space<vmem>>) target(%dma_start3A_927 : memref<128xf32, #tpu.memory_space<hbm>>) target_semaphore(%arg5 : memref<!tpu.dma_semaphore, #tpu.memory_space<semaphore_mem>>)
    %get3A_930 = arith.constant 20 : index
    %get3A_931 = memref.load %arg0[%get3A_930] : memref<64xi32, #tpu.memory_space<smem>>
    %jit3A_932 = arith.constant 128 : i32
    %div3A_933 = arith.divsi %get3A_931, %jit3A_932 : i32
    %sign3A_934 = arith.constant 0 : i32
    %sign3A_935 = arith.cmpi sgt, %get3A_931, %sign3A_934 : i32
    %sign3A_936 = arith.extui %sign3A_935 : i1 to i32
    %sign3A_937 = arith.constant 0 : i32
    %sign3A_938 = arith.cmpi slt, %get3A_931, %sign3A_937 : i32
    %sign3A_939 = arith.extui %sign3A_938 : i1 to i32
    %sign3A_940 = arith.subi %sign3A_936, %sign3A_939 : i32
    %sign3A_941 = arith.constant 0 : i32
    %sign3A_942 = arith.cmpi sgt, %jit3A_932, %sign3A_941 : i32
    %sign3A_943 = arith.extui %sign3A_942 : i1 to i32
    %sign3A_944 = arith.constant 0 : i32
    %sign3A_945 = arith.cmpi slt, %jit3A_932, %sign3A_944 : i32
    %sign3A_946 = arith.extui %sign3A_945 : i1 to i32
    %sign3A_947 = arith.subi %sign3A_943, %sign3A_946 : i32
    %ne3A_948 = arith.cmpi ne, %sign3A_940, %sign3A_947 : i32
    %rem3A_949 = arith.remsi %get3A_931, %jit3A_932 : i32
    %ne3A_950 = arith.constant 0 : i32
    %ne3A_951 = arith.cmpi ne, %rem3A_949, %ne3A_950 : i32
    %and3A_952 = arith.andi %ne3A_948, %ne3A_951 : i1
    %sub3A_953 = arith.constant 1 : i32
    %sub3A_954 = arith.subi %div3A_933, %sub3A_953 : i32
    %select_n3A_955 = arith.select %and3A_952, %sub3A_954, %div3A_933 : i32
    %mul3A_956 = arith.constant 128 : i32
    %mul3A_957 = arith.muli %select_n3A_955, %mul3A_956 : i32
    %add3A_958 = arith.constant 2565120 : i32
    %add3A_959 = arith.addi %add3A_958, %mul3A_957 : i32
    %dma_start3A_960 = tpu.memref_slice %arg3[%add3A_959] : memref<8208384xf32, #tpu.memory_space<hbm>> -> memref<128xf32, #tpu.memory_space<hbm>>
    %dma_start3A_961 = arith.constant 2560 : i32
    %dma_start3A_962 = tpu.memref_slice %arg4[%dma_start3A_961] : memref<8192xf32, #tpu.memory_space<vmem>> -> memref<128xf32, #tpu.memory_space<vmem>>
    tpu.enqueue_dma source(%dma_start3A_962 : memref<128xf32, #tpu.memory_space<vmem>>) target(%dma_start3A_960 : memref<128xf32, #tpu.memory_space<hbm>>) target_semaphore(%arg5 : memref<!tpu.dma_semaphore, #tpu.memory_space<semaphore_mem>>)
    %get3A_963 = arith.constant 21 : index
    %get3A_964 = memref.load %arg0[%get3A_963] : memref<64xi32, #tpu.memory_space<smem>>
    %jit3A_965 = arith.constant 128 : i32
    %div3A_966 = arith.divsi %get3A_964, %jit3A_965 : i32
    %sign3A_967 = arith.constant 0 : i32
    %sign3A_968 = arith.cmpi sgt, %get3A_964, %sign3A_967 : i32
    %sign3A_969 = arith.extui %sign3A_968 : i1 to i32
    %sign3A_970 = arith.constant 0 : i32
    %sign3A_971 = arith.cmpi slt, %get3A_964, %sign3A_970 : i32
    %sign3A_972 = arith.extui %sign3A_971 : i1 to i32
    %sign3A_973 = arith.subi %sign3A_969, %sign3A_972 : i32
    %sign3A_974 = arith.constant 0 : i32
    %sign3A_975 = arith.cmpi sgt, %jit3A_965, %sign3A_974 : i32
    %sign3A_976 = arith.extui %sign3A_975 : i1 to i32
    %sign3A_977 = arith.constant 0 : i32
    %sign3A_978 = arith.cmpi slt, %jit3A_965, %sign3A_977 : i32
    %sign3A_979 = arith.extui %sign3A_978 : i1 to i32
    %sign3A_980 = arith.subi %sign3A_976, %sign3A_979 : i32
    %ne3A_981 = arith.cmpi ne, %sign3A_973, %sign3A_980 : i32
    %rem3A_982 = arith.remsi %get3A_964, %jit3A_965 : i32
    %ne3A_983 = arith.constant 0 : i32
    %ne3A_984 = arith.cmpi ne, %rem3A_982, %ne3A_983 : i32
    %and3A_985 = arith.andi %ne3A_981, %ne3A_984 : i1
    %sub3A_986 = arith.constant 1 : i32
    %sub3A_987 = arith.subi %div3A_966, %sub3A_986 : i32
    %select_n3A_988 = arith.select %and3A_985, %sub3A_987, %div3A_966 : i32
    %mul3A_989 = arith.constant 128 : i32
    %mul3A_990 = arith.muli %select_n3A_988, %mul3A_989 : i32
    %add3A_991 = arith.constant 2693376 : i32
    %add3A_992 = arith.addi %add3A_991, %mul3A_990 : i32
    %dma_start3A_993 = tpu.memref_slice %arg3[%add3A_992] : memref<8208384xf32, #tpu.memory_space<hbm>> -> memref<128xf32, #tpu.memory_space<hbm>>
    %dma_start3A_994 = arith.constant 2688 : i32
    %dma_start3A_995 = tpu.memref_slice %arg4[%dma_start3A_994] : memref<8192xf32, #tpu.memory_space<vmem>> -> memref<128xf32, #tpu.memory_space<vmem>>
    tpu.enqueue_dma source(%dma_start3A_995 : memref<128xf32, #tpu.memory_space<vmem>>) target(%dma_start3A_993 : memref<128xf32, #tpu.memory_space<hbm>>) target_semaphore(%arg5 : memref<!tpu.dma_semaphore, #tpu.memory_space<semaphore_mem>>)
    %get3A_996 = arith.constant 22 : index
    %get3A_997 = memref.load %arg0[%get3A_996] : memref<64xi32, #tpu.memory_space<smem>>
    %jit3A_998 = arith.constant 128 : i32
    %div3A_999 = arith.divsi %get3A_997, %jit3A_998 : i32
    %sign3A_1000 = arith.constant 0 : i32
    %sign3A_1001 = arith.cmpi sgt, %get3A_997, %sign3A_1000 : i32
    %sign3A_1002 = arith.extui %sign3A_1001 : i1 to i32
    %sign3A_1003 = arith.constant 0 : i32
    %sign3A_1004 = arith.cmpi slt, %get3A_997, %sign3A_1003 : i32
    %sign3A_1005 = arith.extui %sign3A_1004 : i1 to i32
    %sign3A_1006 = arith.subi %sign3A_1002, %sign3A_1005 : i32
    %sign3A_1007 = arith.constant 0 : i32
    %sign3A_1008 = arith.cmpi sgt, %jit3A_998, %sign3A_1007 : i32
    %sign3A_1009 = arith.extui %sign3A_1008 : i1 to i32
    %sign3A_1010 = arith.constant 0 : i32
    %sign3A_1011 = arith.cmpi slt, %jit3A_998, %sign3A_1010 : i32
    %sign3A_1012 = arith.extui %sign3A_1011 : i1 to i32
    %sign3A_1013 = arith.subi %sign3A_1009, %sign3A_1012 : i32
    %ne3A_1014 = arith.cmpi ne, %sign3A_1006, %sign3A_1013 : i32
    %rem3A_1015 = arith.remsi %get3A_997, %jit3A_998 : i32
    %ne3A_1016 = arith.constant 0 : i32
    %ne3A_1017 = arith.cmpi ne, %rem3A_1015, %ne3A_1016 : i32
    %and3A_1018 = arith.andi %ne3A_1014, %ne3A_1017 : i1
    %sub3A_1019 = arith.constant 1 : i32
    %sub3A_1020 = arith.subi %div3A_999, %sub3A_1019 : i32
    %select_n3A_1021 = arith.select %and3A_1018, %sub3A_1020, %div3A_999 : i32
    %mul3A_1022 = arith.constant 128 : i32
    %mul3A_1023 = arith.muli %select_n3A_1021, %mul3A_1022 : i32
    %add3A_1024 = arith.constant 2821632 : i32
    %add3A_1025 = arith.addi %add3A_1024, %mul3A_1023 : i32
    %dma_start3A_1026 = tpu.memref_slice %arg3[%add3A_1025] : memref<8208384xf32, #tpu.memory_space<hbm>> -> memref<128xf32, #tpu.memory_space<hbm>>
    %dma_start3A_1027 = arith.constant 2816 : i32
    %dma_start3A_1028 = tpu.memref_slice %arg4[%dma_start3A_1027] : memref<8192xf32, #tpu.memory_space<vmem>> -> memref<128xf32, #tpu.memory_space<vmem>>
    tpu.enqueue_dma source(%dma_start3A_1028 : memref<128xf32, #tpu.memory_space<vmem>>) target(%dma_start3A_1026 : memref<128xf32, #tpu.memory_space<hbm>>) target_semaphore(%arg5 : memref<!tpu.dma_semaphore, #tpu.memory_space<semaphore_mem>>)
    %get3A_1029 = arith.constant 23 : index
    %get3A_1030 = memref.load %arg0[%get3A_1029] : memref<64xi32, #tpu.memory_space<smem>>
    %jit3A_1031 = arith.constant 128 : i32
    %div3A_1032 = arith.divsi %get3A_1030, %jit3A_1031 : i32
    %sign3A_1033 = arith.constant 0 : i32
    %sign3A_1034 = arith.cmpi sgt, %get3A_1030, %sign3A_1033 : i32
    %sign3A_1035 = arith.extui %sign3A_1034 : i1 to i32
    %sign3A_1036 = arith.constant 0 : i32
    %sign3A_1037 = arith.cmpi slt, %get3A_1030, %sign3A_1036 : i32
    %sign3A_1038 = arith.extui %sign3A_1037 : i1 to i32
    %sign3A_1039 = arith.subi %sign3A_1035, %sign3A_1038 : i32
    %sign3A_1040 = arith.constant 0 : i32
    %sign3A_1041 = arith.cmpi sgt, %jit3A_1031, %sign3A_1040 : i32
    %sign3A_1042 = arith.extui %sign3A_1041 : i1 to i32
    %sign3A_1043 = arith.constant 0 : i32
    %sign3A_1044 = arith.cmpi slt, %jit3A_1031, %sign3A_1043 : i32
    %sign3A_1045 = arith.extui %sign3A_1044 : i1 to i32
    %sign3A_1046 = arith.subi %sign3A_1042, %sign3A_1045 : i32
    %ne3A_1047 = arith.cmpi ne, %sign3A_1039, %sign3A_1046 : i32
    %rem3A_1048 = arith.remsi %get3A_1030, %jit3A_1031 : i32
    %ne3A_1049 = arith.constant 0 : i32
    %ne3A_1050 = arith.cmpi ne, %rem3A_1048, %ne3A_1049 : i32
    %and3A_1051 = arith.andi %ne3A_1047, %ne3A_1050 : i1
    %sub3A_1052 = arith.constant 1 : i32
    %sub3A_1053 = arith.subi %div3A_1032, %sub3A_1052 : i32
    %select_n3A_1054 = arith.select %and3A_1051, %sub3A_1053, %div3A_1032 : i32
    %mul3A_1055 = arith.constant 128 : i32
    %mul3A_1056 = arith.muli %select_n3A_1054, %mul3A_1055 : i32
    %add3A_1057 = arith.constant 2949888 : i32
    %add3A_1058 = arith.addi %add3A_1057, %mul3A_1056 : i32
    %dma_start3A_1059 = tpu.memref_slice %arg3[%add3A_1058] : memref<8208384xf32, #tpu.memory_space<hbm>> -> memref<128xf32, #tpu.memory_space<hbm>>
    %dma_start3A_1060 = arith.constant 2944 : i32
    %dma_start3A_1061 = tpu.memref_slice %arg4[%dma_start3A_1060] : memref<8192xf32, #tpu.memory_space<vmem>> -> memref<128xf32, #tpu.memory_space<vmem>>
    tpu.enqueue_dma source(%dma_start3A_1061 : memref<128xf32, #tpu.memory_space<vmem>>) target(%dma_start3A_1059 : memref<128xf32, #tpu.memory_space<hbm>>) target_semaphore(%arg5 : memref<!tpu.dma_semaphore, #tpu.memory_space<semaphore_mem>>)
    %get3A_1062 = arith.constant 24 : index
    %get3A_1063 = memref.load %arg0[%get3A_1062] : memref<64xi32, #tpu.memory_space<smem>>
    %jit3A_1064 = arith.constant 128 : i32
    %div3A_1065 = arith.divsi %get3A_1063, %jit3A_1064 : i32
    %sign3A_1066 = arith.constant 0 : i32
    %sign3A_1067 = arith.cmpi sgt, %get3A_1063, %sign3A_1066 : i32
    %sign3A_1068 = arith.extui %sign3A_1067 : i1 to i32
    %sign3A_1069 = arith.constant 0 : i32
    %sign3A_1070 = arith.cmpi slt, %get3A_1063, %sign3A_1069 : i32
    %sign3A_1071 = arith.extui %sign3A_1070 : i1 to i32
    %sign3A_1072 = arith.subi %sign3A_1068, %sign3A_1071 : i32
    %sign3A_1073 = arith.constant 0 : i32
    %sign3A_1074 = arith.cmpi sgt, %jit3A_1064, %sign3A_1073 : i32
    %sign3A_1075 = arith.extui %sign3A_1074 : i1 to i32
    %sign3A_1076 = arith.constant 0 : i32
    %sign3A_1077 = arith.cmpi slt, %jit3A_1064, %sign3A_1076 : i32
    %sign3A_1078 = arith.extui %sign3A_1077 : i1 to i32
    %sign3A_1079 = arith.subi %sign3A_1075, %sign3A_1078 : i32
    %ne3A_1080 = arith.cmpi ne, %sign3A_1072, %sign3A_1079 : i32
    %rem3A_1081 = arith.remsi %get3A_1063, %jit3A_1064 : i32
    %ne3A_1082 = arith.constant 0 : i32
    %ne3A_1083 = arith.cmpi ne, %rem3A_1081, %ne3A_1082 : i32
    %and3A_1084 = arith.andi %ne3A_1080, %ne3A_1083 : i1
    %sub3A_1085 = arith.constant 1 : i32
    %sub3A_1086 = arith.subi %div3A_1065, %sub3A_1085 : i32
    %select_n3A_1087 = arith.select %and3A_1084, %sub3A_1086, %div3A_1065 : i32
    %mul3A_1088 = arith.constant 128 : i32
    %mul3A_1089 = arith.muli %select_n3A_1087, %mul3A_1088 : i32
    %add3A_1090 = arith.constant 3078144 : i32
    %add3A_1091 = arith.addi %add3A_1090, %mul3A_1089 : i32
    %dma_start3A_1092 = tpu.memref_slice %arg3[%add3A_1091] : memref<8208384xf32, #tpu.memory_space<hbm>> -> memref<128xf32, #tpu.memory_space<hbm>>
    %dma_start3A_1093 = arith.constant 3072 : i32
    %dma_start3A_1094 = tpu.memref_slice %arg4[%dma_start3A_1093] : memref<8192xf32, #tpu.memory_space<vmem>> -> memref<128xf32, #tpu.memory_space<vmem>>
    tpu.enqueue_dma source(%dma_start3A_1094 : memref<128xf32, #tpu.memory_space<vmem>>) target(%dma_start3A_1092 : memref<128xf32, #tpu.memory_space<hbm>>) target_semaphore(%arg5 : memref<!tpu.dma_semaphore, #tpu.memory_space<semaphore_mem>>)
    %get3A_1095 = arith.constant 25 : index
    %get3A_1096 = memref.load %arg0[%get3A_1095] : memref<64xi32, #tpu.memory_space<smem>>
    %jit3A_1097 = arith.constant 128 : i32
    %div3A_1098 = arith.divsi %get3A_1096, %jit3A_1097 : i32
    %sign3A_1099 = arith.constant 0 : i32
    %sign3A_1100 = arith.cmpi sgt, %get3A_1096, %sign3A_1099 : i32
    %sign3A_1101 = arith.extui %sign3A_1100 : i1 to i32
    %sign3A_1102 = arith.constant 0 : i32
    %sign3A_1103 = arith.cmpi slt, %get3A_1096, %sign3A_1102 : i32
    %sign3A_1104 = arith.extui %sign3A_1103 : i1 to i32
    %sign3A_1105 = arith.subi %sign3A_1101, %sign3A_1104 : i32
    %sign3A_1106 = arith.constant 0 : i32
    %sign3A_1107 = arith.cmpi sgt, %jit3A_1097, %sign3A_1106 : i32
    %sign3A_1108 = arith.extui %sign3A_1107 : i1 to i32
    %sign3A_1109 = arith.constant 0 : i32
    %sign3A_1110 = arith.cmpi slt, %jit3A_1097, %sign3A_1109 : i32
    %sign3A_1111 = arith.extui %sign3A_1110 : i1 to i32
    %sign3A_1112 = arith.subi %sign3A_1108, %sign3A_1111 : i32
    %ne3A_1113 = arith.cmpi ne, %sign3A_1105, %sign3A_1112 : i32
    %rem3A_1114 = arith.remsi %get3A_1096, %jit3A_1097 : i32
    %ne3A_1115 = arith.constant 0 : i32
    %ne3A_1116 = arith.cmpi ne, %rem3A_1114, %ne3A_1115 : i32
    %and3A_1117 = arith.andi %ne3A_1113, %ne3A_1116 : i1
    %sub3A_1118 = arith.constant 1 : i32
    %sub3A_1119 = arith.subi %div3A_1098, %sub3A_1118 : i32
    %select_n3A_1120 = arith.select %and3A_1117, %sub3A_1119, %div3A_1098 : i32
    %mul3A_1121 = arith.constant 128 : i32
    %mul3A_1122 = arith.muli %select_n3A_1120, %mul3A_1121 : i32
    %add3A_1123 = arith.constant 3206400 : i32
    %add3A_1124 = arith.addi %add3A_1123, %mul3A_1122 : i32
    %dma_start3A_1125 = tpu.memref_slice %arg3[%add3A_1124] : memref<8208384xf32, #tpu.memory_space<hbm>> -> memref<128xf32, #tpu.memory_space<hbm>>
    %dma_start3A_1126 = arith.constant 3200 : i32
    %dma_start3A_1127 = tpu.memref_slice %arg4[%dma_start3A_1126] : memref<8192xf32, #tpu.memory_space<vmem>> -> memref<128xf32, #tpu.memory_space<vmem>>
    tpu.enqueue_dma source(%dma_start3A_1127 : memref<128xf32, #tpu.memory_space<vmem>>) target(%dma_start3A_1125 : memref<128xf32, #tpu.memory_space<hbm>>) target_semaphore(%arg5 : memref<!tpu.dma_semaphore, #tpu.memory_space<semaphore_mem>>)
    %get3A_1128 = arith.constant 26 : index
    %get3A_1129 = memref.load %arg0[%get3A_1128] : memref<64xi32, #tpu.memory_space<smem>>
    %jit3A_1130 = arith.constant 128 : i32
    %div3A_1131 = arith.divsi %get3A_1129, %jit3A_1130 : i32
    %sign3A_1132 = arith.constant 0 : i32
    %sign3A_1133 = arith.cmpi sgt, %get3A_1129, %sign3A_1132 : i32
    %sign3A_1134 = arith.extui %sign3A_1133 : i1 to i32
    %sign3A_1135 = arith.constant 0 : i32
    %sign3A_1136 = arith.cmpi slt, %get3A_1129, %sign3A_1135 : i32
    %sign3A_1137 = arith.extui %sign3A_1136 : i1 to i32
    %sign3A_1138 = arith.subi %sign3A_1134, %sign3A_1137 : i32
    %sign3A_1139 = arith.constant 0 : i32
    %sign3A_1140 = arith.cmpi sgt, %jit3A_1130, %sign3A_1139 : i32
    %sign3A_1141 = arith.extui %sign3A_1140 : i1 to i32
    %sign3A_1142 = arith.constant 0 : i32
    %sign3A_1143 = arith.cmpi slt, %jit3A_1130, %sign3A_1142 : i32
    %sign3A_1144 = arith.extui %sign3A_1143 : i1 to i32
    %sign3A_1145 = arith.subi %sign3A_1141, %sign3A_1144 : i32
    %ne3A_1146 = arith.cmpi ne, %sign3A_1138, %sign3A_1145 : i32
    %rem3A_1147 = arith.remsi %get3A_1129, %jit3A_1130 : i32
    %ne3A_1148 = arith.constant 0 : i32
    %ne3A_1149 = arith.cmpi ne, %rem3A_1147, %ne3A_1148 : i32
    %and3A_1150 = arith.andi %ne3A_1146, %ne3A_1149 : i1
    %sub3A_1151 = arith.constant 1 : i32
    %sub3A_1152 = arith.subi %div3A_1131, %sub3A_1151 : i32
    %select_n3A_1153 = arith.select %and3A_1150, %sub3A_1152, %div3A_1131 : i32
    %mul3A_1154 = arith.constant 128 : i32
    %mul3A_1155 = arith.muli %select_n3A_1153, %mul3A_1154 : i32
    %add3A_1156 = arith.constant 3334656 : i32
    %add3A_1157 = arith.addi %add3A_1156, %mul3A_1155 : i32
    %dma_start3A_1158 = tpu.memref_slice %arg3[%add3A_1157] : memref<8208384xf32, #tpu.memory_space<hbm>> -> memref<128xf32, #tpu.memory_space<hbm>>
    %dma_start3A_1159 = arith.constant 3328 : i32
    %dma_start3A_1160 = tpu.memref_slice %arg4[%dma_start3A_1159] : memref<8192xf32, #tpu.memory_space<vmem>> -> memref<128xf32, #tpu.memory_space<vmem>>
    tpu.enqueue_dma source(%dma_start3A_1160 : memref<128xf32, #tpu.memory_space<vmem>>) target(%dma_start3A_1158 : memref<128xf32, #tpu.memory_space<hbm>>) target_semaphore(%arg5 : memref<!tpu.dma_semaphore, #tpu.memory_space<semaphore_mem>>)
    %get3A_1161 = arith.constant 27 : index
    %get3A_1162 = memref.load %arg0[%get3A_1161] : memref<64xi32, #tpu.memory_space<smem>>
    %jit3A_1163 = arith.constant 128 : i32
    %div3A_1164 = arith.divsi %get3A_1162, %jit3A_1163 : i32
    %sign3A_1165 = arith.constant 0 : i32
    %sign3A_1166 = arith.cmpi sgt, %get3A_1162, %sign3A_1165 : i32
    %sign3A_1167 = arith.extui %sign3A_1166 : i1 to i32
    %sign3A_1168 = arith.constant 0 : i32
    %sign3A_1169 = arith.cmpi slt, %get3A_1162, %sign3A_1168 : i32
    %sign3A_1170 = arith.extui %sign3A_1169 : i1 to i32
    %sign3A_1171 = arith.subi %sign3A_1167, %sign3A_1170 : i32
    %sign3A_1172 = arith.constant 0 : i32
    %sign3A_1173 = arith.cmpi sgt, %jit3A_1163, %sign3A_1172 : i32
    %sign3A_1174 = arith.extui %sign3A_1173 : i1 to i32
    %sign3A_1175 = arith.constant 0 : i32
    %sign3A_1176 = arith.cmpi slt, %jit3A_1163, %sign3A_1175 : i32
    %sign3A_1177 = arith.extui %sign3A_1176 : i1 to i32
    %sign3A_1178 = arith.subi %sign3A_1174, %sign3A_1177 : i32
    %ne3A_1179 = arith.cmpi ne, %sign3A_1171, %sign3A_1178 : i32
    %rem3A_1180 = arith.remsi %get3A_1162, %jit3A_1163 : i32
    %ne3A_1181 = arith.constant 0 : i32
    %ne3A_1182 = arith.cmpi ne, %rem3A_1180, %ne3A_1181 : i32
    %and3A_1183 = arith.andi %ne3A_1179, %ne3A_1182 : i1
    %sub3A_1184 = arith.constant 1 : i32
    %sub3A_1185 = arith.subi %div3A_1164, %sub3A_1184 : i32
    %select_n3A_1186 = arith.select %and3A_1183, %sub3A_1185, %div3A_1164 : i32
    %mul3A_1187 = arith.constant 128 : i32
    %mul3A_1188 = arith.muli %select_n3A_1186, %mul3A_1187 : i32
    %add3A_1189 = arith.constant 3462912 : i32
    %add3A_1190 = arith.addi %add3A_1189, %mul3A_1188 : i32
    %dma_start3A_1191 = tpu.memref_slice %arg3[%add3A_1190] : memref<8208384xf32, #tpu.memory_space<hbm>> -> memref<128xf32, #tpu.memory_space<hbm>>
    %dma_start3A_1192 = arith.constant 3456 : i32
    %dma_start3A_1193 = tpu.memref_slice %arg4[%dma_start3A_1192] : memref<8192xf32, #tpu.memory_space<vmem>> -> memref<128xf32, #tpu.memory_space<vmem>>
    tpu.enqueue_dma source(%dma_start3A_1193 : memref<128xf32, #tpu.memory_space<vmem>>) target(%dma_start3A_1191 : memref<128xf32, #tpu.memory_space<hbm>>) target_semaphore(%arg5 : memref<!tpu.dma_semaphore, #tpu.memory_space<semaphore_mem>>)
    %get3A_1194 = arith.constant 28 : index
    %get3A_1195 = memref.load %arg0[%get3A_1194] : memref<64xi32, #tpu.memory_space<smem>>
    %jit3A_1196 = arith.constant 128 : i32
    %div3A_1197 = arith.divsi %get3A_1195, %jit3A_1196 : i32
    %sign3A_1198 = arith.constant 0 : i32
    %sign3A_1199 = arith.cmpi sgt, %get3A_1195, %sign3A_1198 : i32
    %sign3A_1200 = arith.extui %sign3A_1199 : i1 to i32
    %sign3A_1201 = arith.constant 0 : i32
    %sign3A_1202 = arith.cmpi slt, %get3A_1195, %sign3A_1201 : i32
    %sign3A_1203 = arith.extui %sign3A_1202 : i1 to i32
    %sign3A_1204 = arith.subi %sign3A_1200, %sign3A_1203 : i32
    %sign3A_1205 = arith.constant 0 : i32
    %sign3A_1206 = arith.cmpi sgt, %jit3A_1196, %sign3A_1205 : i32
    %sign3A_1207 = arith.extui %sign3A_1206 : i1 to i32
    %sign3A_1208 = arith.constant 0 : i32
    %sign3A_1209 = arith.cmpi slt, %jit3A_1196, %sign3A_1208 : i32
    %sign3A_1210 = arith.extui %sign3A_1209 : i1 to i32
    %sign3A_1211 = arith.subi %sign3A_1207, %sign3A_1210 : i32
    %ne3A_1212 = arith.cmpi ne, %sign3A_1204, %sign3A_1211 : i32
    %rem3A_1213 = arith.remsi %get3A_1195, %jit3A_1196 : i32
    %ne3A_1214 = arith.constant 0 : i32
    %ne3A_1215 = arith.cmpi ne, %rem3A_1213, %ne3A_1214 : i32
    %and3A_1216 = arith.andi %ne3A_1212, %ne3A_1215 : i1
    %sub3A_1217 = arith.constant 1 : i32
    %sub3A_1218 = arith.subi %div3A_1197, %sub3A_1217 : i32
    %select_n3A_1219 = arith.select %and3A_1216, %sub3A_1218, %div3A_1197 : i32
    %mul3A_1220 = arith.constant 128 : i32
    %mul3A_1221 = arith.muli %select_n3A_1219, %mul3A_1220 : i32
    %add3A_1222 = arith.constant 3591168 : i32
    %add3A_1223 = arith.addi %add3A_1222, %mul3A_1221 : i32
    %dma_start3A_1224 = tpu.memref_slice %arg3[%add3A_1223] : memref<8208384xf32, #tpu.memory_space<hbm>> -> memref<128xf32, #tpu.memory_space<hbm>>
    %dma_start3A_1225 = arith.constant 3584 : i32
    %dma_start3A_1226 = tpu.memref_slice %arg4[%dma_start3A_1225] : memref<8192xf32, #tpu.memory_space<vmem>> -> memref<128xf32, #tpu.memory_space<vmem>>
    tpu.enqueue_dma source(%dma_start3A_1226 : memref<128xf32, #tpu.memory_space<vmem>>) target(%dma_start3A_1224 : memref<128xf32, #tpu.memory_space<hbm>>) target_semaphore(%arg5 : memref<!tpu.dma_semaphore, #tpu.memory_space<semaphore_mem>>)
    %get3A_1227 = arith.constant 29 : index
    %get3A_1228 = memref.load %arg0[%get3A_1227] : memref<64xi32, #tpu.memory_space<smem>>
    %jit3A_1229 = arith.constant 128 : i32
    %div3A_1230 = arith.divsi %get3A_1228, %jit3A_1229 : i32
    %sign3A_1231 = arith.constant 0 : i32
    %sign3A_1232 = arith.cmpi sgt, %get3A_1228, %sign3A_1231 : i32
    %sign3A_1233 = arith.extui %sign3A_1232 : i1 to i32
    %sign3A_1234 = arith.constant 0 : i32
    %sign3A_1235 = arith.cmpi slt, %get3A_1228, %sign3A_1234 : i32
    %sign3A_1236 = arith.extui %sign3A_1235 : i1 to i32
    %sign3A_1237 = arith.subi %sign3A_1233, %sign3A_1236 : i32
    %sign3A_1238 = arith.constant 0 : i32
    %sign3A_1239 = arith.cmpi sgt, %jit3A_1229, %sign3A_1238 : i32
    %sign3A_1240 = arith.extui %sign3A_1239 : i1 to i32
    %sign3A_1241 = arith.constant 0 : i32
    %sign3A_1242 = arith.cmpi slt, %jit3A_1229, %sign3A_1241 : i32
    %sign3A_1243 = arith.extui %sign3A_1242 : i1 to i32
    %sign3A_1244 = arith.subi %sign3A_1240, %sign3A_1243 : i32
    %ne3A_1245 = arith.cmpi ne, %sign3A_1237, %sign3A_1244 : i32
    %rem3A_1246 = arith.remsi %get3A_1228, %jit3A_1229 : i32
    %ne3A_1247 = arith.constant 0 : i32
    %ne3A_1248 = arith.cmpi ne, %rem3A_1246, %ne3A_1247 : i32
    %and3A_1249 = arith.andi %ne3A_1245, %ne3A_1248 : i1
    %sub3A_1250 = arith.constant 1 : i32
    %sub3A_1251 = arith.subi %div3A_1230, %sub3A_1250 : i32
    %select_n3A_1252 = arith.select %and3A_1249, %sub3A_1251, %div3A_1230 : i32
    %mul3A_1253 = arith.constant 128 : i32
    %mul3A_1254 = arith.muli %select_n3A_1252, %mul3A_1253 : i32
    %add3A_1255 = arith.constant 3719424 : i32
    %add3A_1256 = arith.addi %add3A_1255, %mul3A_1254 : i32
    %dma_start3A_1257 = tpu.memref_slice %arg3[%add3A_1256] : memref<8208384xf32, #tpu.memory_space<hbm>> -> memref<128xf32, #tpu.memory_space<hbm>>
    %dma_start3A_1258 = arith.constant 3712 : i32
    %dma_start3A_1259 = tpu.memref_slice %arg4[%dma_start3A_1258] : memref<8192xf32, #tpu.memory_space<vmem>> -> memref<128xf32, #tpu.memory_space<vmem>>
    tpu.enqueue_dma source(%dma_start3A_1259 : memref<128xf32, #tpu.memory_space<vmem>>) target(%dma_start3A_1257 : memref<128xf32, #tpu.memory_space<hbm>>) target_semaphore(%arg5 : memref<!tpu.dma_semaphore, #tpu.memory_space<semaphore_mem>>)
    %get3A_1260 = arith.constant 30 : index
    %get3A_1261 = memref.load %arg0[%get3A_1260] : memref<64xi32, #tpu.memory_space<smem>>
    %jit3A_1262 = arith.constant 128 : i32
    %div3A_1263 = arith.divsi %get3A_1261, %jit3A_1262 : i32
    %sign3A_1264 = arith.constant 0 : i32
    %sign3A_1265 = arith.cmpi sgt, %get3A_1261, %sign3A_1264 : i32
    %sign3A_1266 = arith.extui %sign3A_1265 : i1 to i32
    %sign3A_1267 = arith.constant 0 : i32
    %sign3A_1268 = arith.cmpi slt, %get3A_1261, %sign3A_1267 : i32
    %sign3A_1269 = arith.extui %sign3A_1268 : i1 to i32
    %sign3A_1270 = arith.subi %sign3A_1266, %sign3A_1269 : i32
    %sign3A_1271 = arith.constant 0 : i32
    %sign3A_1272 = arith.cmpi sgt, %jit3A_1262, %sign3A_1271 : i32
    %sign3A_1273 = arith.extui %sign3A_1272 : i1 to i32
    %sign3A_1274 = arith.constant 0 : i32
    %sign3A_1275 = arith.cmpi slt, %jit3A_1262, %sign3A_1274 : i32
    %sign3A_1276 = arith.extui %sign3A_1275 : i1 to i32
    %sign3A_1277 = arith.subi %sign3A_1273, %sign3A_1276 : i32
    %ne3A_1278 = arith.cmpi ne, %sign3A_1270, %sign3A_1277 : i32
    %rem3A_1279 = arith.remsi %get3A_1261, %jit3A_1262 : i32
    %ne3A_1280 = arith.constant 0 : i32
    %ne3A_1281 = arith.cmpi ne, %rem3A_1279, %ne3A_1280 : i32
    %and3A_1282 = arith.andi %ne3A_1278, %ne3A_1281 : i1
    %sub3A_1283 = arith.constant 1 : i32
    %sub3A_1284 = arith.subi %div3A_1263, %sub3A_1283 : i32
    %select_n3A_1285 = arith.select %and3A_1282, %sub3A_1284, %div3A_1263 : i32
    %mul3A_1286 = arith.constant 128 : i32
    %mul3A_1287 = arith.muli %select_n3A_1285, %mul3A_1286 : i32
    %add3A_1288 = arith.constant 3847680 : i32
    %add3A_1289 = arith.addi %add3A_1288, %mul3A_1287 : i32
    %dma_start3A_1290 = tpu.memref_slice %arg3[%add3A_1289] : memref<8208384xf32, #tpu.memory_space<hbm>> -> memref<128xf32, #tpu.memory_space<hbm>>
    %dma_start3A_1291 = arith.constant 3840 : i32
    %dma_start3A_1292 = tpu.memref_slice %arg4[%dma_start3A_1291] : memref<8192xf32, #tpu.memory_space<vmem>> -> memref<128xf32, #tpu.memory_space<vmem>>
    tpu.enqueue_dma source(%dma_start3A_1292 : memref<128xf32, #tpu.memory_space<vmem>>) target(%dma_start3A_1290 : memref<128xf32, #tpu.memory_space<hbm>>) target_semaphore(%arg5 : memref<!tpu.dma_semaphore, #tpu.memory_space<semaphore_mem>>)
    %get3A_1293 = arith.constant 31 : index
    %get3A_1294 = memref.load %arg0[%get3A_1293] : memref<64xi32, #tpu.memory_space<smem>>
    %jit3A_1295 = arith.constant 128 : i32
    %div3A_1296 = arith.divsi %get3A_1294, %jit3A_1295 : i32
    %sign3A_1297 = arith.constant 0 : i32
    %sign3A_1298 = arith.cmpi sgt, %get3A_1294, %sign3A_1297 : i32
    %sign3A_1299 = arith.extui %sign3A_1298 : i1 to i32
    %sign3A_1300 = arith.constant 0 : i32
    %sign3A_1301 = arith.cmpi slt, %get3A_1294, %sign3A_1300 : i32
    %sign3A_1302 = arith.extui %sign3A_1301 : i1 to i32
    %sign3A_1303 = arith.subi %sign3A_1299, %sign3A_1302 : i32
    %sign3A_1304 = arith.constant 0 : i32
    %sign3A_1305 = arith.cmpi sgt, %jit3A_1295, %sign3A_1304 : i32
    %sign3A_1306 = arith.extui %sign3A_1305 : i1 to i32
    %sign3A_1307 = arith.constant 0 : i32
    %sign3A_1308 = arith.cmpi slt, %jit3A_1295, %sign3A_1307 : i32
    %sign3A_1309 = arith.extui %sign3A_1308 : i1 to i32
    %sign3A_1310 = arith.subi %sign3A_1306, %sign3A_1309 : i32
    %ne3A_1311 = arith.cmpi ne, %sign3A_1303, %sign3A_1310 : i32
    %rem3A_1312 = arith.remsi %get3A_1294, %jit3A_1295 : i32
    %ne3A_1313 = arith.constant 0 : i32
    %ne3A_1314 = arith.cmpi ne, %rem3A_1312, %ne3A_1313 : i32
    %and3A_1315 = arith.andi %ne3A_1311, %ne3A_1314 : i1
    %sub3A_1316 = arith.constant 1 : i32
    %sub3A_1317 = arith.subi %div3A_1296, %sub3A_1316 : i32
    %select_n3A_1318 = arith.select %and3A_1315, %sub3A_1317, %div3A_1296 : i32
    %mul3A_1319 = arith.constant 128 : i32
    %mul3A_1320 = arith.muli %select_n3A_1318, %mul3A_1319 : i32
    %add3A_1321 = arith.constant 3975936 : i32
    %add3A_1322 = arith.addi %add3A_1321, %mul3A_1320 : i32
    %dma_start3A_1323 = tpu.memref_slice %arg3[%add3A_1322] : memref<8208384xf32, #tpu.memory_space<hbm>> -> memref<128xf32, #tpu.memory_space<hbm>>
    %dma_start3A_1324 = arith.constant 3968 : i32
    %dma_start3A_1325 = tpu.memref_slice %arg4[%dma_start3A_1324] : memref<8192xf32, #tpu.memory_space<vmem>> -> memref<128xf32, #tpu.memory_space<vmem>>
    tpu.enqueue_dma source(%dma_start3A_1325 : memref<128xf32, #tpu.memory_space<vmem>>) target(%dma_start3A_1323 : memref<128xf32, #tpu.memory_space<hbm>>) target_semaphore(%arg5 : memref<!tpu.dma_semaphore, #tpu.memory_space<semaphore_mem>>)
    %get3A_1326 = arith.constant 32 : index
    %get3A_1327 = memref.load %arg0[%get3A_1326] : memref<64xi32, #tpu.memory_space<smem>>
    %jit3A_1328 = arith.constant 128 : i32
    %div3A_1329 = arith.divsi %get3A_1327, %jit3A_1328 : i32
    %sign3A_1330 = arith.constant 0 : i32
    %sign3A_1331 = arith.cmpi sgt, %get3A_1327, %sign3A_1330 : i32
    %sign3A_1332 = arith.extui %sign3A_1331 : i1 to i32
    %sign3A_1333 = arith.constant 0 : i32
    %sign3A_1334 = arith.cmpi slt, %get3A_1327, %sign3A_1333 : i32
    %sign3A_1335 = arith.extui %sign3A_1334 : i1 to i32
    %sign3A_1336 = arith.subi %sign3A_1332, %sign3A_1335 : i32
    %sign3A_1337 = arith.constant 0 : i32
    %sign3A_1338 = arith.cmpi sgt, %jit3A_1328, %sign3A_1337 : i32
    %sign3A_1339 = arith.extui %sign3A_1338 : i1 to i32
    %sign3A_1340 = arith.constant 0 : i32
    %sign3A_1341 = arith.cmpi slt, %jit3A_1328, %sign3A_1340 : i32
    %sign3A_1342 = arith.extui %sign3A_1341 : i1 to i32
    %sign3A_1343 = arith.subi %sign3A_1339, %sign3A_1342 : i32
    %ne3A_1344 = arith.cmpi ne, %sign3A_1336, %sign3A_1343 : i32
    %rem3A_1345 = arith.remsi %get3A_1327, %jit3A_1328 : i32
    %ne3A_1346 = arith.constant 0 : i32
    %ne3A_1347 = arith.cmpi ne, %rem3A_1345, %ne3A_1346 : i32
    %and3A_1348 = arith.andi %ne3A_1344, %ne3A_1347 : i1
    %sub3A_1349 = arith.constant 1 : i32
    %sub3A_1350 = arith.subi %div3A_1329, %sub3A_1349 : i32
    %select_n3A_1351 = arith.select %and3A_1348, %sub3A_1350, %div3A_1329 : i32
    %mul3A_1352 = arith.constant 128 : i32
    %mul3A_1353 = arith.muli %select_n3A_1351, %mul3A_1352 : i32
    %add3A_1354 = arith.constant 4104192 : i32
    %add3A_1355 = arith.addi %add3A_1354, %mul3A_1353 : i32
    %dma_start3A_1356 = tpu.memref_slice %arg3[%add3A_1355] : memref<8208384xf32, #tpu.memory_space<hbm>> -> memref<128xf32, #tpu.memory_space<hbm>>
    %dma_start3A_1357 = arith.constant 4096 : i32
    %dma_start3A_1358 = tpu.memref_slice %arg4[%dma_start3A_1357] : memref<8192xf32, #tpu.memory_space<vmem>> -> memref<128xf32, #tpu.memory_space<vmem>>
    tpu.enqueue_dma source(%dma_start3A_1358 : memref<128xf32, #tpu.memory_space<vmem>>) target(%dma_start3A_1356 : memref<128xf32, #tpu.memory_space<hbm>>) target_semaphore(%arg5 : memref<!tpu.dma_semaphore, #tpu.memory_space<semaphore_mem>>)
    %get3A_1359 = arith.constant 33 : index
    %get3A_1360 = memref.load %arg0[%get3A_1359] : memref<64xi32, #tpu.memory_space<smem>>
    %jit3A_1361 = arith.constant 128 : i32
    %div3A_1362 = arith.divsi %get3A_1360, %jit3A_1361 : i32
    %sign3A_1363 = arith.constant 0 : i32
    %sign3A_1364 = arith.cmpi sgt, %get3A_1360, %sign3A_1363 : i32
    %sign3A_1365 = arith.extui %sign3A_1364 : i1 to i32
    %sign3A_1366 = arith.constant 0 : i32
    %sign3A_1367 = arith.cmpi slt, %get3A_1360, %sign3A_1366 : i32
    %sign3A_1368 = arith.extui %sign3A_1367 : i1 to i32
    %sign3A_1369 = arith.subi %sign3A_1365, %sign3A_1368 : i32
    %sign3A_1370 = arith.constant 0 : i32
    %sign3A_1371 = arith.cmpi sgt, %jit3A_1361, %sign3A_1370 : i32
    %sign3A_1372 = arith.extui %sign3A_1371 : i1 to i32
    %sign3A_1373 = arith.constant 0 : i32
    %sign3A_1374 = arith.cmpi slt, %jit3A_1361, %sign3A_1373 : i32
    %sign3A_1375 = arith.extui %sign3A_1374 : i1 to i32
    %sign3A_1376 = arith.subi %sign3A_1372, %sign3A_1375 : i32
    %ne3A_1377 = arith.cmpi ne, %sign3A_1369, %sign3A_1376 : i32
    %rem3A_1378 = arith.remsi %get3A_1360, %jit3A_1361 : i32
    %ne3A_1379 = arith.constant 0 : i32
    %ne3A_1380 = arith.cmpi ne, %rem3A_1378, %ne3A_1379 : i32
    %and3A_1381 = arith.andi %ne3A_1377, %ne3A_1380 : i1
    %sub3A_1382 = arith.constant 1 : i32
    %sub3A_1383 = arith.subi %div3A_1362, %sub3A_1382 : i32
    %select_n3A_1384 = arith.select %and3A_1381, %sub3A_1383, %div3A_1362 : i32
    %mul3A_1385 = arith.constant 128 : i32
    %mul3A_1386 = arith.muli %select_n3A_1384, %mul3A_1385 : i32
    %add3A_1387 = arith.constant 4232448 : i32
    %add3A_1388 = arith.addi %add3A_1387, %mul3A_1386 : i32
    %dma_start3A_1389 = tpu.memref_slice %arg3[%add3A_1388] : memref<8208384xf32, #tpu.memory_space<hbm>> -> memref<128xf32, #tpu.memory_space<hbm>>
    %dma_start3A_1390 = arith.constant 4224 : i32
    %dma_start3A_1391 = tpu.memref_slice %arg4[%dma_start3A_1390] : memref<8192xf32, #tpu.memory_space<vmem>> -> memref<128xf32, #tpu.memory_space<vmem>>
    tpu.enqueue_dma source(%dma_start3A_1391 : memref<128xf32, #tpu.memory_space<vmem>>) target(%dma_start3A_1389 : memref<128xf32, #tpu.memory_space<hbm>>) target_semaphore(%arg5 : memref<!tpu.dma_semaphore, #tpu.memory_space<semaphore_mem>>)
    %get3A_1392 = arith.constant 34 : index
    %get3A_1393 = memref.load %arg0[%get3A_1392] : memref<64xi32, #tpu.memory_space<smem>>
    %jit3A_1394 = arith.constant 128 : i32
    %div3A_1395 = arith.divsi %get3A_1393, %jit3A_1394 : i32
    %sign3A_1396 = arith.constant 0 : i32
    %sign3A_1397 = arith.cmpi sgt, %get3A_1393, %sign3A_1396 : i32
    %sign3A_1398 = arith.extui %sign3A_1397 : i1 to i32
    %sign3A_1399 = arith.constant 0 : i32
    %sign3A_1400 = arith.cmpi slt, %get3A_1393, %sign3A_1399 : i32
    %sign3A_1401 = arith.extui %sign3A_1400 : i1 to i32
    %sign3A_1402 = arith.subi %sign3A_1398, %sign3A_1401 : i32
    %sign3A_1403 = arith.constant 0 : i32
    %sign3A_1404 = arith.cmpi sgt, %jit3A_1394, %sign3A_1403 : i32
    %sign3A_1405 = arith.extui %sign3A_1404 : i1 to i32
    %sign3A_1406 = arith.constant 0 : i32
    %sign3A_1407 = arith.cmpi slt, %jit3A_1394, %sign3A_1406 : i32
    %sign3A_1408 = arith.extui %sign3A_1407 : i1 to i32
    %sign3A_1409 = arith.subi %sign3A_1405, %sign3A_1408 : i32
    %ne3A_1410 = arith.cmpi ne, %sign3A_1402, %sign3A_1409 : i32
    %rem3A_1411 = arith.remsi %get3A_1393, %jit3A_1394 : i32
    %ne3A_1412 = arith.constant 0 : i32
    %ne3A_1413 = arith.cmpi ne, %rem3A_1411, %ne3A_1412 : i32
    %and3A_1414 = arith.andi %ne3A_1410, %ne3A_1413 : i1
    %sub3A_1415 = arith.constant 1 : i32
    %sub3A_1416 = arith.subi %div3A_1395, %sub3A_1415 : i32
    %select_n3A_1417 = arith.select %and3A_1414, %sub3A_1416, %div3A_1395 : i32
    %mul3A_1418 = arith.constant 128 : i32
    %mul3A_1419 = arith.muli %select_n3A_1417, %mul3A_1418 : i32
    %add3A_1420 = arith.constant 4360704 : i32
    %add3A_1421 = arith.addi %add3A_1420, %mul3A_1419 : i32
    %dma_start3A_1422 = tpu.memref_slice %arg3[%add3A_1421] : memref<8208384xf32, #tpu.memory_space<hbm>> -> memref<128xf32, #tpu.memory_space<hbm>>
    %dma_start3A_1423 = arith.constant 4352 : i32
    %dma_start3A_1424 = tpu.memref_slice %arg4[%dma_start3A_1423] : memref<8192xf32, #tpu.memory_space<vmem>> -> memref<128xf32, #tpu.memory_space<vmem>>
    tpu.enqueue_dma source(%dma_start3A_1424 : memref<128xf32, #tpu.memory_space<vmem>>) target(%dma_start3A_1422 : memref<128xf32, #tpu.memory_space<hbm>>) target_semaphore(%arg5 : memref<!tpu.dma_semaphore, #tpu.memory_space<semaphore_mem>>)
    %get3A_1425 = arith.constant 35 : index
    %get3A_1426 = memref.load %arg0[%get3A_1425] : memref<64xi32, #tpu.memory_space<smem>>
    %jit3A_1427 = arith.constant 128 : i32
    %div3A_1428 = arith.divsi %get3A_1426, %jit3A_1427 : i32
    %sign3A_1429 = arith.constant 0 : i32
    %sign3A_1430 = arith.cmpi sgt, %get3A_1426, %sign3A_1429 : i32
    %sign3A_1431 = arith.extui %sign3A_1430 : i1 to i32
    %sign3A_1432 = arith.constant 0 : i32
    %sign3A_1433 = arith.cmpi slt, %get3A_1426, %sign3A_1432 : i32
    %sign3A_1434 = arith.extui %sign3A_1433 : i1 to i32
    %sign3A_1435 = arith.subi %sign3A_1431, %sign3A_1434 : i32
    %sign3A_1436 = arith.constant 0 : i32
    %sign3A_1437 = arith.cmpi sgt, %jit3A_1427, %sign3A_1436 : i32
    %sign3A_1438 = arith.extui %sign3A_1437 : i1 to i32
    %sign3A_1439 = arith.constant 0 : i32
    %sign3A_1440 = arith.cmpi slt, %jit3A_1427, %sign3A_1439 : i32
    %sign3A_1441 = arith.extui %sign3A_1440 : i1 to i32
    %sign3A_1442 = arith.subi %sign3A_1438, %sign3A_1441 : i32
    %ne3A_1443 = arith.cmpi ne, %sign3A_1435, %sign3A_1442 : i32
    %rem3A_1444 = arith.remsi %get3A_1426, %jit3A_1427 : i32
    %ne3A_1445 = arith.constant 0 : i32
    %ne3A_1446 = arith.cmpi ne, %rem3A_1444, %ne3A_1445 : i32
    %and3A_1447 = arith.andi %ne3A_1443, %ne3A_1446 : i1
    %sub3A_1448 = arith.constant 1 : i32
    %sub3A_1449 = arith.subi %div3A_1428, %sub3A_1448 : i32
    %select_n3A_1450 = arith.select %and3A_1447, %sub3A_1449, %div3A_1428 : i32
    %mul3A_1451 = arith.constant 128 : i32
    %mul3A_1452 = arith.muli %select_n3A_1450, %mul3A_1451 : i32
    %add3A_1453 = arith.constant 4488960 : i32
    %add3A_1454 = arith.addi %add3A_1453, %mul3A_1452 : i32
    %dma_start3A_1455 = tpu.memref_slice %arg3[%add3A_1454] : memref<8208384xf32, #tpu.memory_space<hbm>> -> memref<128xf32, #tpu.memory_space<hbm>>
    %dma_start3A_1456 = arith.constant 4480 : i32
    %dma_start3A_1457 = tpu.memref_slice %arg4[%dma_start3A_1456] : memref<8192xf32, #tpu.memory_space<vmem>> -> memref<128xf32, #tpu.memory_space<vmem>>
    tpu.enqueue_dma source(%dma_start3A_1457 : memref<128xf32, #tpu.memory_space<vmem>>) target(%dma_start3A_1455 : memref<128xf32, #tpu.memory_space<hbm>>) target_semaphore(%arg5 : memref<!tpu.dma_semaphore, #tpu.memory_space<semaphore_mem>>)
    %get3A_1458 = arith.constant 36 : index
    %get3A_1459 = memref.load %arg0[%get3A_1458] : memref<64xi32, #tpu.memory_space<smem>>
    %jit3A_1460 = arith.constant 128 : i32
    %div3A_1461 = arith.divsi %get3A_1459, %jit3A_1460 : i32
    %sign3A_1462 = arith.constant 0 : i32
    %sign3A_1463 = arith.cmpi sgt, %get3A_1459, %sign3A_1462 : i32
    %sign3A_1464 = arith.extui %sign3A_1463 : i1 to i32
    %sign3A_1465 = arith.constant 0 : i32
    %sign3A_1466 = arith.cmpi slt, %get3A_1459, %sign3A_1465 : i32
    %sign3A_1467 = arith.extui %sign3A_1466 : i1 to i32
    %sign3A_1468 = arith.subi %sign3A_1464, %sign3A_1467 : i32
    %sign3A_1469 = arith.constant 0 : i32
    %sign3A_1470 = arith.cmpi sgt, %jit3A_1460, %sign3A_1469 : i32
    %sign3A_1471 = arith.extui %sign3A_1470 : i1 to i32
    %sign3A_1472 = arith.constant 0 : i32
    %sign3A_1473 = arith.cmpi slt, %jit3A_1460, %sign3A_1472 : i32
    %sign3A_1474 = arith.extui %sign3A_1473 : i1 to i32
    %sign3A_1475 = arith.subi %sign3A_1471, %sign3A_1474 : i32
    %ne3A_1476 = arith.cmpi ne, %sign3A_1468, %sign3A_1475 : i32
    %rem3A_1477 = arith.remsi %get3A_1459, %jit3A_1460 : i32
    %ne3A_1478 = arith.constant 0 : i32
    %ne3A_1479 = arith.cmpi ne, %rem3A_1477, %ne3A_1478 : i32
    %and3A_1480 = arith.andi %ne3A_1476, %ne3A_1479 : i1
    %sub3A_1481 = arith.constant 1 : i32
    %sub3A_1482 = arith.subi %div3A_1461, %sub3A_1481 : i32
    %select_n3A_1483 = arith.select %and3A_1480, %sub3A_1482, %div3A_1461 : i32
    %mul3A_1484 = arith.constant 128 : i32
    %mul3A_1485 = arith.muli %select_n3A_1483, %mul3A_1484 : i32
    %add3A_1486 = arith.constant 4617216 : i32
    %add3A_1487 = arith.addi %add3A_1486, %mul3A_1485 : i32
    %dma_start3A_1488 = tpu.memref_slice %arg3[%add3A_1487] : memref<8208384xf32, #tpu.memory_space<hbm>> -> memref<128xf32, #tpu.memory_space<hbm>>
    %dma_start3A_1489 = arith.constant 4608 : i32
    %dma_start3A_1490 = tpu.memref_slice %arg4[%dma_start3A_1489] : memref<8192xf32, #tpu.memory_space<vmem>> -> memref<128xf32, #tpu.memory_space<vmem>>
    tpu.enqueue_dma source(%dma_start3A_1490 : memref<128xf32, #tpu.memory_space<vmem>>) target(%dma_start3A_1488 : memref<128xf32, #tpu.memory_space<hbm>>) target_semaphore(%arg5 : memref<!tpu.dma_semaphore, #tpu.memory_space<semaphore_mem>>)
    %get3A_1491 = arith.constant 37 : index
    %get3A_1492 = memref.load %arg0[%get3A_1491] : memref<64xi32, #tpu.memory_space<smem>>
    %jit3A_1493 = arith.constant 128 : i32
    %div3A_1494 = arith.divsi %get3A_1492, %jit3A_1493 : i32
    %sign3A_1495 = arith.constant 0 : i32
    %sign3A_1496 = arith.cmpi sgt, %get3A_1492, %sign3A_1495 : i32
    %sign3A_1497 = arith.extui %sign3A_1496 : i1 to i32
    %sign3A_1498 = arith.constant 0 : i32
    %sign3A_1499 = arith.cmpi slt, %get3A_1492, %sign3A_1498 : i32
    %sign3A_1500 = arith.extui %sign3A_1499 : i1 to i32
    %sign3A_1501 = arith.subi %sign3A_1497, %sign3A_1500 : i32
    %sign3A_1502 = arith.constant 0 : i32
    %sign3A_1503 = arith.cmpi sgt, %jit3A_1493, %sign3A_1502 : i32
    %sign3A_1504 = arith.extui %sign3A_1503 : i1 to i32
    %sign3A_1505 = arith.constant 0 : i32
    %sign3A_1506 = arith.cmpi slt, %jit3A_1493, %sign3A_1505 : i32
    %sign3A_1507 = arith.extui %sign3A_1506 : i1 to i32
    %sign3A_1508 = arith.subi %sign3A_1504, %sign3A_1507 : i32
    %ne3A_1509 = arith.cmpi ne, %sign3A_1501, %sign3A_1508 : i32
    %rem3A_1510 = arith.remsi %get3A_1492, %jit3A_1493 : i32
    %ne3A_1511 = arith.constant 0 : i32
    %ne3A_1512 = arith.cmpi ne, %rem3A_1510, %ne3A_1511 : i32
    %and3A_1513 = arith.andi %ne3A_1509, %ne3A_1512 : i1
    %sub3A_1514 = arith.constant 1 : i32
    %sub3A_1515 = arith.subi %div3A_1494, %sub3A_1514 : i32
    %select_n3A_1516 = arith.select %and3A_1513, %sub3A_1515, %div3A_1494 : i32
    %mul3A_1517 = arith.constant 128 : i32
    %mul3A_1518 = arith.muli %select_n3A_1516, %mul3A_1517 : i32
    %add3A_1519 = arith.constant 4745472 : i32
    %add3A_1520 = arith.addi %add3A_1519, %mul3A_1518 : i32
    %dma_start3A_1521 = tpu.memref_slice %arg3[%add3A_1520] : memref<8208384xf32, #tpu.memory_space<hbm>> -> memref<128xf32, #tpu.memory_space<hbm>>
    %dma_start3A_1522 = arith.constant 4736 : i32
    %dma_start3A_1523 = tpu.memref_slice %arg4[%dma_start3A_1522] : memref<8192xf32, #tpu.memory_space<vmem>> -> memref<128xf32, #tpu.memory_space<vmem>>
    tpu.enqueue_dma source(%dma_start3A_1523 : memref<128xf32, #tpu.memory_space<vmem>>) target(%dma_start3A_1521 : memref<128xf32, #tpu.memory_space<hbm>>) target_semaphore(%arg5 : memref<!tpu.dma_semaphore, #tpu.memory_space<semaphore_mem>>)
    %get3A_1524 = arith.constant 38 : index
    %get3A_1525 = memref.load %arg0[%get3A_1524] : memref<64xi32, #tpu.memory_space<smem>>
    %jit3A_1526 = arith.constant 128 : i32
    %div3A_1527 = arith.divsi %get3A_1525, %jit3A_1526 : i32
    %sign3A_1528 = arith.constant 0 : i32
    %sign3A_1529 = arith.cmpi sgt, %get3A_1525, %sign3A_1528 : i32
    %sign3A_1530 = arith.extui %sign3A_1529 : i1 to i32
    %sign3A_1531 = arith.constant 0 : i32
    %sign3A_1532 = arith.cmpi slt, %get3A_1525, %sign3A_1531 : i32
    %sign3A_1533 = arith.extui %sign3A_1532 : i1 to i32
    %sign3A_1534 = arith.subi %sign3A_1530, %sign3A_1533 : i32
    %sign3A_1535 = arith.constant 0 : i32
    %sign3A_1536 = arith.cmpi sgt, %jit3A_1526, %sign3A_1535 : i32
    %sign3A_1537 = arith.extui %sign3A_1536 : i1 to i32
    %sign3A_1538 = arith.constant 0 : i32
    %sign3A_1539 = arith.cmpi slt, %jit3A_1526, %sign3A_1538 : i32
    %sign3A_1540 = arith.extui %sign3A_1539 : i1 to i32
    %sign3A_1541 = arith.subi %sign3A_1537, %sign3A_1540 : i32
    %ne3A_1542 = arith.cmpi ne, %sign3A_1534, %sign3A_1541 : i32
    %rem3A_1543 = arith.remsi %get3A_1525, %jit3A_1526 : i32
    %ne3A_1544 = arith.constant 0 : i32
    %ne3A_1545 = arith.cmpi ne, %rem3A_1543, %ne3A_1544 : i32
    %and3A_1546 = arith.andi %ne3A_1542, %ne3A_1545 : i1
    %sub3A_1547 = arith.constant 1 : i32
    %sub3A_1548 = arith.subi %div3A_1527, %sub3A_1547 : i32
    %select_n3A_1549 = arith.select %and3A_1546, %sub3A_1548, %div3A_1527 : i32
    %mul3A_1550 = arith.constant 128 : i32
    %mul3A_1551 = arith.muli %select_n3A_1549, %mul3A_1550 : i32
    %add3A_1552 = arith.constant 4873728 : i32
    %add3A_1553 = arith.addi %add3A_1552, %mul3A_1551 : i32
    %dma_start3A_1554 = tpu.memref_slice %arg3[%add3A_1553] : memref<8208384xf32, #tpu.memory_space<hbm>> -> memref<128xf32, #tpu.memory_space<hbm>>
    %dma_start3A_1555 = arith.constant 4864 : i32
    %dma_start3A_1556 = tpu.memref_slice %arg4[%dma_start3A_1555] : memref<8192xf32, #tpu.memory_space<vmem>> -> memref<128xf32, #tpu.memory_space<vmem>>
    tpu.enqueue_dma source(%dma_start3A_1556 : memref<128xf32, #tpu.memory_space<vmem>>) target(%dma_start3A_1554 : memref<128xf32, #tpu.memory_space<hbm>>) target_semaphore(%arg5 : memref<!tpu.dma_semaphore, #tpu.memory_space<semaphore_mem>>)
    %get3A_1557 = arith.constant 39 : index
    %get3A_1558 = memref.load %arg0[%get3A_1557] : memref<64xi32, #tpu.memory_space<smem>>
    %jit3A_1559 = arith.constant 128 : i32
    %div3A_1560 = arith.divsi %get3A_1558, %jit3A_1559 : i32
    %sign3A_1561 = arith.constant 0 : i32
    %sign3A_1562 = arith.cmpi sgt, %get3A_1558, %sign3A_1561 : i32
    %sign3A_1563 = arith.extui %sign3A_1562 : i1 to i32
    %sign3A_1564 = arith.constant 0 : i32
    %sign3A_1565 = arith.cmpi slt, %get3A_1558, %sign3A_1564 : i32
    %sign3A_1566 = arith.extui %sign3A_1565 : i1 to i32
    %sign3A_1567 = arith.subi %sign3A_1563, %sign3A_1566 : i32
    %sign3A_1568 = arith.constant 0 : i32
    %sign3A_1569 = arith.cmpi sgt, %jit3A_1559, %sign3A_1568 : i32
    %sign3A_1570 = arith.extui %sign3A_1569 : i1 to i32
    %sign3A_1571 = arith.constant 0 : i32
    %sign3A_1572 = arith.cmpi slt, %jit3A_1559, %sign3A_1571 : i32
    %sign3A_1573 = arith.extui %sign3A_1572 : i1 to i32
    %sign3A_1574 = arith.subi %sign3A_1570, %sign3A_1573 : i32
    %ne3A_1575 = arith.cmpi ne, %sign3A_1567, %sign3A_1574 : i32
    %rem3A_1576 = arith.remsi %get3A_1558, %jit3A_1559 : i32
    %ne3A_1577 = arith.constant 0 : i32
    %ne3A_1578 = arith.cmpi ne, %rem3A_1576, %ne3A_1577 : i32
    %and3A_1579 = arith.andi %ne3A_1575, %ne3A_1578 : i1
    %sub3A_1580 = arith.constant 1 : i32
    %sub3A_1581 = arith.subi %div3A_1560, %sub3A_1580 : i32
    %select_n3A_1582 = arith.select %and3A_1579, %sub3A_1581, %div3A_1560 : i32
    %mul3A_1583 = arith.constant 128 : i32
    %mul3A_1584 = arith.muli %select_n3A_1582, %mul3A_1583 : i32
    %add3A_1585 = arith.constant 5001984 : i32
    %add3A_1586 = arith.addi %add3A_1585, %mul3A_1584 : i32
    %dma_start3A_1587 = tpu.memref_slice %arg3[%add3A_1586] : memref<8208384xf32, #tpu.memory_space<hbm>> -> memref<128xf32, #tpu.memory_space<hbm>>
    %dma_start3A_1588 = arith.constant 4992 : i32
    %dma_start3A_1589 = tpu.memref_slice %arg4[%dma_start3A_1588] : memref<8192xf32, #tpu.memory_space<vmem>> -> memref<128xf32, #tpu.memory_space<vmem>>
    tpu.enqueue_dma source(%dma_start3A_1589 : memref<128xf32, #tpu.memory_space<vmem>>) target(%dma_start3A_1587 : memref<128xf32, #tpu.memory_space<hbm>>) target_semaphore(%arg5 : memref<!tpu.dma_semaphore, #tpu.memory_space<semaphore_mem>>)
    %get3A_1590 = arith.constant 40 : index
    %get3A_1591 = memref.load %arg0[%get3A_1590] : memref<64xi32, #tpu.memory_space<smem>>
    %jit3A_1592 = arith.constant 128 : i32
    %div3A_1593 = arith.divsi %get3A_1591, %jit3A_1592 : i32
    %sign3A_1594 = arith.constant 0 : i32
    %sign3A_1595 = arith.cmpi sgt, %get3A_1591, %sign3A_1594 : i32
    %sign3A_1596 = arith.extui %sign3A_1595 : i1 to i32
    %sign3A_1597 = arith.constant 0 : i32
    %sign3A_1598 = arith.cmpi slt, %get3A_1591, %sign3A_1597 : i32
    %sign3A_1599 = arith.extui %sign3A_1598 : i1 to i32
    %sign3A_1600 = arith.subi %sign3A_1596, %sign3A_1599 : i32
    %sign3A_1601 = arith.constant 0 : i32
    %sign3A_1602 = arith.cmpi sgt, %jit3A_1592, %sign3A_1601 : i32
    %sign3A_1603 = arith.extui %sign3A_1602 : i1 to i32
    %sign3A_1604 = arith.constant 0 : i32
    %sign3A_1605 = arith.cmpi slt, %jit3A_1592, %sign3A_1604 : i32
    %sign3A_1606 = arith.extui %sign3A_1605 : i1 to i32
    %sign3A_1607 = arith.subi %sign3A_1603, %sign3A_1606 : i32
    %ne3A_1608 = arith.cmpi ne, %sign3A_1600, %sign3A_1607 : i32
    %rem3A_1609 = arith.remsi %get3A_1591, %jit3A_1592 : i32
    %ne3A_1610 = arith.constant 0 : i32
    %ne3A_1611 = arith.cmpi ne, %rem3A_1609, %ne3A_1610 : i32
    %and3A_1612 = arith.andi %ne3A_1608, %ne3A_1611 : i1
    %sub3A_1613 = arith.constant 1 : i32
    %sub3A_1614 = arith.subi %div3A_1593, %sub3A_1613 : i32
    %select_n3A_1615 = arith.select %and3A_1612, %sub3A_1614, %div3A_1593 : i32
    %mul3A_1616 = arith.constant 128 : i32
    %mul3A_1617 = arith.muli %select_n3A_1615, %mul3A_1616 : i32
    %add3A_1618 = arith.constant 5130240 : i32
    %add3A_1619 = arith.addi %add3A_1618, %mul3A_1617 : i32
    %dma_start3A_1620 = tpu.memref_slice %arg3[%add3A_1619] : memref<8208384xf32, #tpu.memory_space<hbm>> -> memref<128xf32, #tpu.memory_space<hbm>>
    %dma_start3A_1621 = arith.constant 5120 : i32
    %dma_start3A_1622 = tpu.memref_slice %arg4[%dma_start3A_1621] : memref<8192xf32, #tpu.memory_space<vmem>> -> memref<128xf32, #tpu.memory_space<vmem>>
    tpu.enqueue_dma source(%dma_start3A_1622 : memref<128xf32, #tpu.memory_space<vmem>>) target(%dma_start3A_1620 : memref<128xf32, #tpu.memory_space<hbm>>) target_semaphore(%arg5 : memref<!tpu.dma_semaphore, #tpu.memory_space<semaphore_mem>>)
    %get3A_1623 = arith.constant 41 : index
    %get3A_1624 = memref.load %arg0[%get3A_1623] : memref<64xi32, #tpu.memory_space<smem>>
    %jit3A_1625 = arith.constant 128 : i32
    %div3A_1626 = arith.divsi %get3A_1624, %jit3A_1625 : i32
    %sign3A_1627 = arith.constant 0 : i32
    %sign3A_1628 = arith.cmpi sgt, %get3A_1624, %sign3A_1627 : i32
    %sign3A_1629 = arith.extui %sign3A_1628 : i1 to i32
    %sign3A_1630 = arith.constant 0 : i32
    %sign3A_1631 = arith.cmpi slt, %get3A_1624, %sign3A_1630 : i32
    %sign3A_1632 = arith.extui %sign3A_1631 : i1 to i32
    %sign3A_1633 = arith.subi %sign3A_1629, %sign3A_1632 : i32
    %sign3A_1634 = arith.constant 0 : i32
    %sign3A_1635 = arith.cmpi sgt, %jit3A_1625, %sign3A_1634 : i32
    %sign3A_1636 = arith.extui %sign3A_1635 : i1 to i32
    %sign3A_1637 = arith.constant 0 : i32
    %sign3A_1638 = arith.cmpi slt, %jit3A_1625, %sign3A_1637 : i32
    %sign3A_1639 = arith.extui %sign3A_1638 : i1 to i32
    %sign3A_1640 = arith.subi %sign3A_1636, %sign3A_1639 : i32
    %ne3A_1641 = arith.cmpi ne, %sign3A_1633, %sign3A_1640 : i32
    %rem3A_1642 = arith.remsi %get3A_1624, %jit3A_1625 : i32
    %ne3A_1643 = arith.constant 0 : i32
    %ne3A_1644 = arith.cmpi ne, %rem3A_1642, %ne3A_1643 : i32
    %and3A_1645 = arith.andi %ne3A_1641, %ne3A_1644 : i1
    %sub3A_1646 = arith.constant 1 : i32
    %sub3A_1647 = arith.subi %div3A_1626, %sub3A_1646 : i32
    %select_n3A_1648 = arith.select %and3A_1645, %sub3A_1647, %div3A_1626 : i32
    %mul3A_1649 = arith.constant 128 : i32
    %mul3A_1650 = arith.muli %select_n3A_1648, %mul3A_1649 : i32
    %add3A_1651 = arith.constant 5258496 : i32
    %add3A_1652 = arith.addi %add3A_1651, %mul3A_1650 : i32
    %dma_start3A_1653 = tpu.memref_slice %arg3[%add3A_1652] : memref<8208384xf32, #tpu.memory_space<hbm>> -> memref<128xf32, #tpu.memory_space<hbm>>
    %dma_start3A_1654 = arith.constant 5248 : i32
    %dma_start3A_1655 = tpu.memref_slice %arg4[%dma_start3A_1654] : memref<8192xf32, #tpu.memory_space<vmem>> -> memref<128xf32, #tpu.memory_space<vmem>>
    tpu.enqueue_dma source(%dma_start3A_1655 : memref<128xf32, #tpu.memory_space<vmem>>) target(%dma_start3A_1653 : memref<128xf32, #tpu.memory_space<hbm>>) target_semaphore(%arg5 : memref<!tpu.dma_semaphore, #tpu.memory_space<semaphore_mem>>)
    %get3A_1656 = arith.constant 42 : index
    %get3A_1657 = memref.load %arg0[%get3A_1656] : memref<64xi32, #tpu.memory_space<smem>>
    %jit3A_1658 = arith.constant 128 : i32
    %div3A_1659 = arith.divsi %get3A_1657, %jit3A_1658 : i32
    %sign3A_1660 = arith.constant 0 : i32
    %sign3A_1661 = arith.cmpi sgt, %get3A_1657, %sign3A_1660 : i32
    %sign3A_1662 = arith.extui %sign3A_1661 : i1 to i32
    %sign3A_1663 = arith.constant 0 : i32
    %sign3A_1664 = arith.cmpi slt, %get3A_1657, %sign3A_1663 : i32
    %sign3A_1665 = arith.extui %sign3A_1664 : i1 to i32
    %sign3A_1666 = arith.subi %sign3A_1662, %sign3A_1665 : i32
    %sign3A_1667 = arith.constant 0 : i32
    %sign3A_1668 = arith.cmpi sgt, %jit3A_1658, %sign3A_1667 : i32
    %sign3A_1669 = arith.extui %sign3A_1668 : i1 to i32
    %sign3A_1670 = arith.constant 0 : i32
    %sign3A_1671 = arith.cmpi slt, %jit3A_1658, %sign3A_1670 : i32
    %sign3A_1672 = arith.extui %sign3A_1671 : i1 to i32
    %sign3A_1673 = arith.subi %sign3A_1669, %sign3A_1672 : i32
    %ne3A_1674 = arith.cmpi ne, %sign3A_1666, %sign3A_1673 : i32
    %rem3A_1675 = arith.remsi %get3A_1657, %jit3A_1658 : i32
    %ne3A_1676 = arith.constant 0 : i32
    %ne3A_1677 = arith.cmpi ne, %rem3A_1675, %ne3A_1676 : i32
    %and3A_1678 = arith.andi %ne3A_1674, %ne3A_1677 : i1
    %sub3A_1679 = arith.constant 1 : i32
    %sub3A_1680 = arith.subi %div3A_1659, %sub3A_1679 : i32
    %select_n3A_1681 = arith.select %and3A_1678, %sub3A_1680, %div3A_1659 : i32
    %mul3A_1682 = arith.constant 128 : i32
    %mul3A_1683 = arith.muli %select_n3A_1681, %mul3A_1682 : i32
    %add3A_1684 = arith.constant 5386752 : i32
    %add3A_1685 = arith.addi %add3A_1684, %mul3A_1683 : i32
    %dma_start3A_1686 = tpu.memref_slice %arg3[%add3A_1685] : memref<8208384xf32, #tpu.memory_space<hbm>> -> memref<128xf32, #tpu.memory_space<hbm>>
    %dma_start3A_1687 = arith.constant 5376 : i32
    %dma_start3A_1688 = tpu.memref_slice %arg4[%dma_start3A_1687] : memref<8192xf32, #tpu.memory_space<vmem>> -> memref<128xf32, #tpu.memory_space<vmem>>
    tpu.enqueue_dma source(%dma_start3A_1688 : memref<128xf32, #tpu.memory_space<vmem>>) target(%dma_start3A_1686 : memref<128xf32, #tpu.memory_space<hbm>>) target_semaphore(%arg5 : memref<!tpu.dma_semaphore, #tpu.memory_space<semaphore_mem>>)
    %get3A_1689 = arith.constant 43 : index
    %get3A_1690 = memref.load %arg0[%get3A_1689] : memref<64xi32, #tpu.memory_space<smem>>
    %jit3A_1691 = arith.constant 128 : i32
    %div3A_1692 = arith.divsi %get3A_1690, %jit3A_1691 : i32
    %sign3A_1693 = arith.constant 0 : i32
    %sign3A_1694 = arith.cmpi sgt, %get3A_1690, %sign3A_1693 : i32
    %sign3A_1695 = arith.extui %sign3A_1694 : i1 to i32
    %sign3A_1696 = arith.constant 0 : i32
    %sign3A_1697 = arith.cmpi slt, %get3A_1690, %sign3A_1696 : i32
    %sign3A_1698 = arith.extui %sign3A_1697 : i1 to i32
    %sign3A_1699 = arith.subi %sign3A_1695, %sign3A_1698 : i32
    %sign3A_1700 = arith.constant 0 : i32
    %sign3A_1701 = arith.cmpi sgt, %jit3A_1691, %sign3A_1700 : i32
    %sign3A_1702 = arith.extui %sign3A_1701 : i1 to i32
    %sign3A_1703 = arith.constant 0 : i32
    %sign3A_1704 = arith.cmpi slt, %jit3A_1691, %sign3A_1703 : i32
    %sign3A_1705 = arith.extui %sign3A_1704 : i1 to i32
    %sign3A_1706 = arith.subi %sign3A_1702, %sign3A_1705 : i32
    %ne3A_1707 = arith.cmpi ne, %sign3A_1699, %sign3A_1706 : i32
    %rem3A_1708 = arith.remsi %get3A_1690, %jit3A_1691 : i32
    %ne3A_1709 = arith.constant 0 : i32
    %ne3A_1710 = arith.cmpi ne, %rem3A_1708, %ne3A_1709 : i32
    %and3A_1711 = arith.andi %ne3A_1707, %ne3A_1710 : i1
    %sub3A_1712 = arith.constant 1 : i32
    %sub3A_1713 = arith.subi %div3A_1692, %sub3A_1712 : i32
    %select_n3A_1714 = arith.select %and3A_1711, %sub3A_1713, %div3A_1692 : i32
    %mul3A_1715 = arith.constant 128 : i32
    %mul3A_1716 = arith.muli %select_n3A_1714, %mul3A_1715 : i32
    %add3A_1717 = arith.constant 5515008 : i32
    %add3A_1718 = arith.addi %add3A_1717, %mul3A_1716 : i32
    %dma_start3A_1719 = tpu.memref_slice %arg3[%add3A_1718] : memref<8208384xf32, #tpu.memory_space<hbm>> -> memref<128xf32, #tpu.memory_space<hbm>>
    %dma_start3A_1720 = arith.constant 5504 : i32
    %dma_start3A_1721 = tpu.memref_slice %arg4[%dma_start3A_1720] : memref<8192xf32, #tpu.memory_space<vmem>> -> memref<128xf32, #tpu.memory_space<vmem>>
    tpu.enqueue_dma source(%dma_start3A_1721 : memref<128xf32, #tpu.memory_space<vmem>>) target(%dma_start3A_1719 : memref<128xf32, #tpu.memory_space<hbm>>) target_semaphore(%arg5 : memref<!tpu.dma_semaphore, #tpu.memory_space<semaphore_mem>>)
    %get3A_1722 = arith.constant 44 : index
    %get3A_1723 = memref.load %arg0[%get3A_1722] : memref<64xi32, #tpu.memory_space<smem>>
    %jit3A_1724 = arith.constant 128 : i32
    %div3A_1725 = arith.divsi %get3A_1723, %jit3A_1724 : i32
    %sign3A_1726 = arith.constant 0 : i32
    %sign3A_1727 = arith.cmpi sgt, %get3A_1723, %sign3A_1726 : i32
    %sign3A_1728 = arith.extui %sign3A_1727 : i1 to i32
    %sign3A_1729 = arith.constant 0 : i32
    %sign3A_1730 = arith.cmpi slt, %get3A_1723, %sign3A_1729 : i32
    %sign3A_1731 = arith.extui %sign3A_1730 : i1 to i32
    %sign3A_1732 = arith.subi %sign3A_1728, %sign3A_1731 : i32
    %sign3A_1733 = arith.constant 0 : i32
    %sign3A_1734 = arith.cmpi sgt, %jit3A_1724, %sign3A_1733 : i32
    %sign3A_1735 = arith.extui %sign3A_1734 : i1 to i32
    %sign3A_1736 = arith.constant 0 : i32
    %sign3A_1737 = arith.cmpi slt, %jit3A_1724, %sign3A_1736 : i32
    %sign3A_1738 = arith.extui %sign3A_1737 : i1 to i32
    %sign3A_1739 = arith.subi %sign3A_1735, %sign3A_1738 : i32
    %ne3A_1740 = arith.cmpi ne, %sign3A_1732, %sign3A_1739 : i32
    %rem3A_1741 = arith.remsi %get3A_1723, %jit3A_1724 : i32
    %ne3A_1742 = arith.constant 0 : i32
    %ne3A_1743 = arith.cmpi ne, %rem3A_1741, %ne3A_1742 : i32
    %and3A_1744 = arith.andi %ne3A_1740, %ne3A_1743 : i1
    %sub3A_1745 = arith.constant 1 : i32
    %sub3A_1746 = arith.subi %div3A_1725, %sub3A_1745 : i32
    %select_n3A_1747 = arith.select %and3A_1744, %sub3A_1746, %div3A_1725 : i32
    %mul3A_1748 = arith.constant 128 : i32
    %mul3A_1749 = arith.muli %select_n3A_1747, %mul3A_1748 : i32
    %add3A_1750 = arith.constant 5643264 : i32
    %add3A_1751 = arith.addi %add3A_1750, %mul3A_1749 : i32
    %dma_start3A_1752 = tpu.memref_slice %arg3[%add3A_1751] : memref<8208384xf32, #tpu.memory_space<hbm>> -> memref<128xf32, #tpu.memory_space<hbm>>
    %dma_start3A_1753 = arith.constant 5632 : i32
    %dma_start3A_1754 = tpu.memref_slice %arg4[%dma_start3A_1753] : memref<8192xf32, #tpu.memory_space<vmem>> -> memref<128xf32, #tpu.memory_space<vmem>>
    tpu.enqueue_dma source(%dma_start3A_1754 : memref<128xf32, #tpu.memory_space<vmem>>) target(%dma_start3A_1752 : memref<128xf32, #tpu.memory_space<hbm>>) target_semaphore(%arg5 : memref<!tpu.dma_semaphore, #tpu.memory_space<semaphore_mem>>)
    %get3A_1755 = arith.constant 45 : index
    %get3A_1756 = memref.load %arg0[%get3A_1755] : memref<64xi32, #tpu.memory_space<smem>>
    %jit3A_1757 = arith.constant 128 : i32
    %div3A_1758 = arith.divsi %get3A_1756, %jit3A_1757 : i32
    %sign3A_1759 = arith.constant 0 : i32
    %sign3A_1760 = arith.cmpi sgt, %get3A_1756, %sign3A_1759 : i32
    %sign3A_1761 = arith.extui %sign3A_1760 : i1 to i32
    %sign3A_1762 = arith.constant 0 : i32
    %sign3A_1763 = arith.cmpi slt, %get3A_1756, %sign3A_1762 : i32
    %sign3A_1764 = arith.extui %sign3A_1763 : i1 to i32
    %sign3A_1765 = arith.subi %sign3A_1761, %sign3A_1764 : i32
    %sign3A_1766 = arith.constant 0 : i32
    %sign3A_1767 = arith.cmpi sgt, %jit3A_1757, %sign3A_1766 : i32
    %sign3A_1768 = arith.extui %sign3A_1767 : i1 to i32
    %sign3A_1769 = arith.constant 0 : i32
    %sign3A_1770 = arith.cmpi slt, %jit3A_1757, %sign3A_1769 : i32
    %sign3A_1771 = arith.extui %sign3A_1770 : i1 to i32
    %sign3A_1772 = arith.subi %sign3A_1768, %sign3A_1771 : i32
    %ne3A_1773 = arith.cmpi ne, %sign3A_1765, %sign3A_1772 : i32
    %rem3A_1774 = arith.remsi %get3A_1756, %jit3A_1757 : i32
    %ne3A_1775 = arith.constant 0 : i32
    %ne3A_1776 = arith.cmpi ne, %rem3A_1774, %ne3A_1775 : i32
    %and3A_1777 = arith.andi %ne3A_1773, %ne3A_1776 : i1
    %sub3A_1778 = arith.constant 1 : i32
    %sub3A_1779 = arith.subi %div3A_1758, %sub3A_1778 : i32
    %select_n3A_1780 = arith.select %and3A_1777, %sub3A_1779, %div3A_1758 : i32
    %mul3A_1781 = arith.constant 128 : i32
    %mul3A_1782 = arith.muli %select_n3A_1780, %mul3A_1781 : i32
    %add3A_1783 = arith.constant 5771520 : i32
    %add3A_1784 = arith.addi %add3A_1783, %mul3A_1782 : i32
    %dma_start3A_1785 = tpu.memref_slice %arg3[%add3A_1784] : memref<8208384xf32, #tpu.memory_space<hbm>> -> memref<128xf32, #tpu.memory_space<hbm>>
    %dma_start3A_1786 = arith.constant 5760 : i32
    %dma_start3A_1787 = tpu.memref_slice %arg4[%dma_start3A_1786] : memref<8192xf32, #tpu.memory_space<vmem>> -> memref<128xf32, #tpu.memory_space<vmem>>
    tpu.enqueue_dma source(%dma_start3A_1787 : memref<128xf32, #tpu.memory_space<vmem>>) target(%dma_start3A_1785 : memref<128xf32, #tpu.memory_space<hbm>>) target_semaphore(%arg5 : memref<!tpu.dma_semaphore, #tpu.memory_space<semaphore_mem>>)
    %get3A_1788 = arith.constant 46 : index
    %get3A_1789 = memref.load %arg0[%get3A_1788] : memref<64xi32, #tpu.memory_space<smem>>
    %jit3A_1790 = arith.constant 128 : i32
    %div3A_1791 = arith.divsi %get3A_1789, %jit3A_1790 : i32
    %sign3A_1792 = arith.constant 0 : i32
    %sign3A_1793 = arith.cmpi sgt, %get3A_1789, %sign3A_1792 : i32
    %sign3A_1794 = arith.extui %sign3A_1793 : i1 to i32
    %sign3A_1795 = arith.constant 0 : i32
    %sign3A_1796 = arith.cmpi slt, %get3A_1789, %sign3A_1795 : i32
    %sign3A_1797 = arith.extui %sign3A_1796 : i1 to i32
    %sign3A_1798 = arith.subi %sign3A_1794, %sign3A_1797 : i32
    %sign3A_1799 = arith.constant 0 : i32
    %sign3A_1800 = arith.cmpi sgt, %jit3A_1790, %sign3A_1799 : i32
    %sign3A_1801 = arith.extui %sign3A_1800 : i1 to i32
    %sign3A_1802 = arith.constant 0 : i32
    %sign3A_1803 = arith.cmpi slt, %jit3A_1790, %sign3A_1802 : i32
    %sign3A_1804 = arith.extui %sign3A_1803 : i1 to i32
    %sign3A_1805 = arith.subi %sign3A_1801, %sign3A_1804 : i32
    %ne3A_1806 = arith.cmpi ne, %sign3A_1798, %sign3A_1805 : i32
    %rem3A_1807 = arith.remsi %get3A_1789, %jit3A_1790 : i32
    %ne3A_1808 = arith.constant 0 : i32
    %ne3A_1809 = arith.cmpi ne, %rem3A_1807, %ne3A_1808 : i32
    %and3A_1810 = arith.andi %ne3A_1806, %ne3A_1809 : i1
    %sub3A_1811 = arith.constant 1 : i32
    %sub3A_1812 = arith.subi %div3A_1791, %sub3A_1811 : i32
    %select_n3A_1813 = arith.select %and3A_1810, %sub3A_1812, %div3A_1791 : i32
    %mul3A_1814 = arith.constant 128 : i32
    %mul3A_1815 = arith.muli %select_n3A_1813, %mul3A_1814 : i32
    %add3A_1816 = arith.constant 5899776 : i32
    %add3A_1817 = arith.addi %add3A_1816, %mul3A_1815 : i32
    %dma_start3A_1818 = tpu.memref_slice %arg3[%add3A_1817] : memref<8208384xf32, #tpu.memory_space<hbm>> -> memref<128xf32, #tpu.memory_space<hbm>>
    %dma_start3A_1819 = arith.constant 5888 : i32
    %dma_start3A_1820 = tpu.memref_slice %arg4[%dma_start3A_1819] : memref<8192xf32, #tpu.memory_space<vmem>> -> memref<128xf32, #tpu.memory_space<vmem>>
    tpu.enqueue_dma source(%dma_start3A_1820 : memref<128xf32, #tpu.memory_space<vmem>>) target(%dma_start3A_1818 : memref<128xf32, #tpu.memory_space<hbm>>) target_semaphore(%arg5 : memref<!tpu.dma_semaphore, #tpu.memory_space<semaphore_mem>>)
    %get3A_1821 = arith.constant 47 : index
    %get3A_1822 = memref.load %arg0[%get3A_1821] : memref<64xi32, #tpu.memory_space<smem>>
    %jit3A_1823 = arith.constant 128 : i32
    %div3A_1824 = arith.divsi %get3A_1822, %jit3A_1823 : i32
    %sign3A_1825 = arith.constant 0 : i32
    %sign3A_1826 = arith.cmpi sgt, %get3A_1822, %sign3A_1825 : i32
    %sign3A_1827 = arith.extui %sign3A_1826 : i1 to i32
    %sign3A_1828 = arith.constant 0 : i32
    %sign3A_1829 = arith.cmpi slt, %get3A_1822, %sign3A_1828 : i32
    %sign3A_1830 = arith.extui %sign3A_1829 : i1 to i32
    %sign3A_1831 = arith.subi %sign3A_1827, %sign3A_1830 : i32
    %sign3A_1832 = arith.constant 0 : i32
    %sign3A_1833 = arith.cmpi sgt, %jit3A_1823, %sign3A_1832 : i32
    %sign3A_1834 = arith.extui %sign3A_1833 : i1 to i32
    %sign3A_1835 = arith.constant 0 : i32
    %sign3A_1836 = arith.cmpi slt, %jit3A_1823, %sign3A_1835 : i32
    %sign3A_1837 = arith.extui %sign3A_1836 : i1 to i32
    %sign3A_1838 = arith.subi %sign3A_1834, %sign3A_1837 : i32
    %ne3A_1839 = arith.cmpi ne, %sign3A_1831, %sign3A_1838 : i32
    %rem3A_1840 = arith.remsi %get3A_1822, %jit3A_1823 : i32
    %ne3A_1841 = arith.constant 0 : i32
    %ne3A_1842 = arith.cmpi ne, %rem3A_1840, %ne3A_1841 : i32
    %and3A_1843 = arith.andi %ne3A_1839, %ne3A_1842 : i1
    %sub3A_1844 = arith.constant 1 : i32
    %sub3A_1845 = arith.subi %div3A_1824, %sub3A_1844 : i32
    %select_n3A_1846 = arith.select %and3A_1843, %sub3A_1845, %div3A_1824 : i32
    %mul3A_1847 = arith.constant 128 : i32
    %mul3A_1848 = arith.muli %select_n3A_1846, %mul3A_1847 : i32
    %add3A_1849 = arith.constant 6028032 : i32
    %add3A_1850 = arith.addi %add3A_1849, %mul3A_1848 : i32
    %dma_start3A_1851 = tpu.memref_slice %arg3[%add3A_1850] : memref<8208384xf32, #tpu.memory_space<hbm>> -> memref<128xf32, #tpu.memory_space<hbm>>
    %dma_start3A_1852 = arith.constant 6016 : i32
    %dma_start3A_1853 = tpu.memref_slice %arg4[%dma_start3A_1852] : memref<8192xf32, #tpu.memory_space<vmem>> -> memref<128xf32, #tpu.memory_space<vmem>>
    tpu.enqueue_dma source(%dma_start3A_1853 : memref<128xf32, #tpu.memory_space<vmem>>) target(%dma_start3A_1851 : memref<128xf32, #tpu.memory_space<hbm>>) target_semaphore(%arg5 : memref<!tpu.dma_semaphore, #tpu.memory_space<semaphore_mem>>)
    %get3A_1854 = arith.constant 48 : index
    %get3A_1855 = memref.load %arg0[%get3A_1854] : memref<64xi32, #tpu.memory_space<smem>>
    %jit3A_1856 = arith.constant 128 : i32
    %div3A_1857 = arith.divsi %get3A_1855, %jit3A_1856 : i32
    %sign3A_1858 = arith.constant 0 : i32
    %sign3A_1859 = arith.cmpi sgt, %get3A_1855, %sign3A_1858 : i32
    %sign3A_1860 = arith.extui %sign3A_1859 : i1 to i32
    %sign3A_1861 = arith.constant 0 : i32
    %sign3A_1862 = arith.cmpi slt, %get3A_1855, %sign3A_1861 : i32
    %sign3A_1863 = arith.extui %sign3A_1862 : i1 to i32
    %sign3A_1864 = arith.subi %sign3A_1860, %sign3A_1863 : i32
    %sign3A_1865 = arith.constant 0 : i32
    %sign3A_1866 = arith.cmpi sgt, %jit3A_1856, %sign3A_1865 : i32
    %sign3A_1867 = arith.extui %sign3A_1866 : i1 to i32
    %sign3A_1868 = arith.constant 0 : i32
    %sign3A_1869 = arith.cmpi slt, %jit3A_1856, %sign3A_1868 : i32
    %sign3A_1870 = arith.extui %sign3A_1869 : i1 to i32
    %sign3A_1871 = arith.subi %sign3A_1867, %sign3A_1870 : i32
    %ne3A_1872 = arith.cmpi ne, %sign3A_1864, %sign3A_1871 : i32
    %rem3A_1873 = arith.remsi %get3A_1855, %jit3A_1856 : i32
    %ne3A_1874 = arith.constant 0 : i32
    %ne3A_1875 = arith.cmpi ne, %rem3A_1873, %ne3A_1874 : i32
    %and3A_1876 = arith.andi %ne3A_1872, %ne3A_1875 : i1
    %sub3A_1877 = arith.constant 1 : i32
    %sub3A_1878 = arith.subi %div3A_1857, %sub3A_1877 : i32
    %select_n3A_1879 = arith.select %and3A_1876, %sub3A_1878, %div3A_1857 : i32
    %mul3A_1880 = arith.constant 128 : i32
    %mul3A_1881 = arith.muli %select_n3A_1879, %mul3A_1880 : i32
    %add3A_1882 = arith.constant 6156288 : i32
    %add3A_1883 = arith.addi %add3A_1882, %mul3A_1881 : i32
    %dma_start3A_1884 = tpu.memref_slice %arg3[%add3A_1883] : memref<8208384xf32, #tpu.memory_space<hbm>> -> memref<128xf32, #tpu.memory_space<hbm>>
    %dma_start3A_1885 = arith.constant 6144 : i32
    %dma_start3A_1886 = tpu.memref_slice %arg4[%dma_start3A_1885] : memref<8192xf32, #tpu.memory_space<vmem>> -> memref<128xf32, #tpu.memory_space<vmem>>
    tpu.enqueue_dma source(%dma_start3A_1886 : memref<128xf32, #tpu.memory_space<vmem>>) target(%dma_start3A_1884 : memref<128xf32, #tpu.memory_space<hbm>>) target_semaphore(%arg5 : memref<!tpu.dma_semaphore, #tpu.memory_space<semaphore_mem>>)
    %get3A_1887 = arith.constant 49 : index
    %get3A_1888 = memref.load %arg0[%get3A_1887] : memref<64xi32, #tpu.memory_space<smem>>
    %jit3A_1889 = arith.constant 128 : i32
    %div3A_1890 = arith.divsi %get3A_1888, %jit3A_1889 : i32
    %sign3A_1891 = arith.constant 0 : i32
    %sign3A_1892 = arith.cmpi sgt, %get3A_1888, %sign3A_1891 : i32
    %sign3A_1893 = arith.extui %sign3A_1892 : i1 to i32
    %sign3A_1894 = arith.constant 0 : i32
    %sign3A_1895 = arith.cmpi slt, %get3A_1888, %sign3A_1894 : i32
    %sign3A_1896 = arith.extui %sign3A_1895 : i1 to i32
    %sign3A_1897 = arith.subi %sign3A_1893, %sign3A_1896 : i32
    %sign3A_1898 = arith.constant 0 : i32
    %sign3A_1899 = arith.cmpi sgt, %jit3A_1889, %sign3A_1898 : i32
    %sign3A_1900 = arith.extui %sign3A_1899 : i1 to i32
    %sign3A_1901 = arith.constant 0 : i32
    %sign3A_1902 = arith.cmpi slt, %jit3A_1889, %sign3A_1901 : i32
    %sign3A_1903 = arith.extui %sign3A_1902 : i1 to i32
    %sign3A_1904 = arith.subi %sign3A_1900, %sign3A_1903 : i32
    %ne3A_1905 = arith.cmpi ne, %sign3A_1897, %sign3A_1904 : i32
    %rem3A_1906 = arith.remsi %get3A_1888, %jit3A_1889 : i32
    %ne3A_1907 = arith.constant 0 : i32
    %ne3A_1908 = arith.cmpi ne, %rem3A_1906, %ne3A_1907 : i32
    %and3A_1909 = arith.andi %ne3A_1905, %ne3A_1908 : i1
    %sub3A_1910 = arith.constant 1 : i32
    %sub3A_1911 = arith.subi %div3A_1890, %sub3A_1910 : i32
    %select_n3A_1912 = arith.select %and3A_1909, %sub3A_1911, %div3A_1890 : i32
    %mul3A_1913 = arith.constant 128 : i32
    %mul3A_1914 = arith.muli %select_n3A_1912, %mul3A_1913 : i32
    %add3A_1915 = arith.constant 6284544 : i32
    %add3A_1916 = arith.addi %add3A_1915, %mul3A_1914 : i32
    %dma_start3A_1917 = tpu.memref_slice %arg3[%add3A_1916] : memref<8208384xf32, #tpu.memory_space<hbm>> -> memref<128xf32, #tpu.memory_space<hbm>>
    %dma_start3A_1918 = arith.constant 6272 : i32
    %dma_start3A_1919 = tpu.memref_slice %arg4[%dma_start3A_1918] : memref<8192xf32, #tpu.memory_space<vmem>> -> memref<128xf32, #tpu.memory_space<vmem>>
    tpu.enqueue_dma source(%dma_start3A_1919 : memref<128xf32, #tpu.memory_space<vmem>>) target(%dma_start3A_1917 : memref<128xf32, #tpu.memory_space<hbm>>) target_semaphore(%arg5 : memref<!tpu.dma_semaphore, #tpu.memory_space<semaphore_mem>>)
    %get3A_1920 = arith.constant 50 : index
    %get3A_1921 = memref.load %arg0[%get3A_1920] : memref<64xi32, #tpu.memory_space<smem>>
    %jit3A_1922 = arith.constant 128 : i32
    %div3A_1923 = arith.divsi %get3A_1921, %jit3A_1922 : i32
    %sign3A_1924 = arith.constant 0 : i32
    %sign3A_1925 = arith.cmpi sgt, %get3A_1921, %sign3A_1924 : i32
    %sign3A_1926 = arith.extui %sign3A_1925 : i1 to i32
    %sign3A_1927 = arith.constant 0 : i32
    %sign3A_1928 = arith.cmpi slt, %get3A_1921, %sign3A_1927 : i32
    %sign3A_1929 = arith.extui %sign3A_1928 : i1 to i32
    %sign3A_1930 = arith.subi %sign3A_1926, %sign3A_1929 : i32
    %sign3A_1931 = arith.constant 0 : i32
    %sign3A_1932 = arith.cmpi sgt, %jit3A_1922, %sign3A_1931 : i32
    %sign3A_1933 = arith.extui %sign3A_1932 : i1 to i32
    %sign3A_1934 = arith.constant 0 : i32
    %sign3A_1935 = arith.cmpi slt, %jit3A_1922, %sign3A_1934 : i32
    %sign3A_1936 = arith.extui %sign3A_1935 : i1 to i32
    %sign3A_1937 = arith.subi %sign3A_1933, %sign3A_1936 : i32
    %ne3A_1938 = arith.cmpi ne, %sign3A_1930, %sign3A_1937 : i32
    %rem3A_1939 = arith.remsi %get3A_1921, %jit3A_1922 : i32
    %ne3A_1940 = arith.constant 0 : i32
    %ne3A_1941 = arith.cmpi ne, %rem3A_1939, %ne3A_1940 : i32
    %and3A_1942 = arith.andi %ne3A_1938, %ne3A_1941 : i1
    %sub3A_1943 = arith.constant 1 : i32
    %sub3A_1944 = arith.subi %div3A_1923, %sub3A_1943 : i32
    %select_n3A_1945 = arith.select %and3A_1942, %sub3A_1944, %div3A_1923 : i32
    %mul3A_1946 = arith.constant 128 : i32
    %mul3A_1947 = arith.muli %select_n3A_1945, %mul3A_1946 : i32
    %add3A_1948 = arith.constant 6412800 : i32
    %add3A_1949 = arith.addi %add3A_1948, %mul3A_1947 : i32
    %dma_start3A_1950 = tpu.memref_slice %arg3[%add3A_1949] : memref<8208384xf32, #tpu.memory_space<hbm>> -> memref<128xf32, #tpu.memory_space<hbm>>
    %dma_start3A_1951 = arith.constant 6400 : i32
    %dma_start3A_1952 = tpu.memref_slice %arg4[%dma_start3A_1951] : memref<8192xf32, #tpu.memory_space<vmem>> -> memref<128xf32, #tpu.memory_space<vmem>>
    tpu.enqueue_dma source(%dma_start3A_1952 : memref<128xf32, #tpu.memory_space<vmem>>) target(%dma_start3A_1950 : memref<128xf32, #tpu.memory_space<hbm>>) target_semaphore(%arg5 : memref<!tpu.dma_semaphore, #tpu.memory_space<semaphore_mem>>)
    %get3A_1953 = arith.constant 51 : index
    %get3A_1954 = memref.load %arg0[%get3A_1953] : memref<64xi32, #tpu.memory_space<smem>>
    %jit3A_1955 = arith.constant 128 : i32
    %div3A_1956 = arith.divsi %get3A_1954, %jit3A_1955 : i32
    %sign3A_1957 = arith.constant 0 : i32
    %sign3A_1958 = arith.cmpi sgt, %get3A_1954, %sign3A_1957 : i32
    %sign3A_1959 = arith.extui %sign3A_1958 : i1 to i32
    %sign3A_1960 = arith.constant 0 : i32
    %sign3A_1961 = arith.cmpi slt, %get3A_1954, %sign3A_1960 : i32
    %sign3A_1962 = arith.extui %sign3A_1961 : i1 to i32
    %sign3A_1963 = arith.subi %sign3A_1959, %sign3A_1962 : i32
    %sign3A_1964 = arith.constant 0 : i32
    %sign3A_1965 = arith.cmpi sgt, %jit3A_1955, %sign3A_1964 : i32
    %sign3A_1966 = arith.extui %sign3A_1965 : i1 to i32
    %sign3A_1967 = arith.constant 0 : i32
    %sign3A_1968 = arith.cmpi slt, %jit3A_1955, %sign3A_1967 : i32
    %sign3A_1969 = arith.extui %sign3A_1968 : i1 to i32
    %sign3A_1970 = arith.subi %sign3A_1966, %sign3A_1969 : i32
    %ne3A_1971 = arith.cmpi ne, %sign3A_1963, %sign3A_1970 : i32
    %rem3A_1972 = arith.remsi %get3A_1954, %jit3A_1955 : i32
    %ne3A_1973 = arith.constant 0 : i32
    %ne3A_1974 = arith.cmpi ne, %rem3A_1972, %ne3A_1973 : i32
    %and3A_1975 = arith.andi %ne3A_1971, %ne3A_1974 : i1
    %sub3A_1976 = arith.constant 1 : i32
    %sub3A_1977 = arith.subi %div3A_1956, %sub3A_1976 : i32
    %select_n3A_1978 = arith.select %and3A_1975, %sub3A_1977, %div3A_1956 : i32
    %mul3A_1979 = arith.constant 128 : i32
    %mul3A_1980 = arith.muli %select_n3A_1978, %mul3A_1979 : i32
    %add3A_1981 = arith.constant 6541056 : i32
    %add3A_1982 = arith.addi %add3A_1981, %mul3A_1980 : i32
    %dma_start3A_1983 = tpu.memref_slice %arg3[%add3A_1982] : memref<8208384xf32, #tpu.memory_space<hbm>> -> memref<128xf32, #tpu.memory_space<hbm>>
    %dma_start3A_1984 = arith.constant 6528 : i32
    %dma_start3A_1985 = tpu.memref_slice %arg4[%dma_start3A_1984] : memref<8192xf32, #tpu.memory_space<vmem>> -> memref<128xf32, #tpu.memory_space<vmem>>
    tpu.enqueue_dma source(%dma_start3A_1985 : memref<128xf32, #tpu.memory_space<vmem>>) target(%dma_start3A_1983 : memref<128xf32, #tpu.memory_space<hbm>>) target_semaphore(%arg5 : memref<!tpu.dma_semaphore, #tpu.memory_space<semaphore_mem>>)
    %get3A_1986 = arith.constant 52 : index
    %get3A_1987 = memref.load %arg0[%get3A_1986] : memref<64xi32, #tpu.memory_space<smem>>
    %jit3A_1988 = arith.constant 128 : i32
    %div3A_1989 = arith.divsi %get3A_1987, %jit3A_1988 : i32
    %sign3A_1990 = arith.constant 0 : i32
    %sign3A_1991 = arith.cmpi sgt, %get3A_1987, %sign3A_1990 : i32
    %sign3A_1992 = arith.extui %sign3A_1991 : i1 to i32
    %sign3A_1993 = arith.constant 0 : i32
    %sign3A_1994 = arith.cmpi slt, %get3A_1987, %sign3A_1993 : i32
    %sign3A_1995 = arith.extui %sign3A_1994 : i1 to i32
    %sign3A_1996 = arith.subi %sign3A_1992, %sign3A_1995 : i32
    %sign3A_1997 = arith.constant 0 : i32
    %sign3A_1998 = arith.cmpi sgt, %jit3A_1988, %sign3A_1997 : i32
    %sign3A_1999 = arith.extui %sign3A_1998 : i1 to i32
    %sign3A_2000 = arith.constant 0 : i32
    %sign3A_2001 = arith.cmpi slt, %jit3A_1988, %sign3A_2000 : i32
    %sign3A_2002 = arith.extui %sign3A_2001 : i1 to i32
    %sign3A_2003 = arith.subi %sign3A_1999, %sign3A_2002 : i32
    %ne3A_2004 = arith.cmpi ne, %sign3A_1996, %sign3A_2003 : i32
    %rem3A_2005 = arith.remsi %get3A_1987, %jit3A_1988 : i32
    %ne3A_2006 = arith.constant 0 : i32
    %ne3A_2007 = arith.cmpi ne, %rem3A_2005, %ne3A_2006 : i32
    %and3A_2008 = arith.andi %ne3A_2004, %ne3A_2007 : i1
    %sub3A_2009 = arith.constant 1 : i32
    %sub3A_2010 = arith.subi %div3A_1989, %sub3A_2009 : i32
    %select_n3A_2011 = arith.select %and3A_2008, %sub3A_2010, %div3A_1989 : i32
    %mul3A_2012 = arith.constant 128 : i32
    %mul3A_2013 = arith.muli %select_n3A_2011, %mul3A_2012 : i32
    %add3A_2014 = arith.constant 6669312 : i32
    %add3A_2015 = arith.addi %add3A_2014, %mul3A_2013 : i32
    %dma_start3A_2016 = tpu.memref_slice %arg3[%add3A_2015] : memref<8208384xf32, #tpu.memory_space<hbm>> -> memref<128xf32, #tpu.memory_space<hbm>>
    %dma_start3A_2017 = arith.constant 6656 : i32
    %dma_start3A_2018 = tpu.memref_slice %arg4[%dma_start3A_2017] : memref<8192xf32, #tpu.memory_space<vmem>> -> memref<128xf32, #tpu.memory_space<vmem>>
    tpu.enqueue_dma source(%dma_start3A_2018 : memref<128xf32, #tpu.memory_space<vmem>>) target(%dma_start3A_2016 : memref<128xf32, #tpu.memory_space<hbm>>) target_semaphore(%arg5 : memref<!tpu.dma_semaphore, #tpu.memory_space<semaphore_mem>>)
    %get3A_2019 = arith.constant 53 : index
    %get3A_2020 = memref.load %arg0[%get3A_2019] : memref<64xi32, #tpu.memory_space<smem>>
    %jit3A_2021 = arith.constant 128 : i32
    %div3A_2022 = arith.divsi %get3A_2020, %jit3A_2021 : i32
    %sign3A_2023 = arith.constant 0 : i32
    %sign3A_2024 = arith.cmpi sgt, %get3A_2020, %sign3A_2023 : i32
    %sign3A_2025 = arith.extui %sign3A_2024 : i1 to i32
    %sign3A_2026 = arith.constant 0 : i32
    %sign3A_2027 = arith.cmpi slt, %get3A_2020, %sign3A_2026 : i32
    %sign3A_2028 = arith.extui %sign3A_2027 : i1 to i32
    %sign3A_2029 = arith.subi %sign3A_2025, %sign3A_2028 : i32
    %sign3A_2030 = arith.constant 0 : i32
    %sign3A_2031 = arith.cmpi sgt, %jit3A_2021, %sign3A_2030 : i32
    %sign3A_2032 = arith.extui %sign3A_2031 : i1 to i32
    %sign3A_2033 = arith.constant 0 : i32
    %sign3A_2034 = arith.cmpi slt, %jit3A_2021, %sign3A_2033 : i32
    %sign3A_2035 = arith.extui %sign3A_2034 : i1 to i32
    %sign3A_2036 = arith.subi %sign3A_2032, %sign3A_2035 : i32
    %ne3A_2037 = arith.cmpi ne, %sign3A_2029, %sign3A_2036 : i32
    %rem3A_2038 = arith.remsi %get3A_2020, %jit3A_2021 : i32
    %ne3A_2039 = arith.constant 0 : i32
    %ne3A_2040 = arith.cmpi ne, %rem3A_2038, %ne3A_2039 : i32
    %and3A_2041 = arith.andi %ne3A_2037, %ne3A_2040 : i1
    %sub3A_2042 = arith.constant 1 : i32
    %sub3A_2043 = arith.subi %div3A_2022, %sub3A_2042 : i32
    %select_n3A_2044 = arith.select %and3A_2041, %sub3A_2043, %div3A_2022 : i32
    %mul3A_2045 = arith.constant 128 : i32
    %mul3A_2046 = arith.muli %select_n3A_2044, %mul3A_2045 : i32
    %add3A_2047 = arith.constant 6797568 : i32
    %add3A_2048 = arith.addi %add3A_2047, %mul3A_2046 : i32
    %dma_start3A_2049 = tpu.memref_slice %arg3[%add3A_2048] : memref<8208384xf32, #tpu.memory_space<hbm>> -> memref<128xf32, #tpu.memory_space<hbm>>
    %dma_start3A_2050 = arith.constant 6784 : i32
    %dma_start3A_2051 = tpu.memref_slice %arg4[%dma_start3A_2050] : memref<8192xf32, #tpu.memory_space<vmem>> -> memref<128xf32, #tpu.memory_space<vmem>>
    tpu.enqueue_dma source(%dma_start3A_2051 : memref<128xf32, #tpu.memory_space<vmem>>) target(%dma_start3A_2049 : memref<128xf32, #tpu.memory_space<hbm>>) target_semaphore(%arg5 : memref<!tpu.dma_semaphore, #tpu.memory_space<semaphore_mem>>)
    %get3A_2052 = arith.constant 54 : index
    %get3A_2053 = memref.load %arg0[%get3A_2052] : memref<64xi32, #tpu.memory_space<smem>>
    %jit3A_2054 = arith.constant 128 : i32
    %div3A_2055 = arith.divsi %get3A_2053, %jit3A_2054 : i32
    %sign3A_2056 = arith.constant 0 : i32
    %sign3A_2057 = arith.cmpi sgt, %get3A_2053, %sign3A_2056 : i32
    %sign3A_2058 = arith.extui %sign3A_2057 : i1 to i32
    %sign3A_2059 = arith.constant 0 : i32
    %sign3A_2060 = arith.cmpi slt, %get3A_2053, %sign3A_2059 : i32
    %sign3A_2061 = arith.extui %sign3A_2060 : i1 to i32
    %sign3A_2062 = arith.subi %sign3A_2058, %sign3A_2061 : i32
    %sign3A_2063 = arith.constant 0 : i32
    %sign3A_2064 = arith.cmpi sgt, %jit3A_2054, %sign3A_2063 : i32
    %sign3A_2065 = arith.extui %sign3A_2064 : i1 to i32
    %sign3A_2066 = arith.constant 0 : i32
    %sign3A_2067 = arith.cmpi slt, %jit3A_2054, %sign3A_2066 : i32
    %sign3A_2068 = arith.extui %sign3A_2067 : i1 to i32
    %sign3A_2069 = arith.subi %sign3A_2065, %sign3A_2068 : i32
    %ne3A_2070 = arith.cmpi ne, %sign3A_2062, %sign3A_2069 : i32
    %rem3A_2071 = arith.remsi %get3A_2053, %jit3A_2054 : i32
    %ne3A_2072 = arith.constant 0 : i32
    %ne3A_2073 = arith.cmpi ne, %rem3A_2071, %ne3A_2072 : i32
    %and3A_2074 = arith.andi %ne3A_2070, %ne3A_2073 : i1
    %sub3A_2075 = arith.constant 1 : i32
    %sub3A_2076 = arith.subi %div3A_2055, %sub3A_2075 : i32
    %select_n3A_2077 = arith.select %and3A_2074, %sub3A_2076, %div3A_2055 : i32
    %mul3A_2078 = arith.constant 128 : i32
    %mul3A_2079 = arith.muli %select_n3A_2077, %mul3A_2078 : i32
    %add3A_2080 = arith.constant 6925824 : i32
    %add3A_2081 = arith.addi %add3A_2080, %mul3A_2079 : i32
    %dma_start3A_2082 = tpu.memref_slice %arg3[%add3A_2081] : memref<8208384xf32, #tpu.memory_space<hbm>> -> memref<128xf32, #tpu.memory_space<hbm>>
    %dma_start3A_2083 = arith.constant 6912 : i32
    %dma_start3A_2084 = tpu.memref_slice %arg4[%dma_start3A_2083] : memref<8192xf32, #tpu.memory_space<vmem>> -> memref<128xf32, #tpu.memory_space<vmem>>
    tpu.enqueue_dma source(%dma_start3A_2084 : memref<128xf32, #tpu.memory_space<vmem>>) target(%dma_start3A_2082 : memref<128xf32, #tpu.memory_space<hbm>>) target_semaphore(%arg5 : memref<!tpu.dma_semaphore, #tpu.memory_space<semaphore_mem>>)
    %get3A_2085 = arith.constant 55 : index
    %get3A_2086 = memref.load %arg0[%get3A_2085] : memref<64xi32, #tpu.memory_space<smem>>
    %jit3A_2087 = arith.constant 128 : i32
    %div3A_2088 = arith.divsi %get3A_2086, %jit3A_2087 : i32
    %sign3A_2089 = arith.constant 0 : i32
    %sign3A_2090 = arith.cmpi sgt, %get3A_2086, %sign3A_2089 : i32
    %sign3A_2091 = arith.extui %sign3A_2090 : i1 to i32
    %sign3A_2092 = arith.constant 0 : i32
    %sign3A_2093 = arith.cmpi slt, %get3A_2086, %sign3A_2092 : i32
    %sign3A_2094 = arith.extui %sign3A_2093 : i1 to i32
    %sign3A_2095 = arith.subi %sign3A_2091, %sign3A_2094 : i32
    %sign3A_2096 = arith.constant 0 : i32
    %sign3A_2097 = arith.cmpi sgt, %jit3A_2087, %sign3A_2096 : i32
    %sign3A_2098 = arith.extui %sign3A_2097 : i1 to i32
    %sign3A_2099 = arith.constant 0 : i32
    %sign3A_2100 = arith.cmpi slt, %jit3A_2087, %sign3A_2099 : i32
    %sign3A_2101 = arith.extui %sign3A_2100 : i1 to i32
    %sign3A_2102 = arith.subi %sign3A_2098, %sign3A_2101 : i32
    %ne3A_2103 = arith.cmpi ne, %sign3A_2095, %sign3A_2102 : i32
    %rem3A_2104 = arith.remsi %get3A_2086, %jit3A_2087 : i32
    %ne3A_2105 = arith.constant 0 : i32
    %ne3A_2106 = arith.cmpi ne, %rem3A_2104, %ne3A_2105 : i32
    %and3A_2107 = arith.andi %ne3A_2103, %ne3A_2106 : i1
    %sub3A_2108 = arith.constant 1 : i32
    %sub3A_2109 = arith.subi %div3A_2088, %sub3A_2108 : i32
    %select_n3A_2110 = arith.select %and3A_2107, %sub3A_2109, %div3A_2088 : i32
    %mul3A_2111 = arith.constant 128 : i32
    %mul3A_2112 = arith.muli %select_n3A_2110, %mul3A_2111 : i32
    %add3A_2113 = arith.constant 7054080 : i32
    %add3A_2114 = arith.addi %add3A_2113, %mul3A_2112 : i32
    %dma_start3A_2115 = tpu.memref_slice %arg3[%add3A_2114] : memref<8208384xf32, #tpu.memory_space<hbm>> -> memref<128xf32, #tpu.memory_space<hbm>>
    %dma_start3A_2116 = arith.constant 7040 : i32
    %dma_start3A_2117 = tpu.memref_slice %arg4[%dma_start3A_2116] : memref<8192xf32, #tpu.memory_space<vmem>> -> memref<128xf32, #tpu.memory_space<vmem>>
    tpu.enqueue_dma source(%dma_start3A_2117 : memref<128xf32, #tpu.memory_space<vmem>>) target(%dma_start3A_2115 : memref<128xf32, #tpu.memory_space<hbm>>) target_semaphore(%arg5 : memref<!tpu.dma_semaphore, #tpu.memory_space<semaphore_mem>>)
    %get3A_2118 = arith.constant 56 : index
    %get3A_2119 = memref.load %arg0[%get3A_2118] : memref<64xi32, #tpu.memory_space<smem>>
    %jit3A_2120 = arith.constant 128 : i32
    %div3A_2121 = arith.divsi %get3A_2119, %jit3A_2120 : i32
    %sign3A_2122 = arith.constant 0 : i32
    %sign3A_2123 = arith.cmpi sgt, %get3A_2119, %sign3A_2122 : i32
    %sign3A_2124 = arith.extui %sign3A_2123 : i1 to i32
    %sign3A_2125 = arith.constant 0 : i32
    %sign3A_2126 = arith.cmpi slt, %get3A_2119, %sign3A_2125 : i32
    %sign3A_2127 = arith.extui %sign3A_2126 : i1 to i32
    %sign3A_2128 = arith.subi %sign3A_2124, %sign3A_2127 : i32
    %sign3A_2129 = arith.constant 0 : i32
    %sign3A_2130 = arith.cmpi sgt, %jit3A_2120, %sign3A_2129 : i32
    %sign3A_2131 = arith.extui %sign3A_2130 : i1 to i32
    %sign3A_2132 = arith.constant 0 : i32
    %sign3A_2133 = arith.cmpi slt, %jit3A_2120, %sign3A_2132 : i32
    %sign3A_2134 = arith.extui %sign3A_2133 : i1 to i32
    %sign3A_2135 = arith.subi %sign3A_2131, %sign3A_2134 : i32
    %ne3A_2136 = arith.cmpi ne, %sign3A_2128, %sign3A_2135 : i32
    %rem3A_2137 = arith.remsi %get3A_2119, %jit3A_2120 : i32
    %ne3A_2138 = arith.constant 0 : i32
    %ne3A_2139 = arith.cmpi ne, %rem3A_2137, %ne3A_2138 : i32
    %and3A_2140 = arith.andi %ne3A_2136, %ne3A_2139 : i1
    %sub3A_2141 = arith.constant 1 : i32
    %sub3A_2142 = arith.subi %div3A_2121, %sub3A_2141 : i32
    %select_n3A_2143 = arith.select %and3A_2140, %sub3A_2142, %div3A_2121 : i32
    %mul3A_2144 = arith.constant 128 : i32
    %mul3A_2145 = arith.muli %select_n3A_2143, %mul3A_2144 : i32
    %add3A_2146 = arith.constant 7182336 : i32
    %add3A_2147 = arith.addi %add3A_2146, %mul3A_2145 : i32
    %dma_start3A_2148 = tpu.memref_slice %arg3[%add3A_2147] : memref<8208384xf32, #tpu.memory_space<hbm>> -> memref<128xf32, #tpu.memory_space<hbm>>
    %dma_start3A_2149 = arith.constant 7168 : i32
    %dma_start3A_2150 = tpu.memref_slice %arg4[%dma_start3A_2149] : memref<8192xf32, #tpu.memory_space<vmem>> -> memref<128xf32, #tpu.memory_space<vmem>>
    tpu.enqueue_dma source(%dma_start3A_2150 : memref<128xf32, #tpu.memory_space<vmem>>) target(%dma_start3A_2148 : memref<128xf32, #tpu.memory_space<hbm>>) target_semaphore(%arg5 : memref<!tpu.dma_semaphore, #tpu.memory_space<semaphore_mem>>)
    %get3A_2151 = arith.constant 57 : index
    %get3A_2152 = memref.load %arg0[%get3A_2151] : memref<64xi32, #tpu.memory_space<smem>>
    %jit3A_2153 = arith.constant 128 : i32
    %div3A_2154 = arith.divsi %get3A_2152, %jit3A_2153 : i32
    %sign3A_2155 = arith.constant 0 : i32
    %sign3A_2156 = arith.cmpi sgt, %get3A_2152, %sign3A_2155 : i32
    %sign3A_2157 = arith.extui %sign3A_2156 : i1 to i32
    %sign3A_2158 = arith.constant 0 : i32
    %sign3A_2159 = arith.cmpi slt, %get3A_2152, %sign3A_2158 : i32
    %sign3A_2160 = arith.extui %sign3A_2159 : i1 to i32
    %sign3A_2161 = arith.subi %sign3A_2157, %sign3A_2160 : i32
    %sign3A_2162 = arith.constant 0 : i32
    %sign3A_2163 = arith.cmpi sgt, %jit3A_2153, %sign3A_2162 : i32
    %sign3A_2164 = arith.extui %sign3A_2163 : i1 to i32
    %sign3A_2165 = arith.constant 0 : i32
    %sign3A_2166 = arith.cmpi slt, %jit3A_2153, %sign3A_2165 : i32
    %sign3A_2167 = arith.extui %sign3A_2166 : i1 to i32
    %sign3A_2168 = arith.subi %sign3A_2164, %sign3A_2167 : i32
    %ne3A_2169 = arith.cmpi ne, %sign3A_2161, %sign3A_2168 : i32
    %rem3A_2170 = arith.remsi %get3A_2152, %jit3A_2153 : i32
    %ne3A_2171 = arith.constant 0 : i32
    %ne3A_2172 = arith.cmpi ne, %rem3A_2170, %ne3A_2171 : i32
    %and3A_2173 = arith.andi %ne3A_2169, %ne3A_2172 : i1
    %sub3A_2174 = arith.constant 1 : i32
    %sub3A_2175 = arith.subi %div3A_2154, %sub3A_2174 : i32
    %select_n3A_2176 = arith.select %and3A_2173, %sub3A_2175, %div3A_2154 : i32
    %mul3A_2177 = arith.constant 128 : i32
    %mul3A_2178 = arith.muli %select_n3A_2176, %mul3A_2177 : i32
    %add3A_2179 = arith.constant 7310592 : i32
    %add3A_2180 = arith.addi %add3A_2179, %mul3A_2178 : i32
    %dma_start3A_2181 = tpu.memref_slice %arg3[%add3A_2180] : memref<8208384xf32, #tpu.memory_space<hbm>> -> memref<128xf32, #tpu.memory_space<hbm>>
    %dma_start3A_2182 = arith.constant 7296 : i32
    %dma_start3A_2183 = tpu.memref_slice %arg4[%dma_start3A_2182] : memref<8192xf32, #tpu.memory_space<vmem>> -> memref<128xf32, #tpu.memory_space<vmem>>
    tpu.enqueue_dma source(%dma_start3A_2183 : memref<128xf32, #tpu.memory_space<vmem>>) target(%dma_start3A_2181 : memref<128xf32, #tpu.memory_space<hbm>>) target_semaphore(%arg5 : memref<!tpu.dma_semaphore, #tpu.memory_space<semaphore_mem>>)
    %get3A_2184 = arith.constant 58 : index
    %get3A_2185 = memref.load %arg0[%get3A_2184] : memref<64xi32, #tpu.memory_space<smem>>
    %jit3A_2186 = arith.constant 128 : i32
    %div3A_2187 = arith.divsi %get3A_2185, %jit3A_2186 : i32
    %sign3A_2188 = arith.constant 0 : i32
    %sign3A_2189 = arith.cmpi sgt, %get3A_2185, %sign3A_2188 : i32
    %sign3A_2190 = arith.extui %sign3A_2189 : i1 to i32
    %sign3A_2191 = arith.constant 0 : i32
    %sign3A_2192 = arith.cmpi slt, %get3A_2185, %sign3A_2191 : i32
    %sign3A_2193 = arith.extui %sign3A_2192 : i1 to i32
    %sign3A_2194 = arith.subi %sign3A_2190, %sign3A_2193 : i32
    %sign3A_2195 = arith.constant 0 : i32
    %sign3A_2196 = arith.cmpi sgt, %jit3A_2186, %sign3A_2195 : i32
    %sign3A_2197 = arith.extui %sign3A_2196 : i1 to i32
    %sign3A_2198 = arith.constant 0 : i32
    %sign3A_2199 = arith.cmpi slt, %jit3A_2186, %sign3A_2198 : i32
    %sign3A_2200 = arith.extui %sign3A_2199 : i1 to i32
    %sign3A_2201 = arith.subi %sign3A_2197, %sign3A_2200 : i32
    %ne3A_2202 = arith.cmpi ne, %sign3A_2194, %sign3A_2201 : i32
    %rem3A_2203 = arith.remsi %get3A_2185, %jit3A_2186 : i32
    %ne3A_2204 = arith.constant 0 : i32
    %ne3A_2205 = arith.cmpi ne, %rem3A_2203, %ne3A_2204 : i32
    %and3A_2206 = arith.andi %ne3A_2202, %ne3A_2205 : i1
    %sub3A_2207 = arith.constant 1 : i32
    %sub3A_2208 = arith.subi %div3A_2187, %sub3A_2207 : i32
    %select_n3A_2209 = arith.select %and3A_2206, %sub3A_2208, %div3A_2187 : i32
    %mul3A_2210 = arith.constant 128 : i32
    %mul3A_2211 = arith.muli %select_n3A_2209, %mul3A_2210 : i32
    %add3A_2212 = arith.constant 7438848 : i32
    %add3A_2213 = arith.addi %add3A_2212, %mul3A_2211 : i32
    %dma_start3A_2214 = tpu.memref_slice %arg3[%add3A_2213] : memref<8208384xf32, #tpu.memory_space<hbm>> -> memref<128xf32, #tpu.memory_space<hbm>>
    %dma_start3A_2215 = arith.constant 7424 : i32
    %dma_start3A_2216 = tpu.memref_slice %arg4[%dma_start3A_2215] : memref<8192xf32, #tpu.memory_space<vmem>> -> memref<128xf32, #tpu.memory_space<vmem>>
    tpu.enqueue_dma source(%dma_start3A_2216 : memref<128xf32, #tpu.memory_space<vmem>>) target(%dma_start3A_2214 : memref<128xf32, #tpu.memory_space<hbm>>) target_semaphore(%arg5 : memref<!tpu.dma_semaphore, #tpu.memory_space<semaphore_mem>>)
    %get3A_2217 = arith.constant 59 : index
    %get3A_2218 = memref.load %arg0[%get3A_2217] : memref<64xi32, #tpu.memory_space<smem>>
    %jit3A_2219 = arith.constant 128 : i32
    %div3A_2220 = arith.divsi %get3A_2218, %jit3A_2219 : i32
    %sign3A_2221 = arith.constant 0 : i32
    %sign3A_2222 = arith.cmpi sgt, %get3A_2218, %sign3A_2221 : i32
    %sign3A_2223 = arith.extui %sign3A_2222 : i1 to i32
    %sign3A_2224 = arith.constant 0 : i32
    %sign3A_2225 = arith.cmpi slt, %get3A_2218, %sign3A_2224 : i32
    %sign3A_2226 = arith.extui %sign3A_2225 : i1 to i32
    %sign3A_2227 = arith.subi %sign3A_2223, %sign3A_2226 : i32
    %sign3A_2228 = arith.constant 0 : i32
    %sign3A_2229 = arith.cmpi sgt, %jit3A_2219, %sign3A_2228 : i32
    %sign3A_2230 = arith.extui %sign3A_2229 : i1 to i32
    %sign3A_2231 = arith.constant 0 : i32
    %sign3A_2232 = arith.cmpi slt, %jit3A_2219, %sign3A_2231 : i32
    %sign3A_2233 = arith.extui %sign3A_2232 : i1 to i32
    %sign3A_2234 = arith.subi %sign3A_2230, %sign3A_2233 : i32
    %ne3A_2235 = arith.cmpi ne, %sign3A_2227, %sign3A_2234 : i32
    %rem3A_2236 = arith.remsi %get3A_2218, %jit3A_2219 : i32
    %ne3A_2237 = arith.constant 0 : i32
    %ne3A_2238 = arith.cmpi ne, %rem3A_2236, %ne3A_2237 : i32
    %and3A_2239 = arith.andi %ne3A_2235, %ne3A_2238 : i1
    %sub3A_2240 = arith.constant 1 : i32
    %sub3A_2241 = arith.subi %div3A_2220, %sub3A_2240 : i32
    %select_n3A_2242 = arith.select %and3A_2239, %sub3A_2241, %div3A_2220 : i32
    %mul3A_2243 = arith.constant 128 : i32
    %mul3A_2244 = arith.muli %select_n3A_2242, %mul3A_2243 : i32
    %add3A_2245 = arith.constant 7567104 : i32
    %add3A_2246 = arith.addi %add3A_2245, %mul3A_2244 : i32
    %dma_start3A_2247 = tpu.memref_slice %arg3[%add3A_2246] : memref<8208384xf32, #tpu.memory_space<hbm>> -> memref<128xf32, #tpu.memory_space<hbm>>
    %dma_start3A_2248 = arith.constant 7552 : i32
    %dma_start3A_2249 = tpu.memref_slice %arg4[%dma_start3A_2248] : memref<8192xf32, #tpu.memory_space<vmem>> -> memref<128xf32, #tpu.memory_space<vmem>>
    tpu.enqueue_dma source(%dma_start3A_2249 : memref<128xf32, #tpu.memory_space<vmem>>) target(%dma_start3A_2247 : memref<128xf32, #tpu.memory_space<hbm>>) target_semaphore(%arg5 : memref<!tpu.dma_semaphore, #tpu.memory_space<semaphore_mem>>)
    %get3A_2250 = arith.constant 60 : index
    %get3A_2251 = memref.load %arg0[%get3A_2250] : memref<64xi32, #tpu.memory_space<smem>>
    %jit3A_2252 = arith.constant 128 : i32
    %div3A_2253 = arith.divsi %get3A_2251, %jit3A_2252 : i32
    %sign3A_2254 = arith.constant 0 : i32
    %sign3A_2255 = arith.cmpi sgt, %get3A_2251, %sign3A_2254 : i32
    %sign3A_2256 = arith.extui %sign3A_2255 : i1 to i32
    %sign3A_2257 = arith.constant 0 : i32
    %sign3A_2258 = arith.cmpi slt, %get3A_2251, %sign3A_2257 : i32
    %sign3A_2259 = arith.extui %sign3A_2258 : i1 to i32
    %sign3A_2260 = arith.subi %sign3A_2256, %sign3A_2259 : i32
    %sign3A_2261 = arith.constant 0 : i32
    %sign3A_2262 = arith.cmpi sgt, %jit3A_2252, %sign3A_2261 : i32
    %sign3A_2263 = arith.extui %sign3A_2262 : i1 to i32
    %sign3A_2264 = arith.constant 0 : i32
    %sign3A_2265 = arith.cmpi slt, %jit3A_2252, %sign3A_2264 : i32
    %sign3A_2266 = arith.extui %sign3A_2265 : i1 to i32
    %sign3A_2267 = arith.subi %sign3A_2263, %sign3A_2266 : i32
    %ne3A_2268 = arith.cmpi ne, %sign3A_2260, %sign3A_2267 : i32
    %rem3A_2269 = arith.remsi %get3A_2251, %jit3A_2252 : i32
    %ne3A_2270 = arith.constant 0 : i32
    %ne3A_2271 = arith.cmpi ne, %rem3A_2269, %ne3A_2270 : i32
    %and3A_2272 = arith.andi %ne3A_2268, %ne3A_2271 : i1
    %sub3A_2273 = arith.constant 1 : i32
    %sub3A_2274 = arith.subi %div3A_2253, %sub3A_2273 : i32
    %select_n3A_2275 = arith.select %and3A_2272, %sub3A_2274, %div3A_2253 : i32
    %mul3A_2276 = arith.constant 128 : i32
    %mul3A_2277 = arith.muli %select_n3A_2275, %mul3A_2276 : i32
    %add3A_2278 = arith.constant 7695360 : i32
    %add3A_2279 = arith.addi %add3A_2278, %mul3A_2277 : i32
    %dma_start3A_2280 = tpu.memref_slice %arg3[%add3A_2279] : memref<8208384xf32, #tpu.memory_space<hbm>> -> memref<128xf32, #tpu.memory_space<hbm>>
    %dma_start3A_2281 = arith.constant 7680 : i32
    %dma_start3A_2282 = tpu.memref_slice %arg4[%dma_start3A_2281] : memref<8192xf32, #tpu.memory_space<vmem>> -> memref<128xf32, #tpu.memory_space<vmem>>
    tpu.enqueue_dma source(%dma_start3A_2282 : memref<128xf32, #tpu.memory_space<vmem>>) target(%dma_start3A_2280 : memref<128xf32, #tpu.memory_space<hbm>>) target_semaphore(%arg5 : memref<!tpu.dma_semaphore, #tpu.memory_space<semaphore_mem>>)
    %get3A_2283 = arith.constant 61 : index
    %get3A_2284 = memref.load %arg0[%get3A_2283] : memref<64xi32, #tpu.memory_space<smem>>
    %jit3A_2285 = arith.constant 128 : i32
    %div3A_2286 = arith.divsi %get3A_2284, %jit3A_2285 : i32
    %sign3A_2287 = arith.constant 0 : i32
    %sign3A_2288 = arith.cmpi sgt, %get3A_2284, %sign3A_2287 : i32
    %sign3A_2289 = arith.extui %sign3A_2288 : i1 to i32
    %sign3A_2290 = arith.constant 0 : i32
    %sign3A_2291 = arith.cmpi slt, %get3A_2284, %sign3A_2290 : i32
    %sign3A_2292 = arith.extui %sign3A_2291 : i1 to i32
    %sign3A_2293 = arith.subi %sign3A_2289, %sign3A_2292 : i32
    %sign3A_2294 = arith.constant 0 : i32
    %sign3A_2295 = arith.cmpi sgt, %jit3A_2285, %sign3A_2294 : i32
    %sign3A_2296 = arith.extui %sign3A_2295 : i1 to i32
    %sign3A_2297 = arith.constant 0 : i32
    %sign3A_2298 = arith.cmpi slt, %jit3A_2285, %sign3A_2297 : i32
    %sign3A_2299 = arith.extui %sign3A_2298 : i1 to i32
    %sign3A_2300 = arith.subi %sign3A_2296, %sign3A_2299 : i32
    %ne3A_2301 = arith.cmpi ne, %sign3A_2293, %sign3A_2300 : i32
    %rem3A_2302 = arith.remsi %get3A_2284, %jit3A_2285 : i32
    %ne3A_2303 = arith.constant 0 : i32
    %ne3A_2304 = arith.cmpi ne, %rem3A_2302, %ne3A_2303 : i32
    %and3A_2305 = arith.andi %ne3A_2301, %ne3A_2304 : i1
    %sub3A_2306 = arith.constant 1 : i32
    %sub3A_2307 = arith.subi %div3A_2286, %sub3A_2306 : i32
    %select_n3A_2308 = arith.select %and3A_2305, %sub3A_2307, %div3A_2286 : i32
    %mul3A_2309 = arith.constant 128 : i32
    %mul3A_2310 = arith.muli %select_n3A_2308, %mul3A_2309 : i32
    %add3A_2311 = arith.constant 7823616 : i32
    %add3A_2312 = arith.addi %add3A_2311, %mul3A_2310 : i32
    %dma_start3A_2313 = tpu.memref_slice %arg3[%add3A_2312] : memref<8208384xf32, #tpu.memory_space<hbm>> -> memref<128xf32, #tpu.memory_space<hbm>>
    %dma_start3A_2314 = arith.constant 7808 : i32
    %dma_start3A_2315 = tpu.memref_slice %arg4[%dma_start3A_2314] : memref<8192xf32, #tpu.memory_space<vmem>> -> memref<128xf32, #tpu.memory_space<vmem>>
    tpu.enqueue_dma source(%dma_start3A_2315 : memref<128xf32, #tpu.memory_space<vmem>>) target(%dma_start3A_2313 : memref<128xf32, #tpu.memory_space<hbm>>) target_semaphore(%arg5 : memref<!tpu.dma_semaphore, #tpu.memory_space<semaphore_mem>>)
    %get3A_2316 = arith.constant 62 : index
    %get3A_2317 = memref.load %arg0[%get3A_2316] : memref<64xi32, #tpu.memory_space<smem>>
    %jit3A_2318 = arith.constant 128 : i32
    %div3A_2319 = arith.divsi %get3A_2317, %jit3A_2318 : i32
    %sign3A_2320 = arith.constant 0 : i32
    %sign3A_2321 = arith.cmpi sgt, %get3A_2317, %sign3A_2320 : i32
    %sign3A_2322 = arith.extui %sign3A_2321 : i1 to i32
    %sign3A_2323 = arith.constant 0 : i32
    %sign3A_2324 = arith.cmpi slt, %get3A_2317, %sign3A_2323 : i32
    %sign3A_2325 = arith.extui %sign3A_2324 : i1 to i32
    %sign3A_2326 = arith.subi %sign3A_2322, %sign3A_2325 : i32
    %sign3A_2327 = arith.constant 0 : i32
    %sign3A_2328 = arith.cmpi sgt, %jit3A_2318, %sign3A_2327 : i32
    %sign3A_2329 = arith.extui %sign3A_2328 : i1 to i32
    %sign3A_2330 = arith.constant 0 : i32
    %sign3A_2331 = arith.cmpi slt, %jit3A_2318, %sign3A_2330 : i32
    %sign3A_2332 = arith.extui %sign3A_2331 : i1 to i32
    %sign3A_2333 = arith.subi %sign3A_2329, %sign3A_2332 : i32
    %ne3A_2334 = arith.cmpi ne, %sign3A_2326, %sign3A_2333 : i32
    %rem3A_2335 = arith.remsi %get3A_2317, %jit3A_2318 : i32
    %ne3A_2336 = arith.constant 0 : i32
    %ne3A_2337 = arith.cmpi ne, %rem3A_2335, %ne3A_2336 : i32
    %and3A_2338 = arith.andi %ne3A_2334, %ne3A_2337 : i1
    %sub3A_2339 = arith.constant 1 : i32
    %sub3A_2340 = arith.subi %div3A_2319, %sub3A_2339 : i32
    %select_n3A_2341 = arith.select %and3A_2338, %sub3A_2340, %div3A_2319 : i32
    %mul3A_2342 = arith.constant 128 : i32
    %mul3A_2343 = arith.muli %select_n3A_2341, %mul3A_2342 : i32
    %add3A_2344 = arith.constant 7951872 : i32
    %add3A_2345 = arith.addi %add3A_2344, %mul3A_2343 : i32
    %dma_start3A_2346 = tpu.memref_slice %arg3[%add3A_2345] : memref<8208384xf32, #tpu.memory_space<hbm>> -> memref<128xf32, #tpu.memory_space<hbm>>
    %dma_start3A_2347 = arith.constant 7936 : i32
    %dma_start3A_2348 = tpu.memref_slice %arg4[%dma_start3A_2347] : memref<8192xf32, #tpu.memory_space<vmem>> -> memref<128xf32, #tpu.memory_space<vmem>>
    tpu.enqueue_dma source(%dma_start3A_2348 : memref<128xf32, #tpu.memory_space<vmem>>) target(%dma_start3A_2346 : memref<128xf32, #tpu.memory_space<hbm>>) target_semaphore(%arg5 : memref<!tpu.dma_semaphore, #tpu.memory_space<semaphore_mem>>)
    %get3A_2349 = arith.constant 63 : index
    %get3A_2350 = memref.load %arg0[%get3A_2349] : memref<64xi32, #tpu.memory_space<smem>>
    %jit3A_2351 = arith.constant 128 : i32
    %div3A_2352 = arith.divsi %get3A_2350, %jit3A_2351 : i32
    %sign3A_2353 = arith.constant 0 : i32
    %sign3A_2354 = arith.cmpi sgt, %get3A_2350, %sign3A_2353 : i32
    %sign3A_2355 = arith.extui %sign3A_2354 : i1 to i32
    %sign3A_2356 = arith.constant 0 : i32
    %sign3A_2357 = arith.cmpi slt, %get3A_2350, %sign3A_2356 : i32
    %sign3A_2358 = arith.extui %sign3A_2357 : i1 to i32
    %sign3A_2359 = arith.subi %sign3A_2355, %sign3A_2358 : i32
    %sign3A_2360 = arith.constant 0 : i32
    %sign3A_2361 = arith.cmpi sgt, %jit3A_2351, %sign3A_2360 : i32
    %sign3A_2362 = arith.extui %sign3A_2361 : i1 to i32
    %sign3A_2363 = arith.constant 0 : i32
    %sign3A_2364 = arith.cmpi slt, %jit3A_2351, %sign3A_2363 : i32
    %sign3A_2365 = arith.extui %sign3A_2364 : i1 to i32
    %sign3A_2366 = arith.subi %sign3A_2362, %sign3A_2365 : i32
    %ne3A_2367 = arith.cmpi ne, %sign3A_2359, %sign3A_2366 : i32
    %rem3A_2368 = arith.remsi %get3A_2350, %jit3A_2351 : i32
    %ne3A_2369 = arith.constant 0 : i32
    %ne3A_2370 = arith.cmpi ne, %rem3A_2368, %ne3A_2369 : i32
    %and3A_2371 = arith.andi %ne3A_2367, %ne3A_2370 : i1
    %sub3A_2372 = arith.constant 1 : i32
    %sub3A_2373 = arith.subi %div3A_2352, %sub3A_2372 : i32
    %select_n3A_2374 = arith.select %and3A_2371, %sub3A_2373, %div3A_2352 : i32
    %mul3A_2375 = arith.constant 128 : i32
    %mul3A_2376 = arith.muli %select_n3A_2374, %mul3A_2375 : i32
    %add3A_2377 = arith.constant 8080128 : i32
    %add3A_2378 = arith.addi %add3A_2377, %mul3A_2376 : i32
    %dma_start3A_2379 = tpu.memref_slice %arg3[%add3A_2378] : memref<8208384xf32, #tpu.memory_space<hbm>> -> memref<128xf32, #tpu.memory_space<hbm>>
    %dma_start3A_2380 = arith.constant 8064 : i32
    %dma_start3A_2381 = tpu.memref_slice %arg4[%dma_start3A_2380] : memref<8192xf32, #tpu.memory_space<vmem>> -> memref<128xf32, #tpu.memory_space<vmem>>
    tpu.enqueue_dma source(%dma_start3A_2381 : memref<128xf32, #tpu.memory_space<vmem>>) target(%dma_start3A_2379 : memref<128xf32, #tpu.memory_space<hbm>>) target_semaphore(%arg5 : memref<!tpu.dma_semaphore, #tpu.memory_space<semaphore_mem>>)
    %dma_wait3A = tpu.memref_slice %arg3[%add3A_300] : memref<8208384xf32, #tpu.memory_space<hbm>> -> memref<128xf32, #tpu.memory_space<hbm>>
    %dma_wait3A_2382 = arith.constant 0 : i32
    %dma_wait3A_2383 = tpu.memref_slice %arg4[%dma_wait3A_2382] : memref<8192xf32, #tpu.memory_space<vmem>> -> memref<128xf32, #tpu.memory_space<vmem>>
    tpu.wait_dma2 semaphore(%arg5 : memref<!tpu.dma_semaphore, #tpu.memory_space<semaphore_mem>>) src(%dma_wait3A_2383 : memref<128xf32, #tpu.memory_space<vmem>>) dst(%dma_wait3A : memref<128xf32, #tpu.memory_space<hbm>>)
    %dma_wait3A_2384 = tpu.memref_slice %arg3[%add3A_332] : memref<8208384xf32, #tpu.memory_space<hbm>> -> memref<128xf32, #tpu.memory_space<hbm>>
    %dma_wait3A_2385 = arith.constant 128 : i32
    %dma_wait3A_2386 = tpu.memref_slice %arg4[%dma_wait3A_2385] : memref<8192xf32, #tpu.memory_space<vmem>> -> memref<128xf32, #tpu.memory_space<vmem>>
    tpu.wait_dma2 semaphore(%arg5 : memref<!tpu.dma_semaphore, #tpu.memory_space<semaphore_mem>>) src(%dma_wait3A_2386 : memref<128xf32, #tpu.memory_space<vmem>>) dst(%dma_wait3A_2384 : memref<128xf32, #tpu.memory_space<hbm>>)
    %dma_wait3A_2387 = tpu.memref_slice %arg3[%add3A_365] : memref<8208384xf32, #tpu.memory_space<hbm>> -> memref<128xf32, #tpu.memory_space<hbm>>
    %dma_wait3A_2388 = arith.constant 256 : i32
    %dma_wait3A_2389 = tpu.memref_slice %arg4[%dma_wait3A_2388] : memref<8192xf32, #tpu.memory_space<vmem>> -> memref<128xf32, #tpu.memory_space<vmem>>
    tpu.wait_dma2 semaphore(%arg5 : memref<!tpu.dma_semaphore, #tpu.memory_space<semaphore_mem>>) src(%dma_wait3A_2389 : memref<128xf32, #tpu.memory_space<vmem>>) dst(%dma_wait3A_2387 : memref<128xf32, #tpu.memory_space<hbm>>)
    %dma_wait3A_2390 = tpu.memref_slice %arg3[%add3A_398] : memref<8208384xf32, #tpu.memory_space<hbm>> -> memref<128xf32, #tpu.memory_space<hbm>>
    %dma_wait3A_2391 = arith.constant 384 : i32
    %dma_wait3A_2392 = tpu.memref_slice %arg4[%dma_wait3A_2391] : memref<8192xf32, #tpu.memory_space<vmem>> -> memref<128xf32, #tpu.memory_space<vmem>>
    tpu.wait_dma2 semaphore(%arg5 : memref<!tpu.dma_semaphore, #tpu.memory_space<semaphore_mem>>) src(%dma_wait3A_2392 : memref<128xf32, #tpu.memory_space<vmem>>) dst(%dma_wait3A_2390 : memref<128xf32, #tpu.memory_space<hbm>>)
    %dma_wait3A_2393 = tpu.memref_slice %arg3[%add3A_431] : memref<8208384xf32, #tpu.memory_space<hbm>> -> memref<128xf32, #tpu.memory_space<hbm>>
    %dma_wait3A_2394 = arith.constant 512 : i32
    %dma_wait3A_2395 = tpu.memref_slice %arg4[%dma_wait3A_2394] : memref<8192xf32, #tpu.memory_space<vmem>> -> memref<128xf32, #tpu.memory_space<vmem>>
    tpu.wait_dma2 semaphore(%arg5 : memref<!tpu.dma_semaphore, #tpu.memory_space<semaphore_mem>>) src(%dma_wait3A_2395 : memref<128xf32, #tpu.memory_space<vmem>>) dst(%dma_wait3A_2393 : memref<128xf32, #tpu.memory_space<hbm>>)
    %dma_wait3A_2396 = tpu.memref_slice %arg3[%add3A_464] : memref<8208384xf32, #tpu.memory_space<hbm>> -> memref<128xf32, #tpu.memory_space<hbm>>
    %dma_wait3A_2397 = arith.constant 640 : i32
    %dma_wait3A_2398 = tpu.memref_slice %arg4[%dma_wait3A_2397] : memref<8192xf32, #tpu.memory_space<vmem>> -> memref<128xf32, #tpu.memory_space<vmem>>
    tpu.wait_dma2 semaphore(%arg5 : memref<!tpu.dma_semaphore, #tpu.memory_space<semaphore_mem>>) src(%dma_wait3A_2398 : memref<128xf32, #tpu.memory_space<vmem>>) dst(%dma_wait3A_2396 : memref<128xf32, #tpu.memory_space<hbm>>)
    %dma_wait3A_2399 = tpu.memref_slice %arg3[%add3A_497] : memref<8208384xf32, #tpu.memory_space<hbm>> -> memref<128xf32, #tpu.memory_space<hbm>>
    %dma_wait3A_2400 = arith.constant 768 : i32
    %dma_wait3A_2401 = tpu.memref_slice %arg4[%dma_wait3A_2400] : memref<8192xf32, #tpu.memory_space<vmem>> -> memref<128xf32, #tpu.memory_space<vmem>>
    tpu.wait_dma2 semaphore(%arg5 : memref<!tpu.dma_semaphore, #tpu.memory_space<semaphore_mem>>) src(%dma_wait3A_2401 : memref<128xf32, #tpu.memory_space<vmem>>) dst(%dma_wait3A_2399 : memref<128xf32, #tpu.memory_space<hbm>>)
    %dma_wait3A_2402 = tpu.memref_slice %arg3[%add3A_530] : memref<8208384xf32, #tpu.memory_space<hbm>> -> memref<128xf32, #tpu.memory_space<hbm>>
    %dma_wait3A_2403 = arith.constant 896 : i32
    %dma_wait3A_2404 = tpu.memref_slice %arg4[%dma_wait3A_2403] : memref<8192xf32, #tpu.memory_space<vmem>> -> memref<128xf32, #tpu.memory_space<vmem>>
    tpu.wait_dma2 semaphore(%arg5 : memref<!tpu.dma_semaphore, #tpu.memory_space<semaphore_mem>>) src(%dma_wait3A_2404 : memref<128xf32, #tpu.memory_space<vmem>>) dst(%dma_wait3A_2402 : memref<128xf32, #tpu.memory_space<hbm>>)
    %dma_wait3A_2405 = tpu.memref_slice %arg3[%add3A_563] : memref<8208384xf32, #tpu.memory_space<hbm>> -> memref<128xf32, #tpu.memory_space<hbm>>
    %dma_wait3A_2406 = arith.constant 1024 : i32
    %dma_wait3A_2407 = tpu.memref_slice %arg4[%dma_wait3A_2406] : memref<8192xf32, #tpu.memory_space<vmem>> -> memref<128xf32, #tpu.memory_space<vmem>>
    tpu.wait_dma2 semaphore(%arg5 : memref<!tpu.dma_semaphore, #tpu.memory_space<semaphore_mem>>) src(%dma_wait3A_2407 : memref<128xf32, #tpu.memory_space<vmem>>) dst(%dma_wait3A_2405 : memref<128xf32, #tpu.memory_space<hbm>>)
    %dma_wait3A_2408 = tpu.memref_slice %arg3[%add3A_596] : memref<8208384xf32, #tpu.memory_space<hbm>> -> memref<128xf32, #tpu.memory_space<hbm>>
    %dma_wait3A_2409 = arith.constant 1152 : i32
    %dma_wait3A_2410 = tpu.memref_slice %arg4[%dma_wait3A_2409] : memref<8192xf32, #tpu.memory_space<vmem>> -> memref<128xf32, #tpu.memory_space<vmem>>
    tpu.wait_dma2 semaphore(%arg5 : memref<!tpu.dma_semaphore, #tpu.memory_space<semaphore_mem>>) src(%dma_wait3A_2410 : memref<128xf32, #tpu.memory_space<vmem>>) dst(%dma_wait3A_2408 : memref<128xf32, #tpu.memory_space<hbm>>)
    %dma_wait3A_2411 = tpu.memref_slice %arg3[%add3A_629] : memref<8208384xf32, #tpu.memory_space<hbm>> -> memref<128xf32, #tpu.memory_space<hbm>>
    %dma_wait3A_2412 = arith.constant 1280 : i32
    %dma_wait3A_2413 = tpu.memref_slice %arg4[%dma_wait3A_2412] : memref<8192xf32, #tpu.memory_space<vmem>> -> memref<128xf32, #tpu.memory_space<vmem>>
    tpu.wait_dma2 semaphore(%arg5 : memref<!tpu.dma_semaphore, #tpu.memory_space<semaphore_mem>>) src(%dma_wait3A_2413 : memref<128xf32, #tpu.memory_space<vmem>>) dst(%dma_wait3A_2411 : memref<128xf32, #tpu.memory_space<hbm>>)
    %dma_wait3A_2414 = tpu.memref_slice %arg3[%add3A_662] : memref<8208384xf32, #tpu.memory_space<hbm>> -> memref<128xf32, #tpu.memory_space<hbm>>
    %dma_wait3A_2415 = arith.constant 1408 : i32
    %dma_wait3A_2416 = tpu.memref_slice %arg4[%dma_wait3A_2415] : memref<8192xf32, #tpu.memory_space<vmem>> -> memref<128xf32, #tpu.memory_space<vmem>>
    tpu.wait_dma2 semaphore(%arg5 : memref<!tpu.dma_semaphore, #tpu.memory_space<semaphore_mem>>) src(%dma_wait3A_2416 : memref<128xf32, #tpu.memory_space<vmem>>) dst(%dma_wait3A_2414 : memref<128xf32, #tpu.memory_space<hbm>>)
    %dma_wait3A_2417 = tpu.memref_slice %arg3[%add3A_695] : memref<8208384xf32, #tpu.memory_space<hbm>> -> memref<128xf32, #tpu.memory_space<hbm>>
    %dma_wait3A_2418 = arith.constant 1536 : i32
    %dma_wait3A_2419 = tpu.memref_slice %arg4[%dma_wait3A_2418] : memref<8192xf32, #tpu.memory_space<vmem>> -> memref<128xf32, #tpu.memory_space<vmem>>
    tpu.wait_dma2 semaphore(%arg5 : memref<!tpu.dma_semaphore, #tpu.memory_space<semaphore_mem>>) src(%dma_wait3A_2419 : memref<128xf32, #tpu.memory_space<vmem>>) dst(%dma_wait3A_2417 : memref<128xf32, #tpu.memory_space<hbm>>)
    %dma_wait3A_2420 = tpu.memref_slice %arg3[%add3A_728] : memref<8208384xf32, #tpu.memory_space<hbm>> -> memref<128xf32, #tpu.memory_space<hbm>>
    %dma_wait3A_2421 = arith.constant 1664 : i32
    %dma_wait3A_2422 = tpu.memref_slice %arg4[%dma_wait3A_2421] : memref<8192xf32, #tpu.memory_space<vmem>> -> memref<128xf32, #tpu.memory_space<vmem>>
    tpu.wait_dma2 semaphore(%arg5 : memref<!tpu.dma_semaphore, #tpu.memory_space<semaphore_mem>>) src(%dma_wait3A_2422 : memref<128xf32, #tpu.memory_space<vmem>>) dst(%dma_wait3A_2420 : memref<128xf32, #tpu.memory_space<hbm>>)
    %dma_wait3A_2423 = tpu.memref_slice %arg3[%add3A_761] : memref<8208384xf32, #tpu.memory_space<hbm>> -> memref<128xf32, #tpu.memory_space<hbm>>
    %dma_wait3A_2424 = arith.constant 1792 : i32
    %dma_wait3A_2425 = tpu.memref_slice %arg4[%dma_wait3A_2424] : memref<8192xf32, #tpu.memory_space<vmem>> -> memref<128xf32, #tpu.memory_space<vmem>>
    tpu.wait_dma2 semaphore(%arg5 : memref<!tpu.dma_semaphore, #tpu.memory_space<semaphore_mem>>) src(%dma_wait3A_2425 : memref<128xf32, #tpu.memory_space<vmem>>) dst(%dma_wait3A_2423 : memref<128xf32, #tpu.memory_space<hbm>>)
    %dma_wait3A_2426 = tpu.memref_slice %arg3[%add3A_794] : memref<8208384xf32, #tpu.memory_space<hbm>> -> memref<128xf32, #tpu.memory_space<hbm>>
    %dma_wait3A_2427 = arith.constant 1920 : i32
    %dma_wait3A_2428 = tpu.memref_slice %arg4[%dma_wait3A_2427] : memref<8192xf32, #tpu.memory_space<vmem>> -> memref<128xf32, #tpu.memory_space<vmem>>
    tpu.wait_dma2 semaphore(%arg5 : memref<!tpu.dma_semaphore, #tpu.memory_space<semaphore_mem>>) src(%dma_wait3A_2428 : memref<128xf32, #tpu.memory_space<vmem>>) dst(%dma_wait3A_2426 : memref<128xf32, #tpu.memory_space<hbm>>)
    %dma_wait3A_2429 = tpu.memref_slice %arg3[%add3A_827] : memref<8208384xf32, #tpu.memory_space<hbm>> -> memref<128xf32, #tpu.memory_space<hbm>>
    %dma_wait3A_2430 = arith.constant 2048 : i32
    %dma_wait3A_2431 = tpu.memref_slice %arg4[%dma_wait3A_2430] : memref<8192xf32, #tpu.memory_space<vmem>> -> memref<128xf32, #tpu.memory_space<vmem>>
    tpu.wait_dma2 semaphore(%arg5 : memref<!tpu.dma_semaphore, #tpu.memory_space<semaphore_mem>>) src(%dma_wait3A_2431 : memref<128xf32, #tpu.memory_space<vmem>>) dst(%dma_wait3A_2429 : memref<128xf32, #tpu.memory_space<hbm>>)
    %dma_wait3A_2432 = tpu.memref_slice %arg3[%add3A_860] : memref<8208384xf32, #tpu.memory_space<hbm>> -> memref<128xf32, #tpu.memory_space<hbm>>
    %dma_wait3A_2433 = arith.constant 2176 : i32
    %dma_wait3A_2434 = tpu.memref_slice %arg4[%dma_wait3A_2433] : memref<8192xf32, #tpu.memory_space<vmem>> -> memref<128xf32, #tpu.memory_space<vmem>>
    tpu.wait_dma2 semaphore(%arg5 : memref<!tpu.dma_semaphore, #tpu.memory_space<semaphore_mem>>) src(%dma_wait3A_2434 : memref<128xf32, #tpu.memory_space<vmem>>) dst(%dma_wait3A_2432 : memref<128xf32, #tpu.memory_space<hbm>>)
    %dma_wait3A_2435 = tpu.memref_slice %arg3[%add3A_893] : memref<8208384xf32, #tpu.memory_space<hbm>> -> memref<128xf32, #tpu.memory_space<hbm>>
    %dma_wait3A_2436 = arith.constant 2304 : i32
    %dma_wait3A_2437 = tpu.memref_slice %arg4[%dma_wait3A_2436] : memref<8192xf32, #tpu.memory_space<vmem>> -> memref<128xf32, #tpu.memory_space<vmem>>
    tpu.wait_dma2 semaphore(%arg5 : memref<!tpu.dma_semaphore, #tpu.memory_space<semaphore_mem>>) src(%dma_wait3A_2437 : memref<128xf32, #tpu.memory_space<vmem>>) dst(%dma_wait3A_2435 : memref<128xf32, #tpu.memory_space<hbm>>)
    %dma_wait3A_2438 = tpu.memref_slice %arg3[%add3A_926] : memref<8208384xf32, #tpu.memory_space<hbm>> -> memref<128xf32, #tpu.memory_space<hbm>>
    %dma_wait3A_2439 = arith.constant 2432 : i32
    %dma_wait3A_2440 = tpu.memref_slice %arg4[%dma_wait3A_2439] : memref<8192xf32, #tpu.memory_space<vmem>> -> memref<128xf32, #tpu.memory_space<vmem>>
    tpu.wait_dma2 semaphore(%arg5 : memref<!tpu.dma_semaphore, #tpu.memory_space<semaphore_mem>>) src(%dma_wait3A_2440 : memref<128xf32, #tpu.memory_space<vmem>>) dst(%dma_wait3A_2438 : memref<128xf32, #tpu.memory_space<hbm>>)
    %dma_wait3A_2441 = tpu.memref_slice %arg3[%add3A_959] : memref<8208384xf32, #tpu.memory_space<hbm>> -> memref<128xf32, #tpu.memory_space<hbm>>
    %dma_wait3A_2442 = arith.constant 2560 : i32
    %dma_wait3A_2443 = tpu.memref_slice %arg4[%dma_wait3A_2442] : memref<8192xf32, #tpu.memory_space<vmem>> -> memref<128xf32, #tpu.memory_space<vmem>>
    tpu.wait_dma2 semaphore(%arg5 : memref<!tpu.dma_semaphore, #tpu.memory_space<semaphore_mem>>) src(%dma_wait3A_2443 : memref<128xf32, #tpu.memory_space<vmem>>) dst(%dma_wait3A_2441 : memref<128xf32, #tpu.memory_space<hbm>>)
    %dma_wait3A_2444 = tpu.memref_slice %arg3[%add3A_992] : memref<8208384xf32, #tpu.memory_space<hbm>> -> memref<128xf32, #tpu.memory_space<hbm>>
    %dma_wait3A_2445 = arith.constant 2688 : i32
    %dma_wait3A_2446 = tpu.memref_slice %arg4[%dma_wait3A_2445] : memref<8192xf32, #tpu.memory_space<vmem>> -> memref<128xf32, #tpu.memory_space<vmem>>
    tpu.wait_dma2 semaphore(%arg5 : memref<!tpu.dma_semaphore, #tpu.memory_space<semaphore_mem>>) src(%dma_wait3A_2446 : memref<128xf32, #tpu.memory_space<vmem>>) dst(%dma_wait3A_2444 : memref<128xf32, #tpu.memory_space<hbm>>)
    %dma_wait3A_2447 = tpu.memref_slice %arg3[%add3A_1025] : memref<8208384xf32, #tpu.memory_space<hbm>> -> memref<128xf32, #tpu.memory_space<hbm>>
    %dma_wait3A_2448 = arith.constant 2816 : i32
    %dma_wait3A_2449 = tpu.memref_slice %arg4[%dma_wait3A_2448] : memref<8192xf32, #tpu.memory_space<vmem>> -> memref<128xf32, #tpu.memory_space<vmem>>
    tpu.wait_dma2 semaphore(%arg5 : memref<!tpu.dma_semaphore, #tpu.memory_space<semaphore_mem>>) src(%dma_wait3A_2449 : memref<128xf32, #tpu.memory_space<vmem>>) dst(%dma_wait3A_2447 : memref<128xf32, #tpu.memory_space<hbm>>)
    %dma_wait3A_2450 = tpu.memref_slice %arg3[%add3A_1058] : memref<8208384xf32, #tpu.memory_space<hbm>> -> memref<128xf32, #tpu.memory_space<hbm>>
    %dma_wait3A_2451 = arith.constant 2944 : i32
    %dma_wait3A_2452 = tpu.memref_slice %arg4[%dma_wait3A_2451] : memref<8192xf32, #tpu.memory_space<vmem>> -> memref<128xf32, #tpu.memory_space<vmem>>
    tpu.wait_dma2 semaphore(%arg5 : memref<!tpu.dma_semaphore, #tpu.memory_space<semaphore_mem>>) src(%dma_wait3A_2452 : memref<128xf32, #tpu.memory_space<vmem>>) dst(%dma_wait3A_2450 : memref<128xf32, #tpu.memory_space<hbm>>)
    %dma_wait3A_2453 = tpu.memref_slice %arg3[%add3A_1091] : memref<8208384xf32, #tpu.memory_space<hbm>> -> memref<128xf32, #tpu.memory_space<hbm>>
    %dma_wait3A_2454 = arith.constant 3072 : i32
    %dma_wait3A_2455 = tpu.memref_slice %arg4[%dma_wait3A_2454] : memref<8192xf32, #tpu.memory_space<vmem>> -> memref<128xf32, #tpu.memory_space<vmem>>
    tpu.wait_dma2 semaphore(%arg5 : memref<!tpu.dma_semaphore, #tpu.memory_space<semaphore_mem>>) src(%dma_wait3A_2455 : memref<128xf32, #tpu.memory_space<vmem>>) dst(%dma_wait3A_2453 : memref<128xf32, #tpu.memory_space<hbm>>)
    %dma_wait3A_2456 = tpu.memref_slice %arg3[%add3A_1124] : memref<8208384xf32, #tpu.memory_space<hbm>> -> memref<128xf32, #tpu.memory_space<hbm>>
    %dma_wait3A_2457 = arith.constant 3200 : i32
    %dma_wait3A_2458 = tpu.memref_slice %arg4[%dma_wait3A_2457] : memref<8192xf32, #tpu.memory_space<vmem>> -> memref<128xf32, #tpu.memory_space<vmem>>
    tpu.wait_dma2 semaphore(%arg5 : memref<!tpu.dma_semaphore, #tpu.memory_space<semaphore_mem>>) src(%dma_wait3A_2458 : memref<128xf32, #tpu.memory_space<vmem>>) dst(%dma_wait3A_2456 : memref<128xf32, #tpu.memory_space<hbm>>)
    %dma_wait3A_2459 = tpu.memref_slice %arg3[%add3A_1157] : memref<8208384xf32, #tpu.memory_space<hbm>> -> memref<128xf32, #tpu.memory_space<hbm>>
    %dma_wait3A_2460 = arith.constant 3328 : i32
    %dma_wait3A_2461 = tpu.memref_slice %arg4[%dma_wait3A_2460] : memref<8192xf32, #tpu.memory_space<vmem>> -> memref<128xf32, #tpu.memory_space<vmem>>
    tpu.wait_dma2 semaphore(%arg5 : memref<!tpu.dma_semaphore, #tpu.memory_space<semaphore_mem>>) src(%dma_wait3A_2461 : memref<128xf32, #tpu.memory_space<vmem>>) dst(%dma_wait3A_2459 : memref<128xf32, #tpu.memory_space<hbm>>)
    %dma_wait3A_2462 = tpu.memref_slice %arg3[%add3A_1190] : memref<8208384xf32, #tpu.memory_space<hbm>> -> memref<128xf32, #tpu.memory_space<hbm>>
    %dma_wait3A_2463 = arith.constant 3456 : i32
    %dma_wait3A_2464 = tpu.memref_slice %arg4[%dma_wait3A_2463] : memref<8192xf32, #tpu.memory_space<vmem>> -> memref<128xf32, #tpu.memory_space<vmem>>
    tpu.wait_dma2 semaphore(%arg5 : memref<!tpu.dma_semaphore, #tpu.memory_space<semaphore_mem>>) src(%dma_wait3A_2464 : memref<128xf32, #tpu.memory_space<vmem>>) dst(%dma_wait3A_2462 : memref<128xf32, #tpu.memory_space<hbm>>)
    %dma_wait3A_2465 = tpu.memref_slice %arg3[%add3A_1223] : memref<8208384xf32, #tpu.memory_space<hbm>> -> memref<128xf32, #tpu.memory_space<hbm>>
    %dma_wait3A_2466 = arith.constant 3584 : i32
    %dma_wait3A_2467 = tpu.memref_slice %arg4[%dma_wait3A_2466] : memref<8192xf32, #tpu.memory_space<vmem>> -> memref<128xf32, #tpu.memory_space<vmem>>
    tpu.wait_dma2 semaphore(%arg5 : memref<!tpu.dma_semaphore, #tpu.memory_space<semaphore_mem>>) src(%dma_wait3A_2467 : memref<128xf32, #tpu.memory_space<vmem>>) dst(%dma_wait3A_2465 : memref<128xf32, #tpu.memory_space<hbm>>)
    %dma_wait3A_2468 = tpu.memref_slice %arg3[%add3A_1256] : memref<8208384xf32, #tpu.memory_space<hbm>> -> memref<128xf32, #tpu.memory_space<hbm>>
    %dma_wait3A_2469 = arith.constant 3712 : i32
    %dma_wait3A_2470 = tpu.memref_slice %arg4[%dma_wait3A_2469] : memref<8192xf32, #tpu.memory_space<vmem>> -> memref<128xf32, #tpu.memory_space<vmem>>
    tpu.wait_dma2 semaphore(%arg5 : memref<!tpu.dma_semaphore, #tpu.memory_space<semaphore_mem>>) src(%dma_wait3A_2470 : memref<128xf32, #tpu.memory_space<vmem>>) dst(%dma_wait3A_2468 : memref<128xf32, #tpu.memory_space<hbm>>)
    %dma_wait3A_2471 = tpu.memref_slice %arg3[%add3A_1289] : memref<8208384xf32, #tpu.memory_space<hbm>> -> memref<128xf32, #tpu.memory_space<hbm>>
    %dma_wait3A_2472 = arith.constant 3840 : i32
    %dma_wait3A_2473 = tpu.memref_slice %arg4[%dma_wait3A_2472] : memref<8192xf32, #tpu.memory_space<vmem>> -> memref<128xf32, #tpu.memory_space<vmem>>
    tpu.wait_dma2 semaphore(%arg5 : memref<!tpu.dma_semaphore, #tpu.memory_space<semaphore_mem>>) src(%dma_wait3A_2473 : memref<128xf32, #tpu.memory_space<vmem>>) dst(%dma_wait3A_2471 : memref<128xf32, #tpu.memory_space<hbm>>)
    %dma_wait3A_2474 = tpu.memref_slice %arg3[%add3A_1322] : memref<8208384xf32, #tpu.memory_space<hbm>> -> memref<128xf32, #tpu.memory_space<hbm>>
    %dma_wait3A_2475 = arith.constant 3968 : i32
    %dma_wait3A_2476 = tpu.memref_slice %arg4[%dma_wait3A_2475] : memref<8192xf32, #tpu.memory_space<vmem>> -> memref<128xf32, #tpu.memory_space<vmem>>
    tpu.wait_dma2 semaphore(%arg5 : memref<!tpu.dma_semaphore, #tpu.memory_space<semaphore_mem>>) src(%dma_wait3A_2476 : memref<128xf32, #tpu.memory_space<vmem>>) dst(%dma_wait3A_2474 : memref<128xf32, #tpu.memory_space<hbm>>)
    %dma_wait3A_2477 = tpu.memref_slice %arg3[%add3A_1355] : memref<8208384xf32, #tpu.memory_space<hbm>> -> memref<128xf32, #tpu.memory_space<hbm>>
    %dma_wait3A_2478 = arith.constant 4096 : i32
    %dma_wait3A_2479 = tpu.memref_slice %arg4[%dma_wait3A_2478] : memref<8192xf32, #tpu.memory_space<vmem>> -> memref<128xf32, #tpu.memory_space<vmem>>
    tpu.wait_dma2 semaphore(%arg5 : memref<!tpu.dma_semaphore, #tpu.memory_space<semaphore_mem>>) src(%dma_wait3A_2479 : memref<128xf32, #tpu.memory_space<vmem>>) dst(%dma_wait3A_2477 : memref<128xf32, #tpu.memory_space<hbm>>)
    %dma_wait3A_2480 = tpu.memref_slice %arg3[%add3A_1388] : memref<8208384xf32, #tpu.memory_space<hbm>> -> memref<128xf32, #tpu.memory_space<hbm>>
    %dma_wait3A_2481 = arith.constant 4224 : i32
    %dma_wait3A_2482 = tpu.memref_slice %arg4[%dma_wait3A_2481] : memref<8192xf32, #tpu.memory_space<vmem>> -> memref<128xf32, #tpu.memory_space<vmem>>
    tpu.wait_dma2 semaphore(%arg5 : memref<!tpu.dma_semaphore, #tpu.memory_space<semaphore_mem>>) src(%dma_wait3A_2482 : memref<128xf32, #tpu.memory_space<vmem>>) dst(%dma_wait3A_2480 : memref<128xf32, #tpu.memory_space<hbm>>)
    %dma_wait3A_2483 = tpu.memref_slice %arg3[%add3A_1421] : memref<8208384xf32, #tpu.memory_space<hbm>> -> memref<128xf32, #tpu.memory_space<hbm>>
    %dma_wait3A_2484 = arith.constant 4352 : i32
    %dma_wait3A_2485 = tpu.memref_slice %arg4[%dma_wait3A_2484] : memref<8192xf32, #tpu.memory_space<vmem>> -> memref<128xf32, #tpu.memory_space<vmem>>
    tpu.wait_dma2 semaphore(%arg5 : memref<!tpu.dma_semaphore, #tpu.memory_space<semaphore_mem>>) src(%dma_wait3A_2485 : memref<128xf32, #tpu.memory_space<vmem>>) dst(%dma_wait3A_2483 : memref<128xf32, #tpu.memory_space<hbm>>)
    %dma_wait3A_2486 = tpu.memref_slice %arg3[%add3A_1454] : memref<8208384xf32, #tpu.memory_space<hbm>> -> memref<128xf32, #tpu.memory_space<hbm>>
    %dma_wait3A_2487 = arith.constant 4480 : i32
    %dma_wait3A_2488 = tpu.memref_slice %arg4[%dma_wait3A_2487] : memref<8192xf32, #tpu.memory_space<vmem>> -> memref<128xf32, #tpu.memory_space<vmem>>
    tpu.wait_dma2 semaphore(%arg5 : memref<!tpu.dma_semaphore, #tpu.memory_space<semaphore_mem>>) src(%dma_wait3A_2488 : memref<128xf32, #tpu.memory_space<vmem>>) dst(%dma_wait3A_2486 : memref<128xf32, #tpu.memory_space<hbm>>)
    %dma_wait3A_2489 = tpu.memref_slice %arg3[%add3A_1487] : memref<8208384xf32, #tpu.memory_space<hbm>> -> memref<128xf32, #tpu.memory_space<hbm>>
    %dma_wait3A_2490 = arith.constant 4608 : i32
    %dma_wait3A_2491 = tpu.memref_slice %arg4[%dma_wait3A_2490] : memref<8192xf32, #tpu.memory_space<vmem>> -> memref<128xf32, #tpu.memory_space<vmem>>
    tpu.wait_dma2 semaphore(%arg5 : memref<!tpu.dma_semaphore, #tpu.memory_space<semaphore_mem>>) src(%dma_wait3A_2491 : memref<128xf32, #tpu.memory_space<vmem>>) dst(%dma_wait3A_2489 : memref<128xf32, #tpu.memory_space<hbm>>)
    %dma_wait3A_2492 = tpu.memref_slice %arg3[%add3A_1520] : memref<8208384xf32, #tpu.memory_space<hbm>> -> memref<128xf32, #tpu.memory_space<hbm>>
    %dma_wait3A_2493 = arith.constant 4736 : i32
    %dma_wait3A_2494 = tpu.memref_slice %arg4[%dma_wait3A_2493] : memref<8192xf32, #tpu.memory_space<vmem>> -> memref<128xf32, #tpu.memory_space<vmem>>
    tpu.wait_dma2 semaphore(%arg5 : memref<!tpu.dma_semaphore, #tpu.memory_space<semaphore_mem>>) src(%dma_wait3A_2494 : memref<128xf32, #tpu.memory_space<vmem>>) dst(%dma_wait3A_2492 : memref<128xf32, #tpu.memory_space<hbm>>)
    %dma_wait3A_2495 = tpu.memref_slice %arg3[%add3A_1553] : memref<8208384xf32, #tpu.memory_space<hbm>> -> memref<128xf32, #tpu.memory_space<hbm>>
    %dma_wait3A_2496 = arith.constant 4864 : i32
    %dma_wait3A_2497 = tpu.memref_slice %arg4[%dma_wait3A_2496] : memref<8192xf32, #tpu.memory_space<vmem>> -> memref<128xf32, #tpu.memory_space<vmem>>
    tpu.wait_dma2 semaphore(%arg5 : memref<!tpu.dma_semaphore, #tpu.memory_space<semaphore_mem>>) src(%dma_wait3A_2497 : memref<128xf32, #tpu.memory_space<vmem>>) dst(%dma_wait3A_2495 : memref<128xf32, #tpu.memory_space<hbm>>)
    %dma_wait3A_2498 = tpu.memref_slice %arg3[%add3A_1586] : memref<8208384xf32, #tpu.memory_space<hbm>> -> memref<128xf32, #tpu.memory_space<hbm>>
    %dma_wait3A_2499 = arith.constant 4992 : i32
    %dma_wait3A_2500 = tpu.memref_slice %arg4[%dma_wait3A_2499] : memref<8192xf32, #tpu.memory_space<vmem>> -> memref<128xf32, #tpu.memory_space<vmem>>
    tpu.wait_dma2 semaphore(%arg5 : memref<!tpu.dma_semaphore, #tpu.memory_space<semaphore_mem>>) src(%dma_wait3A_2500 : memref<128xf32, #tpu.memory_space<vmem>>) dst(%dma_wait3A_2498 : memref<128xf32, #tpu.memory_space<hbm>>)
    %dma_wait3A_2501 = tpu.memref_slice %arg3[%add3A_1619] : memref<8208384xf32, #tpu.memory_space<hbm>> -> memref<128xf32, #tpu.memory_space<hbm>>
    %dma_wait3A_2502 = arith.constant 5120 : i32
    %dma_wait3A_2503 = tpu.memref_slice %arg4[%dma_wait3A_2502] : memref<8192xf32, #tpu.memory_space<vmem>> -> memref<128xf32, #tpu.memory_space<vmem>>
    tpu.wait_dma2 semaphore(%arg5 : memref<!tpu.dma_semaphore, #tpu.memory_space<semaphore_mem>>) src(%dma_wait3A_2503 : memref<128xf32, #tpu.memory_space<vmem>>) dst(%dma_wait3A_2501 : memref<128xf32, #tpu.memory_space<hbm>>)
    %dma_wait3A_2504 = tpu.memref_slice %arg3[%add3A_1652] : memref<8208384xf32, #tpu.memory_space<hbm>> -> memref<128xf32, #tpu.memory_space<hbm>>
    %dma_wait3A_2505 = arith.constant 5248 : i32
    %dma_wait3A_2506 = tpu.memref_slice %arg4[%dma_wait3A_2505] : memref<8192xf32, #tpu.memory_space<vmem>> -> memref<128xf32, #tpu.memory_space<vmem>>
    tpu.wait_dma2 semaphore(%arg5 : memref<!tpu.dma_semaphore, #tpu.memory_space<semaphore_mem>>) src(%dma_wait3A_2506 : memref<128xf32, #tpu.memory_space<vmem>>) dst(%dma_wait3A_2504 : memref<128xf32, #tpu.memory_space<hbm>>)
    %dma_wait3A_2507 = tpu.memref_slice %arg3[%add3A_1685] : memref<8208384xf32, #tpu.memory_space<hbm>> -> memref<128xf32, #tpu.memory_space<hbm>>
    %dma_wait3A_2508 = arith.constant 5376 : i32
    %dma_wait3A_2509 = tpu.memref_slice %arg4[%dma_wait3A_2508] : memref<8192xf32, #tpu.memory_space<vmem>> -> memref<128xf32, #tpu.memory_space<vmem>>
    tpu.wait_dma2 semaphore(%arg5 : memref<!tpu.dma_semaphore, #tpu.memory_space<semaphore_mem>>) src(%dma_wait3A_2509 : memref<128xf32, #tpu.memory_space<vmem>>) dst(%dma_wait3A_2507 : memref<128xf32, #tpu.memory_space<hbm>>)
    %dma_wait3A_2510 = tpu.memref_slice %arg3[%add3A_1718] : memref<8208384xf32, #tpu.memory_space<hbm>> -> memref<128xf32, #tpu.memory_space<hbm>>
    %dma_wait3A_2511 = arith.constant 5504 : i32
    %dma_wait3A_2512 = tpu.memref_slice %arg4[%dma_wait3A_2511] : memref<8192xf32, #tpu.memory_space<vmem>> -> memref<128xf32, #tpu.memory_space<vmem>>
    tpu.wait_dma2 semaphore(%arg5 : memref<!tpu.dma_semaphore, #tpu.memory_space<semaphore_mem>>) src(%dma_wait3A_2512 : memref<128xf32, #tpu.memory_space<vmem>>) dst(%dma_wait3A_2510 : memref<128xf32, #tpu.memory_space<hbm>>)
    %dma_wait3A_2513 = tpu.memref_slice %arg3[%add3A_1751] : memref<8208384xf32, #tpu.memory_space<hbm>> -> memref<128xf32, #tpu.memory_space<hbm>>
    %dma_wait3A_2514 = arith.constant 5632 : i32
    %dma_wait3A_2515 = tpu.memref_slice %arg4[%dma_wait3A_2514] : memref<8192xf32, #tpu.memory_space<vmem>> -> memref<128xf32, #tpu.memory_space<vmem>>
    tpu.wait_dma2 semaphore(%arg5 : memref<!tpu.dma_semaphore, #tpu.memory_space<semaphore_mem>>) src(%dma_wait3A_2515 : memref<128xf32, #tpu.memory_space<vmem>>) dst(%dma_wait3A_2513 : memref<128xf32, #tpu.memory_space<hbm>>)
    %dma_wait3A_2516 = tpu.memref_slice %arg3[%add3A_1784] : memref<8208384xf32, #tpu.memory_space<hbm>> -> memref<128xf32, #tpu.memory_space<hbm>>
    %dma_wait3A_2517 = arith.constant 5760 : i32
    %dma_wait3A_2518 = tpu.memref_slice %arg4[%dma_wait3A_2517] : memref<8192xf32, #tpu.memory_space<vmem>> -> memref<128xf32, #tpu.memory_space<vmem>>
    tpu.wait_dma2 semaphore(%arg5 : memref<!tpu.dma_semaphore, #tpu.memory_space<semaphore_mem>>) src(%dma_wait3A_2518 : memref<128xf32, #tpu.memory_space<vmem>>) dst(%dma_wait3A_2516 : memref<128xf32, #tpu.memory_space<hbm>>)
    %dma_wait3A_2519 = tpu.memref_slice %arg3[%add3A_1817] : memref<8208384xf32, #tpu.memory_space<hbm>> -> memref<128xf32, #tpu.memory_space<hbm>>
    %dma_wait3A_2520 = arith.constant 5888 : i32
    %dma_wait3A_2521 = tpu.memref_slice %arg4[%dma_wait3A_2520] : memref<8192xf32, #tpu.memory_space<vmem>> -> memref<128xf32, #tpu.memory_space<vmem>>
    tpu.wait_dma2 semaphore(%arg5 : memref<!tpu.dma_semaphore, #tpu.memory_space<semaphore_mem>>) src(%dma_wait3A_2521 : memref<128xf32, #tpu.memory_space<vmem>>) dst(%dma_wait3A_2519 : memref<128xf32, #tpu.memory_space<hbm>>)
    %dma_wait3A_2522 = tpu.memref_slice %arg3[%add3A_1850] : memref<8208384xf32, #tpu.memory_space<hbm>> -> memref<128xf32, #tpu.memory_space<hbm>>
    %dma_wait3A_2523 = arith.constant 6016 : i32
    %dma_wait3A_2524 = tpu.memref_slice %arg4[%dma_wait3A_2523] : memref<8192xf32, #tpu.memory_space<vmem>> -> memref<128xf32, #tpu.memory_space<vmem>>
    tpu.wait_dma2 semaphore(%arg5 : memref<!tpu.dma_semaphore, #tpu.memory_space<semaphore_mem>>) src(%dma_wait3A_2524 : memref<128xf32, #tpu.memory_space<vmem>>) dst(%dma_wait3A_2522 : memref<128xf32, #tpu.memory_space<hbm>>)
    %dma_wait3A_2525 = tpu.memref_slice %arg3[%add3A_1883] : memref<8208384xf32, #tpu.memory_space<hbm>> -> memref<128xf32, #tpu.memory_space<hbm>>
    %dma_wait3A_2526 = arith.constant 6144 : i32
    %dma_wait3A_2527 = tpu.memref_slice %arg4[%dma_wait3A_2526] : memref<8192xf32, #tpu.memory_space<vmem>> -> memref<128xf32, #tpu.memory_space<vmem>>
    tpu.wait_dma2 semaphore(%arg5 : memref<!tpu.dma_semaphore, #tpu.memory_space<semaphore_mem>>) src(%dma_wait3A_2527 : memref<128xf32, #tpu.memory_space<vmem>>) dst(%dma_wait3A_2525 : memref<128xf32, #tpu.memory_space<hbm>>)
    %dma_wait3A_2528 = tpu.memref_slice %arg3[%add3A_1916] : memref<8208384xf32, #tpu.memory_space<hbm>> -> memref<128xf32, #tpu.memory_space<hbm>>
    %dma_wait3A_2529 = arith.constant 6272 : i32
    %dma_wait3A_2530 = tpu.memref_slice %arg4[%dma_wait3A_2529] : memref<8192xf32, #tpu.memory_space<vmem>> -> memref<128xf32, #tpu.memory_space<vmem>>
    tpu.wait_dma2 semaphore(%arg5 : memref<!tpu.dma_semaphore, #tpu.memory_space<semaphore_mem>>) src(%dma_wait3A_2530 : memref<128xf32, #tpu.memory_space<vmem>>) dst(%dma_wait3A_2528 : memref<128xf32, #tpu.memory_space<hbm>>)
    %dma_wait3A_2531 = tpu.memref_slice %arg3[%add3A_1949] : memref<8208384xf32, #tpu.memory_space<hbm>> -> memref<128xf32, #tpu.memory_space<hbm>>
    %dma_wait3A_2532 = arith.constant 6400 : i32
    %dma_wait3A_2533 = tpu.memref_slice %arg4[%dma_wait3A_2532] : memref<8192xf32, #tpu.memory_space<vmem>> -> memref<128xf32, #tpu.memory_space<vmem>>
    tpu.wait_dma2 semaphore(%arg5 : memref<!tpu.dma_semaphore, #tpu.memory_space<semaphore_mem>>) src(%dma_wait3A_2533 : memref<128xf32, #tpu.memory_space<vmem>>) dst(%dma_wait3A_2531 : memref<128xf32, #tpu.memory_space<hbm>>)
    %dma_wait3A_2534 = tpu.memref_slice %arg3[%add3A_1982] : memref<8208384xf32, #tpu.memory_space<hbm>> -> memref<128xf32, #tpu.memory_space<hbm>>
    %dma_wait3A_2535 = arith.constant 6528 : i32
    %dma_wait3A_2536 = tpu.memref_slice %arg4[%dma_wait3A_2535] : memref<8192xf32, #tpu.memory_space<vmem>> -> memref<128xf32, #tpu.memory_space<vmem>>
    tpu.wait_dma2 semaphore(%arg5 : memref<!tpu.dma_semaphore, #tpu.memory_space<semaphore_mem>>) src(%dma_wait3A_2536 : memref<128xf32, #tpu.memory_space<vmem>>) dst(%dma_wait3A_2534 : memref<128xf32, #tpu.memory_space<hbm>>)
    %dma_wait3A_2537 = tpu.memref_slice %arg3[%add3A_2015] : memref<8208384xf32, #tpu.memory_space<hbm>> -> memref<128xf32, #tpu.memory_space<hbm>>
    %dma_wait3A_2538 = arith.constant 6656 : i32
    %dma_wait3A_2539 = tpu.memref_slice %arg4[%dma_wait3A_2538] : memref<8192xf32, #tpu.memory_space<vmem>> -> memref<128xf32, #tpu.memory_space<vmem>>
    tpu.wait_dma2 semaphore(%arg5 : memref<!tpu.dma_semaphore, #tpu.memory_space<semaphore_mem>>) src(%dma_wait3A_2539 : memref<128xf32, #tpu.memory_space<vmem>>) dst(%dma_wait3A_2537 : memref<128xf32, #tpu.memory_space<hbm>>)
    %dma_wait3A_2540 = tpu.memref_slice %arg3[%add3A_2048] : memref<8208384xf32, #tpu.memory_space<hbm>> -> memref<128xf32, #tpu.memory_space<hbm>>
    %dma_wait3A_2541 = arith.constant 6784 : i32
    %dma_wait3A_2542 = tpu.memref_slice %arg4[%dma_wait3A_2541] : memref<8192xf32, #tpu.memory_space<vmem>> -> memref<128xf32, #tpu.memory_space<vmem>>
    tpu.wait_dma2 semaphore(%arg5 : memref<!tpu.dma_semaphore, #tpu.memory_space<semaphore_mem>>) src(%dma_wait3A_2542 : memref<128xf32, #tpu.memory_space<vmem>>) dst(%dma_wait3A_2540 : memref<128xf32, #tpu.memory_space<hbm>>)
    %dma_wait3A_2543 = tpu.memref_slice %arg3[%add3A_2081] : memref<8208384xf32, #tpu.memory_space<hbm>> -> memref<128xf32, #tpu.memory_space<hbm>>
    %dma_wait3A_2544 = arith.constant 6912 : i32
    %dma_wait3A_2545 = tpu.memref_slice %arg4[%dma_wait3A_2544] : memref<8192xf32, #tpu.memory_space<vmem>> -> memref<128xf32, #tpu.memory_space<vmem>>
    tpu.wait_dma2 semaphore(%arg5 : memref<!tpu.dma_semaphore, #tpu.memory_space<semaphore_mem>>) src(%dma_wait3A_2545 : memref<128xf32, #tpu.memory_space<vmem>>) dst(%dma_wait3A_2543 : memref<128xf32, #tpu.memory_space<hbm>>)
    %dma_wait3A_2546 = tpu.memref_slice %arg3[%add3A_2114] : memref<8208384xf32, #tpu.memory_space<hbm>> -> memref<128xf32, #tpu.memory_space<hbm>>
    %dma_wait3A_2547 = arith.constant 7040 : i32
    %dma_wait3A_2548 = tpu.memref_slice %arg4[%dma_wait3A_2547] : memref<8192xf32, #tpu.memory_space<vmem>> -> memref<128xf32, #tpu.memory_space<vmem>>
    tpu.wait_dma2 semaphore(%arg5 : memref<!tpu.dma_semaphore, #tpu.memory_space<semaphore_mem>>) src(%dma_wait3A_2548 : memref<128xf32, #tpu.memory_space<vmem>>) dst(%dma_wait3A_2546 : memref<128xf32, #tpu.memory_space<hbm>>)
    %dma_wait3A_2549 = tpu.memref_slice %arg3[%add3A_2147] : memref<8208384xf32, #tpu.memory_space<hbm>> -> memref<128xf32, #tpu.memory_space<hbm>>
    %dma_wait3A_2550 = arith.constant 7168 : i32
    %dma_wait3A_2551 = tpu.memref_slice %arg4[%dma_wait3A_2550] : memref<8192xf32, #tpu.memory_space<vmem>> -> memref<128xf32, #tpu.memory_space<vmem>>
    tpu.wait_dma2 semaphore(%arg5 : memref<!tpu.dma_semaphore, #tpu.memory_space<semaphore_mem>>) src(%dma_wait3A_2551 : memref<128xf32, #tpu.memory_space<vmem>>) dst(%dma_wait3A_2549 : memref<128xf32, #tpu.memory_space<hbm>>)
    %dma_wait3A_2552 = tpu.memref_slice %arg3[%add3A_2180] : memref<8208384xf32, #tpu.memory_space<hbm>> -> memref<128xf32, #tpu.memory_space<hbm>>
    %dma_wait3A_2553 = arith.constant 7296 : i32
    %dma_wait3A_2554 = tpu.memref_slice %arg4[%dma_wait3A_2553] : memref<8192xf32, #tpu.memory_space<vmem>> -> memref<128xf32, #tpu.memory_space<vmem>>
    tpu.wait_dma2 semaphore(%arg5 : memref<!tpu.dma_semaphore, #tpu.memory_space<semaphore_mem>>) src(%dma_wait3A_2554 : memref<128xf32, #tpu.memory_space<vmem>>) dst(%dma_wait3A_2552 : memref<128xf32, #tpu.memory_space<hbm>>)
    %dma_wait3A_2555 = tpu.memref_slice %arg3[%add3A_2213] : memref<8208384xf32, #tpu.memory_space<hbm>> -> memref<128xf32, #tpu.memory_space<hbm>>
    %dma_wait3A_2556 = arith.constant 7424 : i32
    %dma_wait3A_2557 = tpu.memref_slice %arg4[%dma_wait3A_2556] : memref<8192xf32, #tpu.memory_space<vmem>> -> memref<128xf32, #tpu.memory_space<vmem>>
    tpu.wait_dma2 semaphore(%arg5 : memref<!tpu.dma_semaphore, #tpu.memory_space<semaphore_mem>>) src(%dma_wait3A_2557 : memref<128xf32, #tpu.memory_space<vmem>>) dst(%dma_wait3A_2555 : memref<128xf32, #tpu.memory_space<hbm>>)
    %dma_wait3A_2558 = tpu.memref_slice %arg3[%add3A_2246] : memref<8208384xf32, #tpu.memory_space<hbm>> -> memref<128xf32, #tpu.memory_space<hbm>>
    %dma_wait3A_2559 = arith.constant 7552 : i32
    %dma_wait3A_2560 = tpu.memref_slice %arg4[%dma_wait3A_2559] : memref<8192xf32, #tpu.memory_space<vmem>> -> memref<128xf32, #tpu.memory_space<vmem>>
    tpu.wait_dma2 semaphore(%arg5 : memref<!tpu.dma_semaphore, #tpu.memory_space<semaphore_mem>>) src(%dma_wait3A_2560 : memref<128xf32, #tpu.memory_space<vmem>>) dst(%dma_wait3A_2558 : memref<128xf32, #tpu.memory_space<hbm>>)
    %dma_wait3A_2561 = tpu.memref_slice %arg3[%add3A_2279] : memref<8208384xf32, #tpu.memory_space<hbm>> -> memref<128xf32, #tpu.memory_space<hbm>>
    %dma_wait3A_2562 = arith.constant 7680 : i32
    %dma_wait3A_2563 = tpu.memref_slice %arg4[%dma_wait3A_2562] : memref<8192xf32, #tpu.memory_space<vmem>> -> memref<128xf32, #tpu.memory_space<vmem>>
    tpu.wait_dma2 semaphore(%arg5 : memref<!tpu.dma_semaphore, #tpu.memory_space<semaphore_mem>>) src(%dma_wait3A_2563 : memref<128xf32, #tpu.memory_space<vmem>>) dst(%dma_wait3A_2561 : memref<128xf32, #tpu.memory_space<hbm>>)
    %dma_wait3A_2564 = tpu.memref_slice %arg3[%add3A_2312] : memref<8208384xf32, #tpu.memory_space<hbm>> -> memref<128xf32, #tpu.memory_space<hbm>>
    %dma_wait3A_2565 = arith.constant 7808 : i32
    %dma_wait3A_2566 = tpu.memref_slice %arg4[%dma_wait3A_2565] : memref<8192xf32, #tpu.memory_space<vmem>> -> memref<128xf32, #tpu.memory_space<vmem>>
    tpu.wait_dma2 semaphore(%arg5 : memref<!tpu.dma_semaphore, #tpu.memory_space<semaphore_mem>>) src(%dma_wait3A_2566 : memref<128xf32, #tpu.memory_space<vmem>>) dst(%dma_wait3A_2564 : memref<128xf32, #tpu.memory_space<hbm>>)
    %dma_wait3A_2567 = tpu.memref_slice %arg3[%add3A_2345] : memref<8208384xf32, #tpu.memory_space<hbm>> -> memref<128xf32, #tpu.memory_space<hbm>>
    %dma_wait3A_2568 = arith.constant 7936 : i32
    %dma_wait3A_2569 = tpu.memref_slice %arg4[%dma_wait3A_2568] : memref<8192xf32, #tpu.memory_space<vmem>> -> memref<128xf32, #tpu.memory_space<vmem>>
    tpu.wait_dma2 semaphore(%arg5 : memref<!tpu.dma_semaphore, #tpu.memory_space<semaphore_mem>>) src(%dma_wait3A_2569 : memref<128xf32, #tpu.memory_space<vmem>>) dst(%dma_wait3A_2567 : memref<128xf32, #tpu.memory_space<hbm>>)
    %dma_wait3A_2570 = tpu.memref_slice %arg3[%add3A_2378] : memref<8208384xf32, #tpu.memory_space<hbm>> -> memref<128xf32, #tpu.memory_space<hbm>>
    %dma_wait3A_2571 = arith.constant 8064 : i32
    %dma_wait3A_2572 = tpu.memref_slice %arg4[%dma_wait3A_2571] : memref<8192xf32, #tpu.memory_space<vmem>> -> memref<128xf32, #tpu.memory_space<vmem>>
    tpu.wait_dma2 semaphore(%arg5 : memref<!tpu.dma_semaphore, #tpu.memory_space<semaphore_mem>>) src(%dma_wait3A_2572 : memref<128xf32, #tpu.memory_space<vmem>>) dst(%dma_wait3A_2570 : memref<128xf32, #tpu.memory_space<hbm>>)
    return
  }
}

</mosaic_0001>

<sc_bundles>
// kernel: kernel.5.cloned.1.call-start
scs
__scs_entry_jumppad:
0x0: {  	(pc) =	sbr.rel $0x88, $3  }
0x1: {  	(tag) =	ssettag $0x0;
	lr =	simm.s32 $0x1  }
0x2: {  	[smem:$0x3F9E] =	sst lr;
	_ =	strace $0xD0000000  }
0x3: {  	_ = 	snop  }
0x4: {  	_ = 	snop  }
0x5: {  	_ = 	snop  }
0x6: {  	_ = 	snop  }
0x7: {  	_ = 	snop  }
__scs_overlays_trampoline_lowered:
0x8: {  	[smem:$0x3FAD] =	sst s0  }
0x9: {  	[smem:$0x3FAE] =	sst s1  }
0xa: {  	[smem:$0x3FAF] =	sst s2  }
0xb: {  	[smem:$0x3FB0] =	sst s3  }
0xc: {  	[smem:$0x3FB1] =	sst s4  }
0xd: {  	[smem:$0x3FB2] =	sst s5  }
0xe: {  	[smem:$0x3FB3] =	sst s6  }
0xf: {  	[smem:$0x3FB4] =	sst s7  }
0x10: {  	[smem:$0x3FB5] =	sst s8  }
0x11: {  	[smem:$0x3FB6] =	sst s9;
	s0 =	simm.s32 @!p0 $0x0  }
0x12: {  	s1 =	sld [smem:$0x3F9C];
	s0 =	simm.s32 @p0 $0x1  }
0x13: {  	[smem:$0x3FB7] =	sst s0;
	s0 =	simm.s32 @!p1 $0x0  }
0x14: {  	s2 =	sld [smem:$0x3F9B];
	s0 =	simm.s32 @p1 $0x1  }
0x15: {  	[smem:$0x3FB8] =	sst s0;
	s0 =	simm.s32 @!p2 $0x0  }
0x16: {  	s3 =	sld [smem:$0x3FDB];
	s0 =	simm.s32 @p2 $0x1  }
0x17: {  	s4 =	simm.s32 $0x1BF5;
	[smem:$0x3FBA] =	sst s0  }
0x18: {  	s0 =	sld [smem:$0x3F9D];
	_ =	swait.ge [sflag:s4], $0x0  }
0x19: {  	s7 =	sld [smem:$0x3F9E]  }
0x1a: {  	s8 =	sadd.s32 $0xFFFFE003, lr  }
0x1b: {  	s9 =	sadd.s32 $0xFFFFFEF7, lr;
	s5 =	simm.s32 $0xFFFFFFFF;
	p2 =	slt.u32 s8, $0xFFFFF086  }
0x1c: {  	p1 =	slt.u32 s9, $0xF7A;
	s5 =	simm.s32 @!p2 $0x0  }
0x1d: {  	s5 =	simm.s32 @p1 $0x1;
	p0 =	seq.s32 s7, s2  }
0x1e: {  	s7 =	smul.u32 @!p0 $0xF7A, s2;
	p2 =	seq.s32 @!p0 s5, $0x0  }
0x1f: {  	s9 =	smul.u32 $0xF7A, s1;
	s8 =	simm.s32 @!p0 $0x1BF5;
	p2 =	por !p2, p0  }
0x20: {  	[sflag:s8] =	ssyncset.s32 @!p0 $0xFFFFF086;
	s6 =	sadd.s32 @!p0 s3, s7;
	s7 =	simm.s32 @!p0 $0x108  }
0x21: {  	s3 =	sadd.s32 s3, s9;
	s6 =	sadd.s32 @!p0 $0x88, s6;
	s7 =	simm.s32 @p2 $0x1082  }
0x22: {  	[simem:s7], [sflag:s8] =	dma.local @!p0 [hbm:s6], $0xF7A  }
0x23: {  	s9 =	sor.u32 $0xD0000000, s2;
	s6 =	simm.s32 $0x108;
	_ =	swait.ge @!p0 [sflag:s8], $0x0  }
0x24: {  	s3 =	sadd.s32 $0x88, s3;
	s6 =	simm.s32 @!p1 $0x1082;
	[sflag:s4] =	ssyncset.s32 $0xFFFFF086  }
0x25: {  	[simem:s6], [sflag:s4] =	dma.local [hbm:s3], $0xF7A  }
0x26: {  	[smem:$0x3F9E] =	sst s1;
	(tag) =	ssettag s2;
	_ =	strace s9  }
0x27: {  	s1 =	sld [smem:$0x3FAE]  }
0x28: {  	s2 =	sld [smem:$0x3FAF]  }
0x29: {  	s4 =	sld [smem:$0x3FB1]  }
0x2a: {  	p0 =	seq.s32 s5, $0x0;
	s5 =	sld [smem:$0x3FB2]  }
0x2b: {  	s6 =	sld [smem:$0x3FB3]  }
0x2c: {  	s7 =	sld [smem:$0x3FB4]  }
0x2d: {  	s3 =	simm.s32 $0x108;
	s8 =	sld [smem:$0x3FB5]  }
0x2e: {  	s3 =	simm.s32 @!p0 $0x1082;
	s9 =	sld [smem:$0x3FB6]  }
0x2f: {  	lr =	sadd.s32 s0, s3;
	s0 =	sld [smem:$0x3FAD]  }
0x30: {  	s3 =	sld [smem:$0x3FB0]  }
0x31: {  	[smem:$0x3FB9] =	sst s10  }
0x32: {  	s10 =	sld [smem:$0x3FB7];
	_ =	sdelay $0x3  }
0x33: {  	p0 =	seq.s32 s10, $0x1;
	s10 =	sld [smem:$0x3FB9];
	_ =	sdelay $0x3  }
0x34: {  	[smem:$0x3FB9] =	sst s10  }
0x35: {  	s10 =	sld [smem:$0x3FB8];
	_ =	sdelay $0x3  }
0x36: {  	p1 =	seq.s32 s10, $0x1;
	s10 =	sld [smem:$0x3FB9];
	_ =	sdelay $0x3  }
0x37: {  	[smem:$0x3FB9] =	sst s10  }
0x38: {  	s10 =	sld [smem:$0x3FBA]  }
0x39: {  	_ = 	snop;
	(pc) =	sbr.ind lr, $3  }
0x3a: {  	_ = 	snop  }
0x3b: {  	_ = 	snop  }
0x3c: {  	p2 =	seq.s32 s10, $0x1;
	s10 =	sld [smem:$0x3FB9]  }
0x3d: {  	_ =	shalt  }
0x3e: {  	_ =	shalt  }
0x3f: {  	_ =	shalt  }
0x40: {  	_ =	shalt  }
0x41: {  	_ =	shalt  }
0x42: {  	_ =	shalt  }
0x43: {  	_ =	shalt  }
0x44: {  	_ =	shalt  }
0x45: {  	_ =	shalt  }
0x46: {  	_ =	shalt  }
0x47: {  	_ =	shalt  }
0x48: {  	_ =	shalt  }
0x49: {  	_ =	shalt  }
0x4a: {  	_ =	shalt  }
0x4b: {  	_ =	shalt  }
0x4c: {  	_ =	shalt  }
0x4d: {  	_ =	shalt  }
0x4e: {  	_ =	shalt  }
0x4f: {  	_ =	shalt  }
0x50: {  	_ =	shalt  }
0x51: {  	_ =	shalt  }
0x52: {  	_ =	shalt  }
0x53: {  	_ =	shalt  }
0x54: {  	_ =	shalt  }
0x55: {  	_ =	shalt  }
0x56: {  	_ =	shalt  }
0x57: {  	_ =	shalt  }
0x58: {  	_ =	shalt  }
0x59: {  	_ =	shalt  }
0x5a: {  	_ =	shalt  }
0x5b: {  	_ =	shalt  }
0x5c: {  	_ =	shalt  }
0x5d: {  	_ =	shalt  }
0x5e: {  	_ =	shalt  }
0x5f: {  	_ =	shalt  }
0x60: {  	_ =	shalt  }
0x61: {  	_ =	shalt  }
0x62: {  	_ =	shalt  }
0x63: {  	_ =	shalt  }
0x64: {  	_ =	shalt  }
0x65: {  	_ =	shalt  }
0x66: {  	_ =	shalt  }
0x67: {  	_ =	shalt  }
0x68: {  	_ =	shalt  }
0x69: {  	_ =	shalt  }
0x6a: {  	_ =	shalt  }
0x6b: {  	_ =	shalt  }
0x6c: {  	_ =	shalt  }
0x6d: {  	_ =	shalt  }
0x6e: {  	_ =	shalt  }
0x6f: {  	_ =	shalt  }
0x70: {  	_ =	shalt  }
0x71: {  	_ =	shalt  }
0x72: {  	_ =	shalt  }
0x73: {  	_ =	shalt  }
0x74: {  	_ =	shalt  }
0x75: {  	_ =	shalt  }
0x76: {  	_ =	shalt  }
0x77: {  	_ =	shalt  }
0x78: {  	_ =	shalt  }
0x79: {  	_ =	shalt  }
0x7a: {  	_ =	shalt  }
0x7b: {  	_ =	shalt  }
0x7c: {  	_ =	shalt  }
0x7d: {  	_ =	shalt  }
0x7e: {  	_ =	shalt  }
0x7f: {  	_ =	shalt  }
0x80: {  	_ =	shalt  }
0x81: {  	_ =	shalt  }
0x82: {  	_ =	shalt  }
0x83: {  	_ =	shalt  }
0x84: {  	_ =	shalt  }
0x85: {  	_ =	shalt  }
0x86: {  	_ =	shalt  }
0x87: {  	_ =	shalt  }
.Lfunc_end0:
.L_simem_size_0:
called_computation_lowered:
.L_overlay_start_0:
0x88: {  	s2 =	sld [smem:$0x3FD9]  }
0x89: {  	s3 =	sld [smem:$0x3FFE];
	_ =	sdelay $0x1  }
0x8a: {  	s1 =	srdreg.scid  }
0x8b: {  	s0 =	sand.u32 $0x1, s1  }
0x8c: {  	s15 =	sshll.u32 s0, $0xA;
	s2 =	sadd.s32 s3, s2  }
0x8d: {  	s2 =	sadd.s32 s2, s15  }
0x8e: {  	[smem:$0x3FC5] =	sst s2  }
0x8f: {  	_ = 	snop  }
0x90: {  	s2 =	sld [smem:$0x3FD0];
	_ =	sdelay $0x2  }
0x91: {  	s16 =	simm.s32 $0xA;
	s4 =	simm.s32 $0x10  }
0x92: {  	[smem:s4], [sflag:s16] =	dma.local [hbm:s2], $0x1  }
0x93: {  	_ =	swait.eq [sflag:s16], $0x1  }
0x94: {  	[sflag:s16] =	ssyncset.done $0x0  }
0x95: {  	[sflag:s16] =	ssyncadd.s32 $0xFFFFFFFF  }
0x96: {  	s17 =	sld [smem:$0x16];
	(tm) =	ssettm $0x1  }
0x97: {  	s18 =	sld [smem:$0x3FFB];
	_ =	sdelay $0x3  }
0x98: {  	_ =	strace s18  }
0x99: {  	s3 =	sld [smem:$0x3FFC];
	_ =	sdelay $0x3  }
0x9a: {  	_ =	strace s3  }
0x9b: {  	s3 =	sld [smem:$0x3FFD];
	_ =	sdelay $0x3  }
0x9c: {  	_ =	strace s3  }
0x9d: {  	_ =	strace $0x8FFFFFFF  }
0x9e: {  	s19 =	sld [smem:$0x3FDB];
	_ =	sdelay $0x1  }
0x9f: {  	s20 =	simm.s32 $_scs_section_size  }
0xa0: {  	s5 =	simm.s32 $_size__tile_overlayer_lowered;
	s6 =	simm.s32 $_tile_overlayer_lowered  }
0xa1: {  	s23 =	simm.s32 $0x1BFF;
	s22 =	sshll.u32 s6, $0x1;
	s3 =	sadd.s32 s20, s19  }
0xa2: {  	s7 =	simm.s32 $0x0;
	s21 =	sshll.u32 s5, $0x1;
	s5 =	sadd.s32 s22, s3  }
0xa3: {  	[timem:s7], [sflag:s23] =	dma.local [hbm:s5], s21  }
0xa4: {  	_ =	swait.ge [sflag:s23], s21  }
0xa5: {  	s4 =	ssub.s32 $0x0, s21;
	[sflag:s23] =	ssyncset.done $0x0  }
0xa6: {  	[sflag:s23] =	ssyncadd.s32 s4;
	_ =	sdelay $0x1  }
0xa7: {  	s24 =	simm.s32 $0x1B8B  }
0xa8: {  	_ =	swait.ge [sflag:s24], $0x1  }
0xa9: {  	[sflag:s24] =	ssyncset.done $0x0  }
0xaa: {  	s25 =	simm.s32 $0x1B8E;
	[sflag:s24] =	ssyncadd.s32 $0xFFFFFFFF  }
0xab: {  	s26 =	simm.s32 $execute0_lowered;
	[smem:$0x3FD2] =	sst s25  }
0xac: {  	s4 =	sshll.u32 s26, $0x1;
	_ =	strace $0x80000046;
	[dreg:$0x1] =	wrdreg $0xFFFFFFFF  }
0xad: {  	s28 =	simm.s32 $_size_execute0_lowered;
	s3 =	sadd.s32 s3, s4;
	[dreg:$0x0] =	wrdreg $0x0  }
0xae: {  	s4 =	sshll.u32 s28, $0x1;
	[dreg:$0x2] =	wrdreg s3  }
0xaf: {  	[dreg:$0x3] =	wrdreg s4  }
0xb0: {  	[dreg:$0x4] =	wrdreg $0xC0  }
0xb1: {  	_ =	task [dreg:s7], $0x5FFFF  }
0xb2: {  	[dreg:$0x1] =	wrdreg $0xFFFFFFFF  }
0xb3: {  	[dreg:$0x0] =	wrdreg $0x60  }
0xb4: {  	[dreg:$0x2] =	wrdreg s17  }
0xb5: {  	[dreg:$0x3] =	wrdreg $0x9  }
0xb6: {  	_ =	task.clear_ibuf [dreg:s7], $0x4FFFF;
	_ =	strace $0x90000046  }
0xb7: {  	s29 =	simm.s32 $0x9;
	_ =	strace $0x80000048  }
0xb8: {  	_ =	swait.ge [sflag:s29], $0x1  }
0xb9: {  	[sflag:s29] =	ssyncadd.s32 $0xFFFFFFFF  }
0xba: {  	_ =	strace $0x90000048  }
0xbb: {  	_ =	sfence  }
0xbc: {  	s30 =	sld [smem:$0x0];
	_ =	sdelay $0x2  }
0xbd: {  	s31 =	sshll.u32 s1, $0xD;
	s1 =	sshrl.u32 s1, $0x2  }
0xbe: {  	s3 =	sand.u32 $0x4000, s31;
	s1 =	sadd.s32 s1, s30  }
0xbf: {  	s0 =	sor.u32 s3, s0;
	s1 =	sshll.u32 s1, $0x11  }
0xc0: {  	s0 =	sor.u32 s1, s0  }
0xc1: {  	s0 =	sadd.s32 $0x8F2B, s0  }
0xc2: {  	[sflag:s0] =	ssyncadd.remote.s32 $0x1  }
0xc3: {  	_ =	sfence.sel $0xFFFF  }
0xc4: {  	[dreg:$0x0] =	wrdreg $0xFFFFFFFF;
	(pc) =	sbr.abs _section_cstart, $3  }
0xc5: {  	[dreg:$0x1] =	wrdreg $0xFFFFFFFF  }
0xc6: {  	_ =	task.clear_ibuf [dreg:s7], $0x2FFFF;
	_ =	strace $0x9FFFFFFF  }
0xc7: {  	(tm) =	ssettm $0x7FFFFFFF  }
tec
execute0_lowered:
.L_overlay_start_1:
0x0: {  	(tag) =	ssettag $0x1  }
0x1: {  	s0 =	srdreg.scid  }
0x2: {  	s3 =	sand.u32 $0x1, s0  }
0x3: {  	s0 =	stileid.u32;
	s1 =	sshll.u32 s3, $0x4  }
0x4: {  	s4 =	rddreg [dreg:$0x0];
	s1 =	sor.u32 s0, s1  }
0x5: {  	s2 =	simm.s32 $0x0;
	s16 =	simm.s32 $0x1;
	s5 =	smul.u32 $0x3EA00, s1  }
0x6: {  	s17 =	simm.s32 $0x0;
	[smem:$0x7FF] =	sst s2;
	s6 =	ssub.s32 $0x2, s3  }
0x7: {  	s31 =	sshrl.u32 s6, $0x1;
	s1 =	rddreg [dreg:$0x1];
	s30 =	sshrl.u32 s5, $0x3  }
0x8: {  	_ =	strace $0x80000047;
	s15 =	ssub.s32 s6, s31;
	s3 =	sadd.s32 s4, s30  }
0x9: {  	s15 =	smax.u32 s15, $0x1;
	s4 =	sadd.s32 $0xA70, s3;
	s5 =	sadd.s32 $0x14E0, s3  }
0xa: {  	s6 =	sadd.s32 $0x1F50, s3;
	s7 =	sadd.s32 $0x29C0, s3;
	s8 =	sadd.s32 $0x3430, s3  }
0xb: {  	s9 =	sadd.s32 $0x3EA0, s3;
	s10 =	sadd.s32 $0x4910, s3;
	s11 =	sadd.s32 $0x5380, s3  }
0xc: {  	v0 =	vimm.f32 $0.0e+00;
	s12 =	sadd.s32 $0x5DF0, s3;
	s13 =	sadd.s32 $0x6860, s3;
	s14 =	sadd.s32 $0x72D0, s3  }
.LBB2_1:
0xd: {  	s18 =	simm.s32 $0x0;
	s19 =	simm.s32 $0x200  }
.LBB2_2:
0xe: {  	p0 =	sne.s32 s19, $0x14C00;
	[tilespmem:s18+$0x70] =	vst v0  }
0xf: {  	[tilespmem:s18+$0x0] =	vst v0  }
0x10: {  	[tilespmem:s18+$0x10] =	vst v0  }
.Ltmp0:
0x11: {  	[tilespmem:s18+$0x20] =	vst v0;
	(pc) =	sbr.rel @p0 .LBB2_2-.Ltmp0, $4  }
0x12: {  	[tilespmem:s18+$0x30] =	vst v0  }
0x13: {  	[tilespmem:s18+$0x40] =	vst v0  }
0x14: {  	[tilespmem:s18+$0x50] =	vst v0  }
0x15: {  	[tilespmem:s18+$0x60] =	vst v0;
	s18 =	sshra.s32 s19, $0x2;
	s19 =	sadd.s32 $0x200, s19  }
0x16: {  	[tilespmem:s18+$0x70] =	vst v0  }
0x17: {  	[tilespmem:s18+$0x0] =	vst v0  }
0x18: {  	[tilespmem:s18+$0x10] =	vst v0  }
0x19: {  	[tilespmem:s18+$0x20] =	vst v0  }
0x1a: {  	[tilespmem:s18+$0x30] =	vst v0  }
0x1b: {  	[tilespmem:s18+$0x40] =	vst v0  }
0x1c: {  	[tilespmem:s18+$0x50] =	vst v0  }
0x1d: {  	[tilespmem:s18+$0x60] =	vst v0  }
0x1e: {  	[hbm4b:s3+s2] =	stream.linear.scatter [tilespmem:s2], [sflag:$0x1], $0x5380, $0x38;
	[tilespmem:$0x5380] =	vst v63  }
0x1f: {  	_ = 	snop  }
0x20: {  	[hbm4b:s4+s2] =	stream.linear.scatter [tilespmem:s2], [sflag:$0x1], $0x5380, $0x38;
	[tilespmem:$0x5380] =	vst v63  }
0x21: {  	_ = 	snop  }
0x22: {  	[hbm4b:s5+s2] =	stream.linear.scatter [tilespmem:s2], [sflag:$0x1], $0x5380, $0x38;
	[tilespmem:$0x5380] =	vst v63  }
0x23: {  	_ = 	snop  }
0x24: {  	[hbm4b:s6+s2] =	stream.linear.scatter [tilespmem:s2], [sflag:$0x1], $0x5380, $0x38;
	[tilespmem:$0x5380] =	vst v63  }
0x25: {  	_ = 	snop  }
0x26: {  	[hbm4b:s7+s2] =	stream.linear.scatter [tilespmem:s2], [sflag:$0x1], $0x5380, $0x38;
	[tilespmem:$0x5380] =	vst v63  }
0x27: {  	_ = 	snop  }
0x28: {  	[hbm4b:s8+s2] =	stream.linear.scatter [tilespmem:s2], [sflag:$0x1], $0x5380, $0x38;
	[tilespmem:$0x5380] =	vst v63  }
0x29: {  	_ = 	snop  }
0x2a: {  	[hbm4b:s9+s2] =	stream.linear.scatter [tilespmem:s2], [sflag:$0x1], $0x5380, $0x38;
	[tilespmem:$0x5380] =	vst v63  }
0x2b: {  	_ = 	snop  }
0x2c: {  	[hbm4b:s10+s2] =	stream.linear.scatter [tilespmem:s2], [sflag:$0x1], $0x5380, $0x38;
	[tilespmem:$0x5380] =	vst v63  }
0x2d: {  	_ = 	snop  }
0x2e: {  	[hbm4b:s11+s2] =	stream.linear.scatter [tilespmem:s2], [sflag:$0x1], $0x5380, $0x38;
	[tilespmem:$0x5380] =	vst v63  }
0x2f: {  	_ = 	snop  }
0x30: {  	[hbm4b:s12+s2] =	stream.linear.scatter [tilespmem:s2], [sflag:$0x1], $0x5380, $0x38;
	[tilespmem:$0x5380] =	vst v63  }
0x31: {  	_ = 	snop  }
0x32: {  	[hbm4b:s13+s2] =	stream.linear.scatter [tilespmem:s2], [sflag:$0x1], $0x5380, $0x38;
	[tilespmem:$0x5380] =	vst v63  }
0x33: {  	_ = 	snop  }
0x34: {  	[hbm4b:s14+s2] =	stream.linear.scatter [tilespmem:s2], [sflag:$0x1], $0x5380, $0x38;
	[tilespmem:$0x5380] =	vst v63  }
0x35: {  	_ =	swait.ge [sflag:s16], $0x5380  }
0x36: {  	[sflag:s16] =	ssyncset.done $0x0  }
0x37: {  	[sflag:s16] =	ssyncadd.s32 $0xFFFFAC80  }
0x38: {  	_ =	swait.ge [sflag:s16], $0x5380  }
0x39: {  	[sflag:s16] =	ssyncset.done $0x0  }
0x3a: {  	[sflag:s16] =	ssyncadd.s32 $0xFFFFAC80  }
0x3b: {  	_ =	swait.ge [sflag:s16], $0x5380  }
0x3c: {  	[sflag:s16] =	ssyncset.done $0x0  }
0x3d: {  	[sflag:s16] =	ssyncadd.s32 $0xFFFFAC80  }
0x3e: {  	_ =	swait.ge [sflag:s16], $0x5380  }
0x3f: {  	[sflag:s16] =	ssyncset.done $0x0  }
0x40: {  	[sflag:s16] =	ssyncadd.s32 $0xFFFFAC80  }
0x41: {  	_ =	swait.ge [sflag:s16], $0x5380  }
0x42: {  	[sflag:s16] =	ssyncset.done $0x0  }
0x43: {  	[sflag:s16] =	ssyncadd.s32 $0xFFFFAC80  }
0x44: {  	_ =	swait.ge [sflag:s16], $0x5380  }
0x45: {  	[sflag:s16] =	ssyncset.done $0x0  }
0x46: {  	[sflag:s16] =	ssyncadd.s32 $0xFFFFAC80  }
0x47: {  	_ =	swait.ge [sflag:s16], $0x5380  }
0x48: {  	[sflag:s16] =	ssyncset.done $0x0  }
0x49: {  	[sflag:s16] =	ssyncadd.s32 $0xFFFFAC80  }
0x4a: {  	_ =	swait.ge [sflag:s16], $0x5380  }
0x4b: {  	[sflag:s16] =	ssyncset.done $0x0  }
0x4c: {  	[sflag:s16] =	ssyncadd.s32 $0xFFFFAC80  }
0x4d: {  	_ =	swait.ge [sflag:s16], $0x5380  }
0x4e: {  	[sflag:s16] =	ssyncset.done $0x0  }
0x4f: {  	[sflag:s16] =	ssyncadd.s32 $0xFFFFAC80  }
0x50: {  	_ =	swait.ge [sflag:s16], $0x5380  }
0x51: {  	[sflag:s16] =	ssyncset.done $0x0  }
0x52: {  	s17 =	sadd.s32 $0x1, s17;
	[sflag:s16] =	ssyncadd.s32 $0xFFFFAC80  }
0x53: {  	p0 =	sne.s32 s17, s15;
	_ =	swait.ge [sflag:s16], $0x5380  }
.Ltmp1:
0x54: {  	[sflag:s16] =	ssyncset.done $0x0;
	(pc) =	sbr.rel @p0 .LBB2_1-.Ltmp1, $4  }
0x55: {  	[sflag:s16] =	ssyncadd.s32 $0xFFFFAC80  }
0x56: {  	_ =	swait.ge [sflag:s16], $0x5380  }
0x57: {  	[sflag:s16] =	ssyncset.done $0x0  }
0x58: {  	[sflag:s16] =	ssyncadd.s32 $0xFFFFAC80  }
0x59: {  	_ =	sfence.sel $0x180000  }
0x5a: {  	[bflag:$0x0] =	sbarrier.arrive $0xFFFF  }
0x5b: {  	p0 =	sne.s32 s0, $0x0;
	_ =	strace $0x90000047  }
0x5c: {  	s0 =	sadd.s32 @!p0 $0x100000, s1;
	[bflag:$0x2] =	sbarrier.arrive $0xFFFF  }
0x5d: {  	[sflag:s0] =	ssyncadd.tile.s32 @!p0 $0x1;
	_ =	shalt  }
.Lfunc_end2:
_tile_overlayer_lowered:
.L_overlay_start_2:
0x5e: {  	(tag) =	ssettag $0x2  }
0x5f: {  	s0 =	rddreg [dreg:$0x0];
	s2 =	stileid.u32  }
0x60: {  	s1 =	rddreg [dreg:$0x1];
	p0 =	sne.s32 s2, $0x0  }
0x61: {  	s3 =	rddreg [dreg:$0x2];
	[bflag:$0x3] =	sbarrier.arrive $0xFFFF;
	s2 =	simm.s32 @!p0 $0x1C02  }
0x62: {  	[timem:s3], [sflag:s2] =	dma.local @!p0 [hbm:s0], s1  }
0x63: {  	s0 =	simm.s32 @!p0 $0x2  }
0x64: {  	_ =	swait.ge @!p0 [sflag:s0], s1  }
0x65: {  	s1 =	ssub.s32 @!p0 $0x0, s1;
	[sflag:s0] =	ssyncset.done @!p0 $0x0  }
0x66: {  	[sflag:s0] =	ssyncadd.s32 @!p0 s1  }
0x67: {  	[bflag:$0x3] =	sbarrier.arrive $0xFFFF  }
0x68: {  	_ =	shalt  }

</sc_bundles>
